<compile_context>
chip_gen: v7x
topology: tpu7x:2x2x1
jax: 0.10.2.dev20260603
libtpu: 0.0.44.dev20260713+nightly
codegen_flags: <defaults>
</compile_context>

<pallas_src>
import functools

import jax
import jax.numpy as jnp
from jax import lax
from jax.experimental import pallas as pl
from jax.experimental.pallas import tpu as pltpu
from jax.experimental.pallas import tpu_sc as plsc

DIM = 64
LIST_LEN = 200
NUM_LISTS = 7
LANES = 16
IDS_PER_WORKER = 50
NUM_GATHER_WORKERS = 28
NBUF = 10


def _sc_gather(id_lists, tt):
    mesh = plsc.VectorSubcoreMesh(
        core_axis_name="c", subcore_axis_name="s",
        num_cores=2, num_subcores=16)

    @functools.partial(
        pl.kernel,
        mesh=mesh,
        out_type=jax.ShapeDtypeStruct((NUM_GATHER_WORKERS, 1, DIM),
                                      jnp.float32),
        compiler_params=pltpu.CompilerParams(needs_layout_passes=False),
        scratch_types=[
            pltpu.VMEM((LIST_LEN,), jnp.int32),
            *[pltpu.VMEM((DIM, 128), jnp.float32) for _ in range(NBUF)],
            pltpu.VMEM((1, DIM), jnp.float32),
            *[pltpu.SemaphoreType.DMA for _ in range(NBUF)],
        ],
    )
    def enc(l0, l1, l2, l3, l4, l5, l6, tt_hbm, out_hbm, idx_v, *rest):
        bufs = list(rest[:NBUF])
        outv = rest[NBUF]
        sems = list(rest[NBUF + 1:])
        wid = lax.axis_index("s") * 2 + lax.axis_index("c")

        @pl.when(wid < NUM_GATHER_WORKERS)
        def _lists():
            lst = wid // 4
            q = wid % 4
            for i, ref in enumerate((l0, l1, l2, l3, l4, l5, l6)):
                @pl.when(lst == i)
                def _(ref=ref):
                    pltpu.sync_copy(ref, idx_v)

            iota = lax.iota(jnp.int32, LANES)
            base = q * IDS_PER_WORKER
            ivs = []
            for g in range(4):
                gidx = iota + (base + LANES * g)
                if g == 3:
                    gidx = jnp.minimum(gidx, LIST_LEN - 1)
                ivs.append(plsc.load_gather(idx_v, [gidx]))

            cps = [None] * IDS_PER_WORKER
            lanes = [None] * IDS_PER_WORKER

            def fire(k, slot):
                r = ivs[k // LANES][k % LANES]
                jt = pl.multiple_of((r >> 7) << 7, 128)
                lanes[k] = r & 127
                cps[k] = pltpu.async_copy(
                    tt_hbm.at[:, pl.ds(jt, 128)], bufs[slot], sems[slot])

            for k in range(NBUF):
                fire(k, k)
            z = jnp.zeros((LANES,), jnp.float32)
            accs = [z, z, z, z]
            iotas = [iota + LANES * c for c in range(4)]
            for k in range(IDS_PER_WORKER):
                slot = k % NBUF
                cps[k].wait()
                colidx = jnp.full((LANES,), lanes[k], jnp.int32)
                for c in range(4):
                    rows = plsc.load_gather(bufs[slot], [iotas[c], colidx])
                    accs[c] = accs[c] + rows
                if k + NBUF < IDS_PER_WORKER:
                    fire(k + NBUF, slot)
            for c in range(4):
                outv[0, pl.ds(LANES * c, LANES)] = accs[c]
            pltpu.sync_copy(outv, out_hbm.at[NUM_LISTS * q + lst])

    return enc(*id_lists, tt)


def _tc_combine_body(svec_ref, x_ref, w1p_ref, w2t_ref, b2_ref, o_ref):
    scale = jnp.float32(1.0 / LIST_LEN)
    sums = (x_ref[pl.ds(0, NUM_LISTS), 0, :]
            + x_ref[pl.ds(NUM_LISTS, NUM_LISTS), 0, :]
            + x_ref[pl.ds(2 * NUM_LISTS, NUM_LISTS), 0, :]
            + x_ref[pl.ds(3 * NUM_LISTS, NUM_LISTS), 0, :]) * scale
    o_ref[pl.ds(0, NUM_LISTS), :] = sums
    s = jnp.stack([svec_ref[k] for k in range(8)])[None, :]
    h = jnp.maximum(
        jnp.dot(s, w1p_ref[...], precision=lax.Precision.HIGHEST), 0.0)
    out = jnp.dot(h, w2t_ref[...], precision=lax.Precision.HIGHEST)
    o_ref[pl.ds(NUM_LISTS, 1), :] = out + b2_ref[...][None, :]


def _tc_combine(svec, partials, w1p, w2t, b2):
    return pl.pallas_call(
        _tc_combine_body,
        in_specs=[
            pl.BlockSpec(memory_space=pltpu.SMEM),
            pl.BlockSpec(memory_space=pltpu.VMEM),
            pl.BlockSpec(memory_space=pltpu.VMEM),
            pl.BlockSpec(memory_space=pltpu.VMEM),
            pl.BlockSpec(memory_space=pltpu.VMEM),
        ],
        out_shape=jax.ShapeDtypeStruct((NUM_LISTS + 1, DIM), jnp.float32),
    )(svec, partials, w1p, w2t, b2)


def kernel(self_main_ids, self_field_ids, self_graveyard_ids, self_banish_ids,
           opp_fields_ids, opp_graveyard_ids, opp_banish_ids,
           self_banish_verso, opp_banish_verso, opp_fields_verso_card,
           phase_id, lp, adv_lp, opp_main,
           table, W1, b1, W2, b2):
    id_lists = [self_main_ids.astype(jnp.int32),
                self_field_ids.astype(jnp.int32),
                opp_fields_ids.astype(jnp.int32),
                self_graveyard_ids.astype(jnp.int32),
                self_banish_ids.astype(jnp.int32),
                opp_graveyard_ids.astype(jnp.int32),
                opp_banish_ids.astype(jnp.int32)]
    svec = jnp.stack([phase_id, opp_main, lp, adv_lp,
                      opp_fields_verso_card, self_banish_verso,
                      opp_banish_verso, 1]).astype(jnp.float32)
    w1p = jnp.concatenate([W1.T, b1[None, :]], axis=0)
    w2t = W2.T

    partials = _sc_gather(id_lists, table.T)
    out = _tc_combine(svec, partials, w1p, w2t, b2)
    return out.reshape(NUM_LISTS * DIM + DIM)

# --- scband reference (transcript-rebuilt; emitter-appended) ---
"""Pipeline reference for scband-game-state-encoder-39539468927427 (READ-ONLY COPY).

The authoritative reference and input builder live on the scoring server;
editing this copy changes nothing except your own understanding.
"""

import jax, jax.numpy as jnp
import numpy as np

VOCAB = 1000000
DIM = 64
LIST_LEN = 200


def setup_inputs(seed: int = 0) -> dict:
    key = jax.random.key(seed)
    ks = jax.random.split(key, 12)

    def ids(k):
        return jax.random.randint(k, (LIST_LEN,), 0, VOCAB)

    inp = {
        "self_main_ids": ids(ks[0]),
        "self_field_ids": ids(ks[1]),
        "self_graveyard_ids": ids(ks[2]),
        "self_banish_ids": ids(ks[3]),
        "opp_fields_ids": ids(ks[4]),
        "opp_graveyard_ids": ids(ks[5]),
        "opp_banish_ids": ids(ks[6]),
        "self_banish_verso": 2,
        "opp_banish_verso": 1,
        "opp_fields_verso_card": 1,
        "phase_id": 3,
        "lp": 8000,
        "adv_lp": 6500,
        "opp_main": 34,
        # learned parameters
        "table": jax.random.normal(ks[7], (VOCAB, DIM), dtype=jnp.float32) * 0.02,
        "W1": jax.random.normal(ks[8], (32, 7), dtype=jnp.float32) * (1.0 / np.sqrt(7.0)),
        "b1": jnp.zeros((32,), dtype=jnp.float32),
        "W2": jax.random.normal(ks[9], (DIM, 32), dtype=jnp.float32) * (1.0 / np.sqrt(32.0)),
        "b2": jnp.zeros((DIM,), dtype=jnp.float32),
    }
    return inp


def reference(self_main_ids, self_field_ids, self_graveyard_ids, self_banish_ids,
              opp_fields_ids, opp_graveyard_ids, opp_banish_ids,
              self_banish_verso, opp_banish_verso, opp_fields_verso_card,
              phase_id, lp, adv_lp, opp_main,
              table, W1, b1, W2, b2):
    def emb_mean(ids_):
        if ids_.size > 0:
            return jnp.take(table, ids_, axis=0).mean(axis=0)
        return jnp.zeros((DIM,), dtype=jnp.float32)

    list_ids = [self_main_ids, self_field_ids, opp_fields_ids,
                self_graveyard_ids, self_banish_ids,
                opp_graveyard_ids, opp_banish_ids]
    vecs = [emb_mean(l) for l in list_ids]

    scalar_input = jnp.array([phase_id, opp_main, lp, adv_lp,
                              opp_fields_verso_card, self_banish_verso,
                              opp_banish_verso], dtype=jnp.float32)
    h = jnp.maximum(scalar_input @ W1.T + b1, 0.0)
    vecs.append(h @ W2.T + b2)

    return jnp.concatenate(vecs, axis=0)

if __name__ == "__main__":
    import jax
    _d = setup_inputs()
    print(jax.jit(kernel)(*tuple(_d.values())))

</pallas_src>

<mosaic_0001>
#map = affine_map<(d0, d1) -> (0)>
#map1 = affine_map<(d0, d1) -> (0, 0)>
#map2 = affine_map<(d0, d1) -> (0, 0, 0)>
module attributes {stable_mosaic.version = 14 : i64} {
  func.func @enc(%arg0: i32, %arg1: i32, %arg2: memref<200xi32, #tpu.memory_space<hbm>>, %arg3: memref<200xi32, #tpu.memory_space<hbm>>, %arg4: memref<200xi32, #tpu.memory_space<hbm>>, %arg5: memref<200xi32, #tpu.memory_space<hbm>>, %arg6: memref<200xi32, #tpu.memory_space<hbm>>, %arg7: memref<200xi32, #tpu.memory_space<hbm>>, %arg8: memref<200xi32, #tpu.memory_space<hbm>>, %arg9: memref<64x1000000xf32, #tpu.memory_space<hbm>>, %arg10: memref<28x1x64xf32, #tpu.memory_space<hbm>>, %arg11: memref<200xi32, #tpu.memory_space<vmem>>, %arg12: memref<64x128xf32, #tpu.memory_space<vmem>>, %arg13: memref<64x128xf32, #tpu.memory_space<vmem>>, %arg14: memref<64x128xf32, #tpu.memory_space<vmem>>, %arg15: memref<64x128xf32, #tpu.memory_space<vmem>>, %arg16: memref<64x128xf32, #tpu.memory_space<vmem>>, %arg17: memref<64x128xf32, #tpu.memory_space<vmem>>, %arg18: memref<64x128xf32, #tpu.memory_space<vmem>>, %arg19: memref<64x128xf32, #tpu.memory_space<vmem>>, %arg20: memref<64x128xf32, #tpu.memory_space<vmem>>, %arg21: memref<64x128xf32, #tpu.memory_space<vmem>>, %arg22: memref<1x64xf32, #tpu.memory_space<vmem>>, %arg23: memref<!tpu.dma_semaphore, #tpu.memory_space<semaphore_mem>>, %arg24: memref<!tpu.dma_semaphore, #tpu.memory_space<semaphore_mem>>, %arg25: memref<!tpu.dma_semaphore, #tpu.memory_space<semaphore_mem>>, %arg26: memref<!tpu.dma_semaphore, #tpu.memory_space<semaphore_mem>>, %arg27: memref<!tpu.dma_semaphore, #tpu.memory_space<semaphore_mem>>, %arg28: memref<!tpu.dma_semaphore, #tpu.memory_space<semaphore_mem>>, %arg29: memref<!tpu.dma_semaphore, #tpu.memory_space<semaphore_mem>>, %arg30: memref<!tpu.dma_semaphore, #tpu.memory_space<semaphore_mem>>, %arg31: memref<!tpu.dma_semaphore, #tpu.memory_space<semaphore_mem>>, %arg32: memref<!tpu.dma_semaphore, #tpu.memory_space<semaphore_mem>>) attributes {dimension_semantics = [#tpu.dimension_semantics<core_parallel>, #tpu.dimension_semantics<subcore_parallel>], iteration_bounds = array<i64: 2, 16>, scalar_prefetch = 0 : i64, scratch_operands = 22 : i64, tpu.core_type = #tpu.core_type<sc_vector_subcore>, window_params = [{transform_indices = #map}, {transform_indices = #map}, {transform_indices = #map}, {transform_indices = #map}, {transform_indices = #map}, {transform_indices = #map}, {transform_indices = #map}, {transform_indices = #map1}, {transform_indices = #map2}]} {
    %mul3A = arith.constant 2 : i32
    %mul3A_0 = arith.muli %arg1, %mul3A : i32
    %add3A = arith.addi %mul3A_0, %arg0 : i32
    %lt3A = arith.constant 28 : i32
    %lt3A_1 = arith.cmpi slt, %add3A, %lt3A : i32
    %convert_element_type3A = arith.extui %lt3A_1 : i1 to i32
    %cond3A = arith.constant 0 : i32
    %cond3A_2 = arith.cmpi ne, %convert_element_type3A, %cond3A : i32
    scf.if %cond3A_2 {
      %jit3A = arith.constant 4 : i32
      %div3A = arith.divsi %add3A, %jit3A : i32
      %sign3A = arith.constant 0 : i32
      %sign3A_3 = arith.cmpi sgt, %add3A, %sign3A : i32
      %sign3A_4 = arith.extui %sign3A_3 : i1 to i32
      %sign3A_5 = arith.constant 0 : i32
      %sign3A_6 = arith.cmpi slt, %add3A, %sign3A_5 : i32
      %sign3A_7 = arith.extui %sign3A_6 : i1 to i32
      %sign3A_8 = arith.subi %sign3A_4, %sign3A_7 : i32
      %sign3A_9 = arith.constant 0 : i32
      %sign3A_10 = arith.cmpi sgt, %jit3A, %sign3A_9 : i32
      %sign3A_11 = arith.extui %sign3A_10 : i1 to i32
      %sign3A_12 = arith.constant 0 : i32
      %sign3A_13 = arith.cmpi slt, %jit3A, %sign3A_12 : i32
      %sign3A_14 = arith.extui %sign3A_13 : i1 to i32
      %sign3A_15 = arith.subi %sign3A_11, %sign3A_14 : i32
      %ne3A = arith.cmpi ne, %sign3A_8, %sign3A_15 : i32
      %rem3A = arith.remsi %add3A, %jit3A : i32
      %ne3A_16 = arith.constant 0 : i32
      %ne3A_17 = arith.cmpi ne, %rem3A, %ne3A_16 : i32
      %and3A = arith.andi %ne3A, %ne3A_17 : i1
      %sub3A = arith.constant 1 : i32
      %sub3A_18 = arith.subi %div3A, %sub3A : i32
      %select_n3A = arith.select %and3A, %sub3A_18, %div3A : i32
      %jit3A_19 = arith.constant 4 : i32
      %eq3A = arith.constant 0 : i32
      %eq3A_20 = arith.cmpi eq, %jit3A_19, %eq3A : i32
      %jit3A_21 = arith.constant 1 : i32
      %select_n3A_22 = arith.select %eq3A_20, %jit3A_21, %jit3A_19 : i32
      %rem3A_23 = arith.remsi %add3A, %select_n3A_22 : i32
      %ne3A_24 = arith.constant 0 : i32
      %ne3A_25 = arith.cmpi ne, %rem3A_23, %ne3A_24 : i32
      %lt3A_26 = arith.constant 0 : i32
      %lt3A_27 = arith.cmpi slt, %rem3A_23, %lt3A_26 : i32
      %lt3A_28 = arith.constant 0 : i32
      %lt3A_29 = arith.cmpi slt, %select_n3A_22, %lt3A_28 : i32
      %ne3A_30 = arith.xori %lt3A_27, %lt3A_29 : i1
      %and3A_31 = arith.andi %ne3A_30, %ne3A_25 : i1
      %add3A_32 = arith.addi %rem3A_23, %select_n3A_22 : i32
      %select_n3A_33 = arith.select %and3A_31, %add3A_32, %rem3A_23 : i32
      %eq3A_34 = arith.constant 0 : i32
      %eq3A_35 = arith.cmpi eq, %select_n3A, %eq3A_34 : i32
      %convert_element_type3A_36 = arith.extui %eq3A_35 : i1 to i32
      %cond3A_37 = arith.constant 0 : i32
      %cond3A_38 = arith.cmpi ne, %convert_element_type3A_36, %cond3A_37 : i32
      scf.if %cond3A_38 {
        "tpu.region"() ({
          %run_scoped3A = tpu.sem_alloc : memref<!tpu.dma_semaphore, #tpu.memory_space<semaphore_mem>>
          tpu.enqueue_dma source(%arg2 : memref<200xi32, #tpu.memory_space<hbm>>) target(%arg11 : memref<200xi32, #tpu.memory_space<vmem>>) target_semaphore(%run_scoped3A : memref<!tpu.dma_semaphore, #tpu.memory_space<semaphore_mem>>)
          tpu.wait_dma2 semaphore(%run_scoped3A : memref<!tpu.dma_semaphore, #tpu.memory_space<semaphore_mem>>) src(%arg2 : memref<200xi32, #tpu.memory_space<hbm>>) dst(%arg11 : memref<200xi32, #tpu.memory_space<vmem>>)
          tpu.yield
        }) : () -> ()
      } else {
      }
      %eq3A_39 = arith.constant 1 : i32
      %eq3A_40 = arith.cmpi eq, %select_n3A, %eq3A_39 : i32
      %convert_element_type3A_41 = arith.extui %eq3A_40 : i1 to i32
      %cond3A_42 = arith.constant 0 : i32
      %cond3A_43 = arith.cmpi ne, %convert_element_type3A_41, %cond3A_42 : i32
      scf.if %cond3A_43 {
        "tpu.region"() ({
          %run_scoped3A = tpu.sem_alloc : memref<!tpu.dma_semaphore, #tpu.memory_space<semaphore_mem>>
          tpu.enqueue_dma source(%arg3 : memref<200xi32, #tpu.memory_space<hbm>>) target(%arg11 : memref<200xi32, #tpu.memory_space<vmem>>) target_semaphore(%run_scoped3A : memref<!tpu.dma_semaphore, #tpu.memory_space<semaphore_mem>>)
          tpu.wait_dma2 semaphore(%run_scoped3A : memref<!tpu.dma_semaphore, #tpu.memory_space<semaphore_mem>>) src(%arg3 : memref<200xi32, #tpu.memory_space<hbm>>) dst(%arg11 : memref<200xi32, #tpu.memory_space<vmem>>)
          tpu.yield
        }) : () -> ()
      } else {
      }
      %eq3A_44 = arith.constant 2 : i32
      %eq3A_45 = arith.cmpi eq, %select_n3A, %eq3A_44 : i32
      %convert_element_type3A_46 = arith.extui %eq3A_45 : i1 to i32
      %cond3A_47 = arith.constant 0 : i32
      %cond3A_48 = arith.cmpi ne, %convert_element_type3A_46, %cond3A_47 : i32
      scf.if %cond3A_48 {
        "tpu.region"() ({
          %run_scoped3A = tpu.sem_alloc : memref<!tpu.dma_semaphore, #tpu.memory_space<semaphore_mem>>
          tpu.enqueue_dma source(%arg4 : memref<200xi32, #tpu.memory_space<hbm>>) target(%arg11 : memref<200xi32, #tpu.memory_space<vmem>>) target_semaphore(%run_scoped3A : memref<!tpu.dma_semaphore, #tpu.memory_space<semaphore_mem>>)
          tpu.wait_dma2 semaphore(%run_scoped3A : memref<!tpu.dma_semaphore, #tpu.memory_space<semaphore_mem>>) src(%arg4 : memref<200xi32, #tpu.memory_space<hbm>>) dst(%arg11 : memref<200xi32, #tpu.memory_space<vmem>>)
          tpu.yield
        }) : () -> ()
      } else {
      }
      %eq3A_49 = arith.constant 3 : i32
      %eq3A_50 = arith.cmpi eq, %select_n3A, %eq3A_49 : i32
      %convert_element_type3A_51 = arith.extui %eq3A_50 : i1 to i32
      %cond3A_52 = arith.constant 0 : i32
      %cond3A_53 = arith.cmpi ne, %convert_element_type3A_51, %cond3A_52 : i32
      scf.if %cond3A_53 {
        "tpu.region"() ({
          %run_scoped3A = tpu.sem_alloc : memref<!tpu.dma_semaphore, #tpu.memory_space<semaphore_mem>>
          tpu.enqueue_dma source(%arg5 : memref<200xi32, #tpu.memory_space<hbm>>) target(%arg11 : memref<200xi32, #tpu.memory_space<vmem>>) target_semaphore(%run_scoped3A : memref<!tpu.dma_semaphore, #tpu.memory_space<semaphore_mem>>)
          tpu.wait_dma2 semaphore(%run_scoped3A : memref<!tpu.dma_semaphore, #tpu.memory_space<semaphore_mem>>) src(%arg5 : memref<200xi32, #tpu.memory_space<hbm>>) dst(%arg11 : memref<200xi32, #tpu.memory_space<vmem>>)
          tpu.yield
        }) : () -> ()
      } else {
      }
      %eq3A_54 = arith.constant 4 : i32
      %eq3A_55 = arith.cmpi eq, %select_n3A, %eq3A_54 : i32
      %convert_element_type3A_56 = arith.extui %eq3A_55 : i1 to i32
      %cond3A_57 = arith.constant 0 : i32
      %cond3A_58 = arith.cmpi ne, %convert_element_type3A_56, %cond3A_57 : i32
      scf.if %cond3A_58 {
        "tpu.region"() ({
          %run_scoped3A = tpu.sem_alloc : memref<!tpu.dma_semaphore, #tpu.memory_space<semaphore_mem>>
          tpu.enqueue_dma source(%arg6 : memref<200xi32, #tpu.memory_space<hbm>>) target(%arg11 : memref<200xi32, #tpu.memory_space<vmem>>) target_semaphore(%run_scoped3A : memref<!tpu.dma_semaphore, #tpu.memory_space<semaphore_mem>>)
          tpu.wait_dma2 semaphore(%run_scoped3A : memref<!tpu.dma_semaphore, #tpu.memory_space<semaphore_mem>>) src(%arg6 : memref<200xi32, #tpu.memory_space<hbm>>) dst(%arg11 : memref<200xi32, #tpu.memory_space<vmem>>)
          tpu.yield
        }) : () -> ()
      } else {
      }
      %eq3A_59 = arith.constant 5 : i32
      %eq3A_60 = arith.cmpi eq, %select_n3A, %eq3A_59 : i32
      %convert_element_type3A_61 = arith.extui %eq3A_60 : i1 to i32
      %cond3A_62 = arith.constant 0 : i32
      %cond3A_63 = arith.cmpi ne, %convert_element_type3A_61, %cond3A_62 : i32
      scf.if %cond3A_63 {
        "tpu.region"() ({
          %run_scoped3A = tpu.sem_alloc : memref<!tpu.dma_semaphore, #tpu.memory_space<semaphore_mem>>
          tpu.enqueue_dma source(%arg7 : memref<200xi32, #tpu.memory_space<hbm>>) target(%arg11 : memref<200xi32, #tpu.memory_space<vmem>>) target_semaphore(%run_scoped3A : memref<!tpu.dma_semaphore, #tpu.memory_space<semaphore_mem>>)
          tpu.wait_dma2 semaphore(%run_scoped3A : memref<!tpu.dma_semaphore, #tpu.memory_space<semaphore_mem>>) src(%arg7 : memref<200xi32, #tpu.memory_space<hbm>>) dst(%arg11 : memref<200xi32, #tpu.memory_space<vmem>>)
          tpu.yield
        }) : () -> ()
      } else {
      }
      %eq3A_64 = arith.constant 6 : i32
      %eq3A_65 = arith.cmpi eq, %select_n3A, %eq3A_64 : i32
      %convert_element_type3A_66 = arith.extui %eq3A_65 : i1 to i32
      %cond3A_67 = arith.constant 0 : i32
      %cond3A_68 = arith.cmpi ne, %convert_element_type3A_66, %cond3A_67 : i32
      scf.if %cond3A_68 {
        "tpu.region"() ({
          %run_scoped3A = tpu.sem_alloc : memref<!tpu.dma_semaphore, #tpu.memory_space<semaphore_mem>>
          tpu.enqueue_dma source(%arg8 : memref<200xi32, #tpu.memory_space<hbm>>) target(%arg11 : memref<200xi32, #tpu.memory_space<vmem>>) target_semaphore(%run_scoped3A : memref<!tpu.dma_semaphore, #tpu.memory_space<semaphore_mem>>)
          tpu.wait_dma2 semaphore(%run_scoped3A : memref<!tpu.dma_semaphore, #tpu.memory_space<semaphore_mem>>) src(%arg8 : memref<200xi32, #tpu.memory_space<hbm>>) dst(%arg11 : memref<200xi32, #tpu.memory_space<vmem>>)
          tpu.yield
        }) : () -> ()
      } else {
      }
      %iota3A = tpu.iota {dimensions = array<i32: 0>} : vector<16xi32>
      %mul3A_69 = arith.constant 50 : i32
      %mul3A_70 = arith.muli %select_n3A_33, %mul3A_69 : i32
      %add3A_71 = arith.constant 0 : i32
      %add3A_72 = arith.addi %mul3A_70, %add3A_71 : i32
      %add3A_73 = vector.broadcast %add3A_72 : i32 to vector<16xi32>
      %add3A_74 = arith.addi %iota3A, %add3A_73 : vector<16xi32>
      %gather3A = tpu.vector_load_idx %arg11[%add3A_74] : memref<200xi32, #tpu.memory_space<vmem>>[vector<16xi32>], vector<16xi32>,
      %add3A_75 = arith.constant 16 : i32
      %add3A_76 = arith.addi %mul3A_70, %add3A_75 : i32
      %add3A_77 = vector.broadcast %add3A_76 : i32 to vector<16xi32>
      %add3A_78 = arith.addi %iota3A, %add3A_77 : vector<16xi32>
      %gather3A_79 = tpu.vector_load_idx %arg11[%add3A_78] : memref<200xi32, #tpu.memory_space<vmem>>[vector<16xi32>], vector<16xi32>,
      %add3A_80 = arith.constant 32 : i32
      %add3A_81 = arith.addi %mul3A_70, %add3A_80 : i32
      %add3A_82 = vector.broadcast %add3A_81 : i32 to vector<16xi32>
      %add3A_83 = arith.addi %iota3A, %add3A_82 : vector<16xi32>
      %gather3A_84 = tpu.vector_load_idx %arg11[%add3A_83] : memref<200xi32, #tpu.memory_space<vmem>>[vector<16xi32>], vector<16xi32>,
      %add3A_85 = arith.constant 48 : i32
      %add3A_86 = arith.addi %mul3A_70, %add3A_85 : i32
      %add3A_87 = vector.broadcast %add3A_86 : i32 to vector<16xi32>
      %add3A_88 = arith.addi %iota3A, %add3A_87 : vector<16xi32>
      %min3A = arith.constant 199 : i32
      %min3A_89 = vector.broadcast %min3A : i32 to vector<16xi32>
      %min3A_90 = arith.minsi %add3A_88, %min3A_89 : vector<16xi32>
      %gather3A_91 = tpu.vector_load_idx %arg11[%min3A_90] : memref<200xi32, #tpu.memory_space<vmem>>[vector<16xi32>], vector<16xi32>,
      %slice3A = vector.extract_strided_slice %gather3A {offsets = [0], sizes = [1], strides = [1]} : vector<16xi32> to vector<1xi32>
      %squeeze3A = vector.extract %slice3A[0] : i32 from vector<1xi32>
      %shift_right_arithmetic3A = arith.constant 7 : i32
      %shift_right_arithmetic3A_92 = arith.shrsi %squeeze3A, %shift_right_arithmetic3A : i32
      %shift_left3A = arith.constant 7 : i32
      %shift_left3A_93 = arith.shli %shift_right_arithmetic3A_92, %shift_left3A : i32
      %multiple_of3A = tpu.assume_multiple %shift_left3A_93, 128 : i32
      %and3A_94 = arith.constant 127 : i32
      %and3A_95 = arith.andi %squeeze3A, %and3A_94 : i32
      %dma_start3A = arith.constant 0 : i32
      %dma_start3A_96 = tpu.memref_slice %arg9[%dma_start3A, %multiple_of3A] : memref<64x1000000xf32, #tpu.memory_space<hbm>> -> memref<64x128xf32, #tpu.memory_space<hbm>>
      %dma_start3A_97 = arith.constant 0 : i32
      %dma_start3A_98 = tpu.memref_slice %arg9[%dma_start3A_97, %multiple_of3A] : memref<64x1000000xf32, #tpu.memory_space<hbm>> -> memref<64x128xf32, #tpu.memory_space<hbm>>
      tpu.enqueue_dma source(%dma_start3A_98 : memref<64x128xf32, #tpu.memory_space<hbm>>) target(%arg12 : memref<64x128xf32, #tpu.memory_space<vmem>>) target_semaphore(%arg23 : memref<!tpu.dma_semaphore, #tpu.memory_space<semaphore_mem>>)
      %slice3A_99 = vector.extract_strided_slice %gather3A {offsets = [1], sizes = [1], strides = [1]} : vector<16xi32> to vector<1xi32>
      %squeeze3A_100 = vector.extract %slice3A_99[0] : i32 from vector<1xi32>
      %shift_right_arithmetic3A_101 = arith.constant 7 : i32
      %shift_right_arithmetic3A_102 = arith.shrsi %squeeze3A_100, %shift_right_arithmetic3A_101 : i32
      %shift_left3A_103 = arith.constant 7 : i32
      %shift_left3A_104 = arith.shli %shift_right_arithmetic3A_102, %shift_left3A_103 : i32
      %multiple_of3A_105 = tpu.assume_multiple %shift_left3A_104, 128 : i32
      %and3A_106 = arith.constant 127 : i32
      %and3A_107 = arith.andi %squeeze3A_100, %and3A_106 : i32
      %dma_start3A_108 = arith.constant 0 : i32
      %dma_start3A_109 = tpu.memref_slice %arg9[%dma_start3A_108, %multiple_of3A_105] : memref<64x1000000xf32, #tpu.memory_space<hbm>> -> memref<64x128xf32, #tpu.memory_space<hbm>>
      %dma_start3A_110 = arith.constant 0 : i32
      %dma_start3A_111 = tpu.memref_slice %arg9[%dma_start3A_110, %multiple_of3A_105] : memref<64x1000000xf32, #tpu.memory_space<hbm>> -> memref<64x128xf32, #tpu.memory_space<hbm>>
      tpu.enqueue_dma source(%dma_start3A_111 : memref<64x128xf32, #tpu.memory_space<hbm>>) target(%arg13 : memref<64x128xf32, #tpu.memory_space<vmem>>) target_semaphore(%arg24 : memref<!tpu.dma_semaphore, #tpu.memory_space<semaphore_mem>>)
      %slice3A_112 = vector.extract_strided_slice %gather3A {offsets = [2], sizes = [1], strides = [1]} : vector<16xi32> to vector<1xi32>
      %squeeze3A_113 = vector.extract %slice3A_112[0] : i32 from vector<1xi32>
      %shift_right_arithmetic3A_114 = arith.constant 7 : i32
      %shift_right_arithmetic3A_115 = arith.shrsi %squeeze3A_113, %shift_right_arithmetic3A_114 : i32
      %shift_left3A_116 = arith.constant 7 : i32
      %shift_left3A_117 = arith.shli %shift_right_arithmetic3A_115, %shift_left3A_116 : i32
      %multiple_of3A_118 = tpu.assume_multiple %shift_left3A_117, 128 : i32
      %and3A_119 = arith.constant 127 : i32
      %and3A_120 = arith.andi %squeeze3A_113, %and3A_119 : i32
      %dma_start3A_121 = arith.constant 0 : i32
      %dma_start3A_122 = tpu.memref_slice %arg9[%dma_start3A_121, %multiple_of3A_118] : memref<64x1000000xf32, #tpu.memory_space<hbm>> -> memref<64x128xf32, #tpu.memory_space<hbm>>
      %dma_start3A_123 = arith.constant 0 : i32
      %dma_start3A_124 = tpu.memref_slice %arg9[%dma_start3A_123, %multiple_of3A_118] : memref<64x1000000xf32, #tpu.memory_space<hbm>> -> memref<64x128xf32, #tpu.memory_space<hbm>>
      tpu.enqueue_dma source(%dma_start3A_124 : memref<64x128xf32, #tpu.memory_space<hbm>>) target(%arg14 : memref<64x128xf32, #tpu.memory_space<vmem>>) target_semaphore(%arg25 : memref<!tpu.dma_semaphore, #tpu.memory_space<semaphore_mem>>)
      %slice3A_125 = vector.extract_strided_slice %gather3A {offsets = [3], sizes = [1], strides = [1]} : vector<16xi32> to vector<1xi32>
      %squeeze3A_126 = vector.extract %slice3A_125[0] : i32 from vector<1xi32>
      %shift_right_arithmetic3A_127 = arith.constant 7 : i32
      %shift_right_arithmetic3A_128 = arith.shrsi %squeeze3A_126, %shift_right_arithmetic3A_127 : i32
      %shift_left3A_129 = arith.constant 7 : i32
      %shift_left3A_130 = arith.shli %shift_right_arithmetic3A_128, %shift_left3A_129 : i32
      %multiple_of3A_131 = tpu.assume_multiple %shift_left3A_130, 128 : i32
      %and3A_132 = arith.constant 127 : i32
      %and3A_133 = arith.andi %squeeze3A_126, %and3A_132 : i32
      %dma_start3A_134 = arith.constant 0 : i32
      %dma_start3A_135 = tpu.memref_slice %arg9[%dma_start3A_134, %multiple_of3A_131] : memref<64x1000000xf32, #tpu.memory_space<hbm>> -> memref<64x128xf32, #tpu.memory_space<hbm>>
      %dma_start3A_136 = arith.constant 0 : i32
      %dma_start3A_137 = tpu.memref_slice %arg9[%dma_start3A_136, %multiple_of3A_131] : memref<64x1000000xf32, #tpu.memory_space<hbm>> -> memref<64x128xf32, #tpu.memory_space<hbm>>
      tpu.enqueue_dma source(%dma_start3A_137 : memref<64x128xf32, #tpu.memory_space<hbm>>) target(%arg15 : memref<64x128xf32, #tpu.memory_space<vmem>>) target_semaphore(%arg26 : memref<!tpu.dma_semaphore, #tpu.memory_space<semaphore_mem>>)
      %slice3A_138 = vector.extract_strided_slice %gather3A {offsets = [4], sizes = [1], strides = [1]} : vector<16xi32> to vector<1xi32>
      %squeeze3A_139 = vector.extract %slice3A_138[0] : i32 from vector<1xi32>
      %shift_right_arithmetic3A_140 = arith.constant 7 : i32
      %shift_right_arithmetic3A_141 = arith.shrsi %squeeze3A_139, %shift_right_arithmetic3A_140 : i32
      %shift_left3A_142 = arith.constant 7 : i32
      %shift_left3A_143 = arith.shli %shift_right_arithmetic3A_141, %shift_left3A_142 : i32
      %multiple_of3A_144 = tpu.assume_multiple %shift_left3A_143, 128 : i32
      %and3A_145 = arith.constant 127 : i32
      %and3A_146 = arith.andi %squeeze3A_139, %and3A_145 : i32
      %dma_start3A_147 = arith.constant 0 : i32
      %dma_start3A_148 = tpu.memref_slice %arg9[%dma_start3A_147, %multiple_of3A_144] : memref<64x1000000xf32, #tpu.memory_space<hbm>> -> memref<64x128xf32, #tpu.memory_space<hbm>>
      %dma_start3A_149 = arith.constant 0 : i32
      %dma_start3A_150 = tpu.memref_slice %arg9[%dma_start3A_149, %multiple_of3A_144] : memref<64x1000000xf32, #tpu.memory_space<hbm>> -> memref<64x128xf32, #tpu.memory_space<hbm>>
      tpu.enqueue_dma source(%dma_start3A_150 : memref<64x128xf32, #tpu.memory_space<hbm>>) target(%arg16 : memref<64x128xf32, #tpu.memory_space<vmem>>) target_semaphore(%arg27 : memref<!tpu.dma_semaphore, #tpu.memory_space<semaphore_mem>>)
      %slice3A_151 = vector.extract_strided_slice %gather3A {offsets = [5], sizes = [1], strides = [1]} : vector<16xi32> to vector<1xi32>
      %squeeze3A_152 = vector.extract %slice3A_151[0] : i32 from vector<1xi32>
      %shift_right_arithmetic3A_153 = arith.constant 7 : i32
      %shift_right_arithmetic3A_154 = arith.shrsi %squeeze3A_152, %shift_right_arithmetic3A_153 : i32
      %shift_left3A_155 = arith.constant 7 : i32
      %shift_left3A_156 = arith.shli %shift_right_arithmetic3A_154, %shift_left3A_155 : i32
      %multiple_of3A_157 = tpu.assume_multiple %shift_left3A_156, 128 : i32
      %and3A_158 = arith.constant 127 : i32
      %and3A_159 = arith.andi %squeeze3A_152, %and3A_158 : i32
      %dma_start3A_160 = arith.constant 0 : i32
      %dma_start3A_161 = tpu.memref_slice %arg9[%dma_start3A_160, %multiple_of3A_157] : memref<64x1000000xf32, #tpu.memory_space<hbm>> -> memref<64x128xf32, #tpu.memory_space<hbm>>
      %dma_start3A_162 = arith.constant 0 : i32
      %dma_start3A_163 = tpu.memref_slice %arg9[%dma_start3A_162, %multiple_of3A_157] : memref<64x1000000xf32, #tpu.memory_space<hbm>> -> memref<64x128xf32, #tpu.memory_space<hbm>>
      tpu.enqueue_dma source(%dma_start3A_163 : memref<64x128xf32, #tpu.memory_space<hbm>>) target(%arg17 : memref<64x128xf32, #tpu.memory_space<vmem>>) target_semaphore(%arg28 : memref<!tpu.dma_semaphore, #tpu.memory_space<semaphore_mem>>)
      %slice3A_164 = vector.extract_strided_slice %gather3A {offsets = [6], sizes = [1], strides = [1]} : vector<16xi32> to vector<1xi32>
      %squeeze3A_165 = vector.extract %slice3A_164[0] : i32 from vector<1xi32>
      %shift_right_arithmetic3A_166 = arith.constant 7 : i32
      %shift_right_arithmetic3A_167 = arith.shrsi %squeeze3A_165, %shift_right_arithmetic3A_166 : i32
      %shift_left3A_168 = arith.constant 7 : i32
      %shift_left3A_169 = arith.shli %shift_right_arithmetic3A_167, %shift_left3A_168 : i32
      %multiple_of3A_170 = tpu.assume_multiple %shift_left3A_169, 128 : i32
      %and3A_171 = arith.constant 127 : i32
      %and3A_172 = arith.andi %squeeze3A_165, %and3A_171 : i32
      %dma_start3A_173 = arith.constant 0 : i32
      %dma_start3A_174 = tpu.memref_slice %arg9[%dma_start3A_173, %multiple_of3A_170] : memref<64x1000000xf32, #tpu.memory_space<hbm>> -> memref<64x128xf32, #tpu.memory_space<hbm>>
      %dma_start3A_175 = arith.constant 0 : i32
      %dma_start3A_176 = tpu.memref_slice %arg9[%dma_start3A_175, %multiple_of3A_170] : memref<64x1000000xf32, #tpu.memory_space<hbm>> -> memref<64x128xf32, #tpu.memory_space<hbm>>
      tpu.enqueue_dma source(%dma_start3A_176 : memref<64x128xf32, #tpu.memory_space<hbm>>) target(%arg18 : memref<64x128xf32, #tpu.memory_space<vmem>>) target_semaphore(%arg29 : memref<!tpu.dma_semaphore, #tpu.memory_space<semaphore_mem>>)
      %slice3A_177 = vector.extract_strided_slice %gather3A {offsets = [7], sizes = [1], strides = [1]} : vector<16xi32> to vector<1xi32>
      %squeeze3A_178 = vector.extract %slice3A_177[0] : i32 from vector<1xi32>
      %shift_right_arithmetic3A_179 = arith.constant 7 : i32
      %shift_right_arithmetic3A_180 = arith.shrsi %squeeze3A_178, %shift_right_arithmetic3A_179 : i32
      %shift_left3A_181 = arith.constant 7 : i32
      %shift_left3A_182 = arith.shli %shift_right_arithmetic3A_180, %shift_left3A_181 : i32
      %multiple_of3A_183 = tpu.assume_multiple %shift_left3A_182, 128 : i32
      %and3A_184 = arith.constant 127 : i32
      %and3A_185 = arith.andi %squeeze3A_178, %and3A_184 : i32
      %dma_start3A_186 = arith.constant 0 : i32
      %dma_start3A_187 = tpu.memref_slice %arg9[%dma_start3A_186, %multiple_of3A_183] : memref<64x1000000xf32, #tpu.memory_space<hbm>> -> memref<64x128xf32, #tpu.memory_space<hbm>>
      %dma_start3A_188 = arith.constant 0 : i32
      %dma_start3A_189 = tpu.memref_slice %arg9[%dma_start3A_188, %multiple_of3A_183] : memref<64x1000000xf32, #tpu.memory_space<hbm>> -> memref<64x128xf32, #tpu.memory_space<hbm>>
      tpu.enqueue_dma source(%dma_start3A_189 : memref<64x128xf32, #tpu.memory_space<hbm>>) target(%arg19 : memref<64x128xf32, #tpu.memory_space<vmem>>) target_semaphore(%arg30 : memref<!tpu.dma_semaphore, #tpu.memory_space<semaphore_mem>>)
      %slice3A_190 = vector.extract_strided_slice %gather3A {offsets = [8], sizes = [1], strides = [1]} : vector<16xi32> to vector<1xi32>
      %squeeze3A_191 = vector.extract %slice3A_190[0] : i32 from vector<1xi32>
      %shift_right_arithmetic3A_192 = arith.constant 7 : i32
      %shift_right_arithmetic3A_193 = arith.shrsi %squeeze3A_191, %shift_right_arithmetic3A_192 : i32
      %shift_left3A_194 = arith.constant 7 : i32
      %shift_left3A_195 = arith.shli %shift_right_arithmetic3A_193, %shift_left3A_194 : i32
      %multiple_of3A_196 = tpu.assume_multiple %shift_left3A_195, 128 : i32
      %and3A_197 = arith.constant 127 : i32
      %and3A_198 = arith.andi %squeeze3A_191, %and3A_197 : i32
      %dma_start3A_199 = arith.constant 0 : i32
      %dma_start3A_200 = tpu.memref_slice %arg9[%dma_start3A_199, %multiple_of3A_196] : memref<64x1000000xf32, #tpu.memory_space<hbm>> -> memref<64x128xf32, #tpu.memory_space<hbm>>
      %dma_start3A_201 = arith.constant 0 : i32
      %dma_start3A_202 = tpu.memref_slice %arg9[%dma_start3A_201, %multiple_of3A_196] : memref<64x1000000xf32, #tpu.memory_space<hbm>> -> memref<64x128xf32, #tpu.memory_space<hbm>>
      tpu.enqueue_dma source(%dma_start3A_202 : memref<64x128xf32, #tpu.memory_space<hbm>>) target(%arg20 : memref<64x128xf32, #tpu.memory_space<vmem>>) target_semaphore(%arg31 : memref<!tpu.dma_semaphore, #tpu.memory_space<semaphore_mem>>)
      %slice3A_203 = vector.extract_strided_slice %gather3A {offsets = [9], sizes = [1], strides = [1]} : vector<16xi32> to vector<1xi32>
      %squeeze3A_204 = vector.extract %slice3A_203[0] : i32 from vector<1xi32>
      %shift_right_arithmetic3A_205 = arith.constant 7 : i32
      %shift_right_arithmetic3A_206 = arith.shrsi %squeeze3A_204, %shift_right_arithmetic3A_205 : i32
      %shift_left3A_207 = arith.constant 7 : i32
      %shift_left3A_208 = arith.shli %shift_right_arithmetic3A_206, %shift_left3A_207 : i32
      %multiple_of3A_209 = tpu.assume_multiple %shift_left3A_208, 128 : i32
      %and3A_210 = arith.constant 127 : i32
      %and3A_211 = arith.andi %squeeze3A_204, %and3A_210 : i32
      %dma_start3A_212 = arith.constant 0 : i32
      %dma_start3A_213 = tpu.memref_slice %arg9[%dma_start3A_212, %multiple_of3A_209] : memref<64x1000000xf32, #tpu.memory_space<hbm>> -> memref<64x128xf32, #tpu.memory_space<hbm>>
      %dma_start3A_214 = arith.constant 0 : i32
      %dma_start3A_215 = tpu.memref_slice %arg9[%dma_start3A_214, %multiple_of3A_209] : memref<64x1000000xf32, #tpu.memory_space<hbm>> -> memref<64x128xf32, #tpu.memory_space<hbm>>
      tpu.enqueue_dma source(%dma_start3A_215 : memref<64x128xf32, #tpu.memory_space<hbm>>) target(%arg21 : memref<64x128xf32, #tpu.memory_space<vmem>>) target_semaphore(%arg32 : memref<!tpu.dma_semaphore, #tpu.memory_space<semaphore_mem>>)
      %broadcast_in_dim3A = arith.constant 0.000000e+00 : f32
      %broadcast_in_dim3A_216 = vector.broadcast %broadcast_in_dim3A : f32 to vector<16xf32>
      %add3A_217 = arith.constant 0 : i32
      %add3A_218 = vector.broadcast %add3A_217 : i32 to vector<16xi32>
      %add3A_219 = arith.addi %iota3A, %add3A_218 : vector<16xi32>
      %add3A_220 = arith.constant 16 : i32
      %add3A_221 = vector.broadcast %add3A_220 : i32 to vector<16xi32>
      %add3A_222 = arith.addi %iota3A, %add3A_221 : vector<16xi32>
      %add3A_223 = arith.constant 32 : i32
      %add3A_224 = vector.broadcast %add3A_223 : i32 to vector<16xi32>
      %add3A_225 = arith.addi %iota3A, %add3A_224 : vector<16xi32>
      %add3A_226 = arith.constant 48 : i32
      %add3A_227 = vector.broadcast %add3A_226 : i32 to vector<16xi32>
      %add3A_228 = arith.addi %iota3A, %add3A_227 : vector<16xi32>
      %dma_wait3A = arith.constant 0 : i32
      %dma_wait3A_229 = tpu.memref_slice %arg9[%dma_wait3A, %multiple_of3A] : memref<64x1000000xf32, #tpu.memory_space<hbm>> -> memref<64x128xf32, #tpu.memory_space<hbm>>
      %dma_wait3A_230 = arith.constant 0 : i32
      %dma_wait3A_231 = tpu.memref_slice %arg9[%dma_wait3A_230, %multiple_of3A] : memref<64x1000000xf32, #tpu.memory_space<hbm>> -> memref<64x128xf32, #tpu.memory_space<hbm>>
      tpu.wait_dma2 semaphore(%arg23 : memref<!tpu.dma_semaphore, #tpu.memory_space<semaphore_mem>>) src(%dma_wait3A_231 : memref<64x128xf32, #tpu.memory_space<hbm>>) dst(%arg12 : memref<64x128xf32, #tpu.memory_space<vmem>>)
      %broadcast_in_dim3A_232 = vector.broadcast %and3A_95 : i32 to vector<16xi32>
      %gather3A_233 = tpu.vector_load_idx %arg12[%add3A_219, %broadcast_in_dim3A_232] : memref<64x128xf32, #tpu.memory_space<vmem>>[vector<16xi32>, vector<16xi32>], vector<16xf32>,
      %add3A_234 = arith.addf %broadcast_in_dim3A_216, %gather3A_233 : vector<16xf32>
      %gather3A_235 = tpu.vector_load_idx %arg12[%add3A_222, %broadcast_in_dim3A_232] : memref<64x128xf32, #tpu.memory_space<vmem>>[vector<16xi32>, vector<16xi32>], vector<16xf32>,
      %add3A_236 = arith.addf %broadcast_in_dim3A_216, %gather3A_235 : vector<16xf32>
      %gather3A_237 = tpu.vector_load_idx %arg12[%add3A_225, %broadcast_in_dim3A_232] : memref<64x128xf32, #tpu.memory_space<vmem>>[vector<16xi32>, vector<16xi32>], vector<16xf32>,
      %add3A_238 = arith.addf %broadcast_in_dim3A_216, %gather3A_237 : vector<16xf32>
      %gather3A_239 = tpu.vector_load_idx %arg12[%add3A_228, %broadcast_in_dim3A_232] : memref<64x128xf32, #tpu.memory_space<vmem>>[vector<16xi32>, vector<16xi32>], vector<16xf32>,
      %add3A_240 = arith.addf %broadcast_in_dim3A_216, %gather3A_239 : vector<16xf32>
      %slice3A_241 = vector.extract_strided_slice %gather3A {offsets = [10], sizes = [1], strides = [1]} : vector<16xi32> to vector<1xi32>
      %squeeze3A_242 = vector.extract %slice3A_241[0] : i32 from vector<1xi32>
      %shift_right_arithmetic3A_243 = arith.constant 7 : i32
      %shift_right_arithmetic3A_244 = arith.shrsi %squeeze3A_242, %shift_right_arithmetic3A_243 : i32
      %shift_left3A_245 = arith.constant 7 : i32
      %shift_left3A_246 = arith.shli %shift_right_arithmetic3A_244, %shift_left3A_245 : i32
      %multiple_of3A_247 = tpu.assume_multiple %shift_left3A_246, 128 : i32
      %and3A_248 = arith.constant 127 : i32
      %and3A_249 = arith.andi %squeeze3A_242, %and3A_248 : i32
      %dma_start3A_250 = arith.constant 0 : i32
      %dma_start3A_251 = tpu.memref_slice %arg9[%dma_start3A_250, %multiple_of3A_247] : memref<64x1000000xf32, #tpu.memory_space<hbm>> -> memref<64x128xf32, #tpu.memory_space<hbm>>
      %dma_start3A_252 = arith.constant 0 : i32
      %dma_start3A_253 = tpu.memref_slice %arg9[%dma_start3A_252, %multiple_of3A_247] : memref<64x1000000xf32, #tpu.memory_space<hbm>> -> memref<64x128xf32, #tpu.memory_space<hbm>>
      tpu.enqueue_dma source(%dma_start3A_253 : memref<64x128xf32, #tpu.memory_space<hbm>>) target(%arg12 : memref<64x128xf32, #tpu.memory_space<vmem>>) target_semaphore(%arg23 : memref<!tpu.dma_semaphore, #tpu.memory_space<semaphore_mem>>)
      %dma_wait3A_254 = arith.constant 0 : i32
      %dma_wait3A_255 = tpu.memref_slice %arg9[%dma_wait3A_254, %multiple_of3A_105] : memref<64x1000000xf32, #tpu.memory_space<hbm>> -> memref<64x128xf32, #tpu.memory_space<hbm>>
      %dma_wait3A_256 = arith.constant 0 : i32
      %dma_wait3A_257 = tpu.memref_slice %arg9[%dma_wait3A_256, %multiple_of3A_105] : memref<64x1000000xf32, #tpu.memory_space<hbm>> -> memref<64x128xf32, #tpu.memory_space<hbm>>
      tpu.wait_dma2 semaphore(%arg24 : memref<!tpu.dma_semaphore, #tpu.memory_space<semaphore_mem>>) src(%dma_wait3A_257 : memref<64x128xf32, #tpu.memory_space<hbm>>) dst(%arg13 : memref<64x128xf32, #tpu.memory_space<vmem>>)
      %broadcast_in_dim3A_258 = vector.broadcast %and3A_107 : i32 to vector<16xi32>
      %gather3A_259 = tpu.vector_load_idx %arg13[%add3A_219, %broadcast_in_dim3A_258] : memref<64x128xf32, #tpu.memory_space<vmem>>[vector<16xi32>, vector<16xi32>], vector<16xf32>,
      %add3A_260 = arith.addf %add3A_234, %gather3A_259 : vector<16xf32>
      %gather3A_261 = tpu.vector_load_idx %arg13[%add3A_222, %broadcast_in_dim3A_258] : memref<64x128xf32, #tpu.memory_space<vmem>>[vector<16xi32>, vector<16xi32>], vector<16xf32>,
      %add3A_262 = arith.addf %add3A_236, %gather3A_261 : vector<16xf32>
      %gather3A_263 = tpu.vector_load_idx %arg13[%add3A_225, %broadcast_in_dim3A_258] : memref<64x128xf32, #tpu.memory_space<vmem>>[vector<16xi32>, vector<16xi32>], vector<16xf32>,
      %add3A_264 = arith.addf %add3A_238, %gather3A_263 : vector<16xf32>
      %gather3A_265 = tpu.vector_load_idx %arg13[%add3A_228, %broadcast_in_dim3A_258] : memref<64x128xf32, #tpu.memory_space<vmem>>[vector<16xi32>, vector<16xi32>], vector<16xf32>,
      %add3A_266 = arith.addf %add3A_240, %gather3A_265 : vector<16xf32>
      %slice3A_267 = vector.extract_strided_slice %gather3A {offsets = [11], sizes = [1], strides = [1]} : vector<16xi32> to vector<1xi32>
      %squeeze3A_268 = vector.extract %slice3A_267[0] : i32 from vector<1xi32>
      %shift_right_arithmetic3A_269 = arith.constant 7 : i32
      %shift_right_arithmetic3A_270 = arith.shrsi %squeeze3A_268, %shift_right_arithmetic3A_269 : i32
      %shift_left3A_271 = arith.constant 7 : i32
      %shift_left3A_272 = arith.shli %shift_right_arithmetic3A_270, %shift_left3A_271 : i32
      %multiple_of3A_273 = tpu.assume_multiple %shift_left3A_272, 128 : i32
      %and3A_274 = arith.constant 127 : i32
      %and3A_275 = arith.andi %squeeze3A_268, %and3A_274 : i32
      %dma_start3A_276 = arith.constant 0 : i32
      %dma_start3A_277 = tpu.memref_slice %arg9[%dma_start3A_276, %multiple_of3A_273] : memref<64x1000000xf32, #tpu.memory_space<hbm>> -> memref<64x128xf32, #tpu.memory_space<hbm>>
      %dma_start3A_278 = arith.constant 0 : i32
      %dma_start3A_279 = tpu.memref_slice %arg9[%dma_start3A_278, %multiple_of3A_273] : memref<64x1000000xf32, #tpu.memory_space<hbm>> -> memref<64x128xf32, #tpu.memory_space<hbm>>
      tpu.enqueue_dma source(%dma_start3A_279 : memref<64x128xf32, #tpu.memory_space<hbm>>) target(%arg13 : memref<64x128xf32, #tpu.memory_space<vmem>>) target_semaphore(%arg24 : memref<!tpu.dma_semaphore, #tpu.memory_space<semaphore_mem>>)
      %dma_wait3A_280 = arith.constant 0 : i32
      %dma_wait3A_281 = tpu.memref_slice %arg9[%dma_wait3A_280, %multiple_of3A_118] : memref<64x1000000xf32, #tpu.memory_space<hbm>> -> memref<64x128xf32, #tpu.memory_space<hbm>>
      %dma_wait3A_282 = arith.constant 0 : i32
      %dma_wait3A_283 = tpu.memref_slice %arg9[%dma_wait3A_282, %multiple_of3A_118] : memref<64x1000000xf32, #tpu.memory_space<hbm>> -> memref<64x128xf32, #tpu.memory_space<hbm>>
      tpu.wait_dma2 semaphore(%arg25 : memref<!tpu.dma_semaphore, #tpu.memory_space<semaphore_mem>>) src(%dma_wait3A_283 : memref<64x128xf32, #tpu.memory_space<hbm>>) dst(%arg14 : memref<64x128xf32, #tpu.memory_space<vmem>>)
      %broadcast_in_dim3A_284 = vector.broadcast %and3A_120 : i32 to vector<16xi32>
      %gather3A_285 = tpu.vector_load_idx %arg14[%add3A_219, %broadcast_in_dim3A_284] : memref<64x128xf32, #tpu.memory_space<vmem>>[vector<16xi32>, vector<16xi32>], vector<16xf32>,
      %add3A_286 = arith.addf %add3A_260, %gather3A_285 : vector<16xf32>
      %gather3A_287 = tpu.vector_load_idx %arg14[%add3A_222, %broadcast_in_dim3A_284] : memref<64x128xf32, #tpu.memory_space<vmem>>[vector<16xi32>, vector<16xi32>], vector<16xf32>,
      %add3A_288 = arith.addf %add3A_262, %gather3A_287 : vector<16xf32>
      %gather3A_289 = tpu.vector_load_idx %arg14[%add3A_225, %broadcast_in_dim3A_284] : memref<64x128xf32, #tpu.memory_space<vmem>>[vector<16xi32>, vector<16xi32>], vector<16xf32>,
      %add3A_290 = arith.addf %add3A_264, %gather3A_289 : vector<16xf32>
      %gather3A_291 = tpu.vector_load_idx %arg14[%add3A_228, %broadcast_in_dim3A_284] : memref<64x128xf32, #tpu.memory_space<vmem>>[vector<16xi32>, vector<16xi32>], vector<16xf32>,
      %add3A_292 = arith.addf %add3A_266, %gather3A_291 : vector<16xf32>
      %slice3A_293 = vector.extract_strided_slice %gather3A {offsets = [12], sizes = [1], strides = [1]} : vector<16xi32> to vector<1xi32>
      %squeeze3A_294 = vector.extract %slice3A_293[0] : i32 from vector<1xi32>
      %shift_right_arithmetic3A_295 = arith.constant 7 : i32
      %shift_right_arithmetic3A_296 = arith.shrsi %squeeze3A_294, %shift_right_arithmetic3A_295 : i32
      %shift_left3A_297 = arith.constant 7 : i32
      %shift_left3A_298 = arith.shli %shift_right_arithmetic3A_296, %shift_left3A_297 : i32
      %multiple_of3A_299 = tpu.assume_multiple %shift_left3A_298, 128 : i32
      %and3A_300 = arith.constant 127 : i32
      %and3A_301 = arith.andi %squeeze3A_294, %and3A_300 : i32
      %dma_start3A_302 = arith.constant 0 : i32
      %dma_start3A_303 = tpu.memref_slice %arg9[%dma_start3A_302, %multiple_of3A_299] : memref<64x1000000xf32, #tpu.memory_space<hbm>> -> memref<64x128xf32, #tpu.memory_space<hbm>>
      %dma_start3A_304 = arith.constant 0 : i32
      %dma_start3A_305 = tpu.memref_slice %arg9[%dma_start3A_304, %multiple_of3A_299] : memref<64x1000000xf32, #tpu.memory_space<hbm>> -> memref<64x128xf32, #tpu.memory_space<hbm>>
      tpu.enqueue_dma source(%dma_start3A_305 : memref<64x128xf32, #tpu.memory_space<hbm>>) target(%arg14 : memref<64x128xf32, #tpu.memory_space<vmem>>) target_semaphore(%arg25 : memref<!tpu.dma_semaphore, #tpu.memory_space<semaphore_mem>>)
      %dma_wait3A_306 = arith.constant 0 : i32
      %dma_wait3A_307 = tpu.memref_slice %arg9[%dma_wait3A_306, %multiple_of3A_131] : memref<64x1000000xf32, #tpu.memory_space<hbm>> -> memref<64x128xf32, #tpu.memory_space<hbm>>
      %dma_wait3A_308 = arith.constant 0 : i32
      %dma_wait3A_309 = tpu.memref_slice %arg9[%dma_wait3A_308, %multiple_of3A_131] : memref<64x1000000xf32, #tpu.memory_space<hbm>> -> memref<64x128xf32, #tpu.memory_space<hbm>>
      tpu.wait_dma2 semaphore(%arg26 : memref<!tpu.dma_semaphore, #tpu.memory_space<semaphore_mem>>) src(%dma_wait3A_309 : memref<64x128xf32, #tpu.memory_space<hbm>>) dst(%arg15 : memref<64x128xf32, #tpu.memory_space<vmem>>)
      %broadcast_in_dim3A_310 = vector.broadcast %and3A_133 : i32 to vector<16xi32>
      %gather3A_311 = tpu.vector_load_idx %arg15[%add3A_219, %broadcast_in_dim3A_310] : memref<64x128xf32, #tpu.memory_space<vmem>>[vector<16xi32>, vector<16xi32>], vector<16xf32>,
      %add3A_312 = arith.addf %add3A_286, %gather3A_311 : vector<16xf32>
      %gather3A_313 = tpu.vector_load_idx %arg15[%add3A_222, %broadcast_in_dim3A_310] : memref<64x128xf32, #tpu.memory_space<vmem>>[vector<16xi32>, vector<16xi32>], vector<16xf32>,
      %add3A_314 = arith.addf %add3A_288, %gather3A_313 : vector<16xf32>
      %gather3A_315 = tpu.vector_load_idx %arg15[%add3A_225, %broadcast_in_dim3A_310] : memref<64x128xf32, #tpu.memory_space<vmem>>[vector<16xi32>, vector<16xi32>], vector<16xf32>,
      %add3A_316 = arith.addf %add3A_290, %gather3A_315 : vector<16xf32>
      %gather3A_317 = tpu.vector_load_idx %arg15[%add3A_228, %broadcast_in_dim3A_310] : memref<64x128xf32, #tpu.memory_space<vmem>>[vector<16xi32>, vector<16xi32>], vector<16xf32>,
      %add3A_318 = arith.addf %add3A_292, %gather3A_317 : vector<16xf32>
      %slice3A_319 = vector.extract_strided_slice %gather3A {offsets = [13], sizes = [1], strides = [1]} : vector<16xi32> to vector<1xi32>
      %squeeze3A_320 = vector.extract %slice3A_319[0] : i32 from vector<1xi32>
      %shift_right_arithmetic3A_321 = arith.constant 7 : i32
      %shift_right_arithmetic3A_322 = arith.shrsi %squeeze3A_320, %shift_right_arithmetic3A_321 : i32
      %shift_left3A_323 = arith.constant 7 : i32
      %shift_left3A_324 = arith.shli %shift_right_arithmetic3A_322, %shift_left3A_323 : i32
      %multiple_of3A_325 = tpu.assume_multiple %shift_left3A_324, 128 : i32
      %and3A_326 = arith.constant 127 : i32
      %and3A_327 = arith.andi %squeeze3A_320, %and3A_326 : i32
      %dma_start3A_328 = arith.constant 0 : i32
      %dma_start3A_329 = tpu.memref_slice %arg9[%dma_start3A_328, %multiple_of3A_325] : memref<64x1000000xf32, #tpu.memory_space<hbm>> -> memref<64x128xf32, #tpu.memory_space<hbm>>
      %dma_start3A_330 = arith.constant 0 : i32
      %dma_start3A_331 = tpu.memref_slice %arg9[%dma_start3A_330, %multiple_of3A_325] : memref<64x1000000xf32, #tpu.memory_space<hbm>> -> memref<64x128xf32, #tpu.memory_space<hbm>>
      tpu.enqueue_dma source(%dma_start3A_331 : memref<64x128xf32, #tpu.memory_space<hbm>>) target(%arg15 : memref<64x128xf32, #tpu.memory_space<vmem>>) target_semaphore(%arg26 : memref<!tpu.dma_semaphore, #tpu.memory_space<semaphore_mem>>)
      %dma_wait3A_332 = arith.constant 0 : i32
      %dma_wait3A_333 = tpu.memref_slice %arg9[%dma_wait3A_332, %multiple_of3A_144] : memref<64x1000000xf32, #tpu.memory_space<hbm>> -> memref<64x128xf32, #tpu.memory_space<hbm>>
      %dma_wait3A_334 = arith.constant 0 : i32
      %dma_wait3A_335 = tpu.memref_slice %arg9[%dma_wait3A_334, %multiple_of3A_144] : memref<64x1000000xf32, #tpu.memory_space<hbm>> -> memref<64x128xf32, #tpu.memory_space<hbm>>
      tpu.wait_dma2 semaphore(%arg27 : memref<!tpu.dma_semaphore, #tpu.memory_space<semaphore_mem>>) src(%dma_wait3A_335 : memref<64x128xf32, #tpu.memory_space<hbm>>) dst(%arg16 : memref<64x128xf32, #tpu.memory_space<vmem>>)
      %broadcast_in_dim3A_336 = vector.broadcast %and3A_146 : i32 to vector<16xi32>
      %gather3A_337 = tpu.vector_load_idx %arg16[%add3A_219, %broadcast_in_dim3A_336] : memref<64x128xf32, #tpu.memory_space<vmem>>[vector<16xi32>, vector<16xi32>], vector<16xf32>,
      %add3A_338 = arith.addf %add3A_312, %gather3A_337 : vector<16xf32>
      %gather3A_339 = tpu.vector_load_idx %arg16[%add3A_222, %broadcast_in_dim3A_336] : memref<64x128xf32, #tpu.memory_space<vmem>>[vector<16xi32>, vector<16xi32>], vector<16xf32>,
      %add3A_340 = arith.addf %add3A_314, %gather3A_339 : vector<16xf32>
      %gather3A_341 = tpu.vector_load_idx %arg16[%add3A_225, %broadcast_in_dim3A_336] : memref<64x128xf32, #tpu.memory_space<vmem>>[vector<16xi32>, vector<16xi32>], vector<16xf32>,
      %add3A_342 = arith.addf %add3A_316, %gather3A_341 : vector<16xf32>
      %gather3A_343 = tpu.vector_load_idx %arg16[%add3A_228, %broadcast_in_dim3A_336] : memref<64x128xf32, #tpu.memory_space<vmem>>[vector<16xi32>, vector<16xi32>], vector<16xf32>,
      %add3A_344 = arith.addf %add3A_318, %gather3A_343 : vector<16xf32>
      %slice3A_345 = vector.extract_strided_slice %gather3A {offsets = [14], sizes = [1], strides = [1]} : vector<16xi32> to vector<1xi32>
      %squeeze3A_346 = vector.extract %slice3A_345[0] : i32 from vector<1xi32>
      %shift_right_arithmetic3A_347 = arith.constant 7 : i32
      %shift_right_arithmetic3A_348 = arith.shrsi %squeeze3A_346, %shift_right_arithmetic3A_347 : i32
      %shift_left3A_349 = arith.constant 7 : i32
      %shift_left3A_350 = arith.shli %shift_right_arithmetic3A_348, %shift_left3A_349 : i32
      %multiple_of3A_351 = tpu.assume_multiple %shift_left3A_350, 128 : i32
      %and3A_352 = arith.constant 127 : i32
      %and3A_353 = arith.andi %squeeze3A_346, %and3A_352 : i32
      %dma_start3A_354 = arith.constant 0 : i32
      %dma_start3A_355 = tpu.memref_slice %arg9[%dma_start3A_354, %multiple_of3A_351] : memref<64x1000000xf32, #tpu.memory_space<hbm>> -> memref<64x128xf32, #tpu.memory_space<hbm>>
      %dma_start3A_356 = arith.constant 0 : i32
      %dma_start3A_357 = tpu.memref_slice %arg9[%dma_start3A_356, %multiple_of3A_351] : memref<64x1000000xf32, #tpu.memory_space<hbm>> -> memref<64x128xf32, #tpu.memory_space<hbm>>
      tpu.enqueue_dma source(%dma_start3A_357 : memref<64x128xf32, #tpu.memory_space<hbm>>) target(%arg16 : memref<64x128xf32, #tpu.memory_space<vmem>>) target_semaphore(%arg27 : memref<!tpu.dma_semaphore, #tpu.memory_space<semaphore_mem>>)
      %dma_wait3A_358 = arith.constant 0 : i32
      %dma_wait3A_359 = tpu.memref_slice %arg9[%dma_wait3A_358, %multiple_of3A_157] : memref<64x1000000xf32, #tpu.memory_space<hbm>> -> memref<64x128xf32, #tpu.memory_space<hbm>>
      %dma_wait3A_360 = arith.constant 0 : i32
      %dma_wait3A_361 = tpu.memref_slice %arg9[%dma_wait3A_360, %multiple_of3A_157] : memref<64x1000000xf32, #tpu.memory_space<hbm>> -> memref<64x128xf32, #tpu.memory_space<hbm>>
      tpu.wait_dma2 semaphore(%arg28 : memref<!tpu.dma_semaphore, #tpu.memory_space<semaphore_mem>>) src(%dma_wait3A_361 : memref<64x128xf32, #tpu.memory_space<hbm>>) dst(%arg17 : memref<64x128xf32, #tpu.memory_space<vmem>>)
      %broadcast_in_dim3A_362 = vector.broadcast %and3A_159 : i32 to vector<16xi32>
      %gather3A_363 = tpu.vector_load_idx %arg17[%add3A_219, %broadcast_in_dim3A_362] : memref<64x128xf32, #tpu.memory_space<vmem>>[vector<16xi32>, vector<16xi32>], vector<16xf32>,
      %add3A_364 = arith.addf %add3A_338, %gather3A_363 : vector<16xf32>
      %gather3A_365 = tpu.vector_load_idx %arg17[%add3A_222, %broadcast_in_dim3A_362] : memref<64x128xf32, #tpu.memory_space<vmem>>[vector<16xi32>, vector<16xi32>], vector<16xf32>,
      %add3A_366 = arith.addf %add3A_340, %gather3A_365 : vector<16xf32>
      %gather3A_367 = tpu.vector_load_idx %arg17[%add3A_225, %broadcast_in_dim3A_362] : memref<64x128xf32, #tpu.memory_space<vmem>>[vector<16xi32>, vector<16xi32>], vector<16xf32>,
      %add3A_368 = arith.addf %add3A_342, %gather3A_367 : vector<16xf32>
      %gather3A_369 = tpu.vector_load_idx %arg17[%add3A_228, %broadcast_in_dim3A_362] : memref<64x128xf32, #tpu.memory_space<vmem>>[vector<16xi32>, vector<16xi32>], vector<16xf32>,
      %add3A_370 = arith.addf %add3A_344, %gather3A_369 : vector<16xf32>
      %slice3A_371 = vector.extract_strided_slice %gather3A {offsets = [15], sizes = [1], strides = [1]} : vector<16xi32> to vector<1xi32>
      %squeeze3A_372 = vector.extract %slice3A_371[0] : i32 from vector<1xi32>
      %shift_right_arithmetic3A_373 = arith.constant 7 : i32
      %shift_right_arithmetic3A_374 = arith.shrsi %squeeze3A_372, %shift_right_arithmetic3A_373 : i32
      %shift_left3A_375 = arith.constant 7 : i32
      %shift_left3A_376 = arith.shli %shift_right_arithmetic3A_374, %shift_left3A_375 : i32
      %multiple_of3A_377 = tpu.assume_multiple %shift_left3A_376, 128 : i32
      %and3A_378 = arith.constant 127 : i32
      %and3A_379 = arith.andi %squeeze3A_372, %and3A_378 : i32
      %dma_start3A_380 = arith.constant 0 : i32
      %dma_start3A_381 = tpu.memref_slice %arg9[%dma_start3A_380, %multiple_of3A_377] : memref<64x1000000xf32, #tpu.memory_space<hbm>> -> memref<64x128xf32, #tpu.memory_space<hbm>>
      %dma_start3A_382 = arith.constant 0 : i32
      %dma_start3A_383 = tpu.memref_slice %arg9[%dma_start3A_382, %multiple_of3A_377] : memref<64x1000000xf32, #tpu.memory_space<hbm>> -> memref<64x128xf32, #tpu.memory_space<hbm>>
      tpu.enqueue_dma source(%dma_start3A_383 : memref<64x128xf32, #tpu.memory_space<hbm>>) target(%arg17 : memref<64x128xf32, #tpu.memory_space<vmem>>) target_semaphore(%arg28 : memref<!tpu.dma_semaphore, #tpu.memory_space<semaphore_mem>>)
      %dma_wait3A_384 = arith.constant 0 : i32
      %dma_wait3A_385 = tpu.memref_slice %arg9[%dma_wait3A_384, %multiple_of3A_170] : memref<64x1000000xf32, #tpu.memory_space<hbm>> -> memref<64x128xf32, #tpu.memory_space<hbm>>
      %dma_wait3A_386 = arith.constant 0 : i32
      %dma_wait3A_387 = tpu.memref_slice %arg9[%dma_wait3A_386, %multiple_of3A_170] : memref<64x1000000xf32, #tpu.memory_space<hbm>> -> memref<64x128xf32, #tpu.memory_space<hbm>>
      tpu.wait_dma2 semaphore(%arg29 : memref<!tpu.dma_semaphore, #tpu.memory_space<semaphore_mem>>) src(%dma_wait3A_387 : memref<64x128xf32, #tpu.memory_space<hbm>>) dst(%arg18 : memref<64x128xf32, #tpu.memory_space<vmem>>)
      %broadcast_in_dim3A_388 = vector.broadcast %and3A_172 : i32 to vector<16xi32>
      %gather3A_389 = tpu.vector_load_idx %arg18[%add3A_219, %broadcast_in_dim3A_388] : memref<64x128xf32, #tpu.memory_space<vmem>>[vector<16xi32>, vector<16xi32>], vector<16xf32>,
      %add3A_390 = arith.addf %add3A_364, %gather3A_389 : vector<16xf32>
      %gather3A_391 = tpu.vector_load_idx %arg18[%add3A_222, %broadcast_in_dim3A_388] : memref<64x128xf32, #tpu.memory_space<vmem>>[vector<16xi32>, vector<16xi32>], vector<16xf32>,
      %add3A_392 = arith.addf %add3A_366, %gather3A_391 : vector<16xf32>
      %gather3A_393 = tpu.vector_load_idx %arg18[%add3A_225, %broadcast_in_dim3A_388] : memref<64x128xf32, #tpu.memory_space<vmem>>[vector<16xi32>, vector<16xi32>], vector<16xf32>,
      %add3A_394 = arith.addf %add3A_368, %gather3A_393 : vector<16xf32>
      %gather3A_395 = tpu.vector_load_idx %arg18[%add3A_228, %broadcast_in_dim3A_388] : memref<64x128xf32, #tpu.memory_space<vmem>>[vector<16xi32>, vector<16xi32>], vector<16xf32>,
      %add3A_396 = arith.addf %add3A_370, %gather3A_395 : vector<16xf32>
      %slice3A_397 = vector.extract_strided_slice %gather3A_79 {offsets = [0], sizes = [1], strides = [1]} : vector<16xi32> to vector<1xi32>
      %squeeze3A_398 = vector.extract %slice3A_397[0] : i32 from vector<1xi32>
      %shift_right_arithmetic3A_399 = arith.constant 7 : i32
      %shift_right_arithmetic3A_400 = arith.shrsi %squeeze3A_398, %shift_right_arithmetic3A_399 : i32
      %shift_left3A_401 = arith.constant 7 : i32
      %shift_left3A_402 = arith.shli %shift_right_arithmetic3A_400, %shift_left3A_401 : i32
      %multiple_of3A_403 = tpu.assume_multiple %shift_left3A_402, 128 : i32
      %and3A_404 = arith.constant 127 : i32
      %and3A_405 = arith.andi %squeeze3A_398, %and3A_404 : i32
      %dma_start3A_406 = arith.constant 0 : i32
      %dma_start3A_407 = tpu.memref_slice %arg9[%dma_start3A_406, %multiple_of3A_403] : memref<64x1000000xf32, #tpu.memory_space<hbm>> -> memref<64x128xf32, #tpu.memory_space<hbm>>
      %dma_start3A_408 = arith.constant 0 : i32
      %dma_start3A_409 = tpu.memref_slice %arg9[%dma_start3A_408, %multiple_of3A_403] : memref<64x1000000xf32, #tpu.memory_space<hbm>> -> memref<64x128xf32, #tpu.memory_space<hbm>>
      tpu.enqueue_dma source(%dma_start3A_409 : memref<64x128xf32, #tpu.memory_space<hbm>>) target(%arg18 : memref<64x128xf32, #tpu.memory_space<vmem>>) target_semaphore(%arg29 : memref<!tpu.dma_semaphore, #tpu.memory_space<semaphore_mem>>)
      %dma_wait3A_410 = arith.constant 0 : i32
      %dma_wait3A_411 = tpu.memref_slice %arg9[%dma_wait3A_410, %multiple_of3A_183] : memref<64x1000000xf32, #tpu.memory_space<hbm>> -> memref<64x128xf32, #tpu.memory_space<hbm>>
      %dma_wait3A_412 = arith.constant 0 : i32
      %dma_wait3A_413 = tpu.memref_slice %arg9[%dma_wait3A_412, %multiple_of3A_183] : memref<64x1000000xf32, #tpu.memory_space<hbm>> -> memref<64x128xf32, #tpu.memory_space<hbm>>
      tpu.wait_dma2 semaphore(%arg30 : memref<!tpu.dma_semaphore, #tpu.memory_space<semaphore_mem>>) src(%dma_wait3A_413 : memref<64x128xf32, #tpu.memory_space<hbm>>) dst(%arg19 : memref<64x128xf32, #tpu.memory_space<vmem>>)
      %broadcast_in_dim3A_414 = vector.broadcast %and3A_185 : i32 to vector<16xi32>
      %gather3A_415 = tpu.vector_load_idx %arg19[%add3A_219, %broadcast_in_dim3A_414] : memref<64x128xf32, #tpu.memory_space<vmem>>[vector<16xi32>, vector<16xi32>], vector<16xf32>,
      %add3A_416 = arith.addf %add3A_390, %gather3A_415 : vector<16xf32>
      %gather3A_417 = tpu.vector_load_idx %arg19[%add3A_222, %broadcast_in_dim3A_414] : memref<64x128xf32, #tpu.memory_space<vmem>>[vector<16xi32>, vector<16xi32>], vector<16xf32>,
      %add3A_418 = arith.addf %add3A_392, %gather3A_417 : vector<16xf32>
      %gather3A_419 = tpu.vector_load_idx %arg19[%add3A_225, %broadcast_in_dim3A_414] : memref<64x128xf32, #tpu.memory_space<vmem>>[vector<16xi32>, vector<16xi32>], vector<16xf32>,
      %add3A_420 = arith.addf %add3A_394, %gather3A_419 : vector<16xf32>
      %gather3A_421 = tpu.vector_load_idx %arg19[%add3A_228, %broadcast_in_dim3A_414] : memref<64x128xf32, #tpu.memory_space<vmem>>[vector<16xi32>, vector<16xi32>], vector<16xf32>,
      %add3A_422 = arith.addf %add3A_396, %gather3A_421 : vector<16xf32>
      %slice3A_423 = vector.extract_strided_slice %gather3A_79 {offsets = [1], sizes = [1], strides = [1]} : vector<16xi32> to vector<1xi32>
      %squeeze3A_424 = vector.extract %slice3A_423[0] : i32 from vector<1xi32>
      %shift_right_arithmetic3A_425 = arith.constant 7 : i32
      %shift_right_arithmetic3A_426 = arith.shrsi %squeeze3A_424, %shift_right_arithmetic3A_425 : i32
      %shift_left3A_427 = arith.constant 7 : i32
      %shift_left3A_428 = arith.shli %shift_right_arithmetic3A_426, %shift_left3A_427 : i32
      %multiple_of3A_429 = tpu.assume_multiple %shift_left3A_428, 128 : i32
      %and3A_430 = arith.constant 127 : i32
      %and3A_431 = arith.andi %squeeze3A_424, %and3A_430 : i32
      %dma_start3A_432 = arith.constant 0 : i32
      %dma_start3A_433 = tpu.memref_slice %arg9[%dma_start3A_432, %multiple_of3A_429] : memref<64x1000000xf32, #tpu.memory_space<hbm>> -> memref<64x128xf32, #tpu.memory_space<hbm>>
      %dma_start3A_434 = arith.constant 0 : i32
      %dma_start3A_435 = tpu.memref_slice %arg9[%dma_start3A_434, %multiple_of3A_429] : memref<64x1000000xf32, #tpu.memory_space<hbm>> -> memref<64x128xf32, #tpu.memory_space<hbm>>
      tpu.enqueue_dma source(%dma_start3A_435 : memref<64x128xf32, #tpu.memory_space<hbm>>) target(%arg19 : memref<64x128xf32, #tpu.memory_space<vmem>>) target_semaphore(%arg30 : memref<!tpu.dma_semaphore, #tpu.memory_space<semaphore_mem>>)
      %dma_wait3A_436 = arith.constant 0 : i32
      %dma_wait3A_437 = tpu.memref_slice %arg9[%dma_wait3A_436, %multiple_of3A_196] : memref<64x1000000xf32, #tpu.memory_space<hbm>> -> memref<64x128xf32, #tpu.memory_space<hbm>>
      %dma_wait3A_438 = arith.constant 0 : i32
      %dma_wait3A_439 = tpu.memref_slice %arg9[%dma_wait3A_438, %multiple_of3A_196] : memref<64x1000000xf32, #tpu.memory_space<hbm>> -> memref<64x128xf32, #tpu.memory_space<hbm>>
      tpu.wait_dma2 semaphore(%arg31 : memref<!tpu.dma_semaphore, #tpu.memory_space<semaphore_mem>>) src(%dma_wait3A_439 : memref<64x128xf32, #tpu.memory_space<hbm>>) dst(%arg20 : memref<64x128xf32, #tpu.memory_space<vmem>>)
      %broadcast_in_dim3A_440 = vector.broadcast %and3A_198 : i32 to vector<16xi32>
      %gather3A_441 = tpu.vector_load_idx %arg20[%add3A_219, %broadcast_in_dim3A_440] : memref<64x128xf32, #tpu.memory_space<vmem>>[vector<16xi32>, vector<16xi32>], vector<16xf32>,
      %add3A_442 = arith.addf %add3A_416, %gather3A_441 : vector<16xf32>
      %gather3A_443 = tpu.vector_load_idx %arg20[%add3A_222, %broadcast_in_dim3A_440] : memref<64x128xf32, #tpu.memory_space<vmem>>[vector<16xi32>, vector<16xi32>], vector<16xf32>,
      %add3A_444 = arith.addf %add3A_418, %gather3A_443 : vector<16xf32>
      %gather3A_445 = tpu.vector_load_idx %arg20[%add3A_225, %broadcast_in_dim3A_440] : memref<64x128xf32, #tpu.memory_space<vmem>>[vector<16xi32>, vector<16xi32>], vector<16xf32>,
      %add3A_446 = arith.addf %add3A_420, %gather3A_445 : vector<16xf32>
      %gather3A_447 = tpu.vector_load_idx %arg20[%add3A_228, %broadcast_in_dim3A_440] : memref<64x128xf32, #tpu.memory_space<vmem>>[vector<16xi32>, vector<16xi32>], vector<16xf32>,
      %add3A_448 = arith.addf %add3A_422, %gather3A_447 : vector<16xf32>
      %slice3A_449 = vector.extract_strided_slice %gather3A_79 {offsets = [2], sizes = [1], strides = [1]} : vector<16xi32> to vector<1xi32>
      %squeeze3A_450 = vector.extract %slice3A_449[0] : i32 from vector<1xi32>
      %shift_right_arithmetic3A_451 = arith.constant 7 : i32
      %shift_right_arithmetic3A_452 = arith.shrsi %squeeze3A_450, %shift_right_arithmetic3A_451 : i32
      %shift_left3A_453 = arith.constant 7 : i32
      %shift_left3A_454 = arith.shli %shift_right_arithmetic3A_452, %shift_left3A_453 : i32
      %multiple_of3A_455 = tpu.assume_multiple %shift_left3A_454, 128 : i32
      %and3A_456 = arith.constant 127 : i32
      %and3A_457 = arith.andi %squeeze3A_450, %and3A_456 : i32
      %dma_start3A_458 = arith.constant 0 : i32
      %dma_start3A_459 = tpu.memref_slice %arg9[%dma_start3A_458, %multiple_of3A_455] : memref<64x1000000xf32, #tpu.memory_space<hbm>> -> memref<64x128xf32, #tpu.memory_space<hbm>>
      %dma_start3A_460 = arith.constant 0 : i32
      %dma_start3A_461 = tpu.memref_slice %arg9[%dma_start3A_460, %multiple_of3A_455] : memref<64x1000000xf32, #tpu.memory_space<hbm>> -> memref<64x128xf32, #tpu.memory_space<hbm>>
      tpu.enqueue_dma source(%dma_start3A_461 : memref<64x128xf32, #tpu.memory_space<hbm>>) target(%arg20 : memref<64x128xf32, #tpu.memory_space<vmem>>) target_semaphore(%arg31 : memref<!tpu.dma_semaphore, #tpu.memory_space<semaphore_mem>>)
      %dma_wait3A_462 = arith.constant 0 : i32
      %dma_wait3A_463 = tpu.memref_slice %arg9[%dma_wait3A_462, %multiple_of3A_209] : memref<64x1000000xf32, #tpu.memory_space<hbm>> -> memref<64x128xf32, #tpu.memory_space<hbm>>
      %dma_wait3A_464 = arith.constant 0 : i32
      %dma_wait3A_465 = tpu.memref_slice %arg9[%dma_wait3A_464, %multiple_of3A_209] : memref<64x1000000xf32, #tpu.memory_space<hbm>> -> memref<64x128xf32, #tpu.memory_space<hbm>>
      tpu.wait_dma2 semaphore(%arg32 : memref<!tpu.dma_semaphore, #tpu.memory_space<semaphore_mem>>) src(%dma_wait3A_465 : memref<64x128xf32, #tpu.memory_space<hbm>>) dst(%arg21 : memref<64x128xf32, #tpu.memory_space<vmem>>)
      %broadcast_in_dim3A_466 = vector.broadcast %and3A_211 : i32 to vector<16xi32>
      %gather3A_467 = tpu.vector_load_idx %arg21[%add3A_219, %broadcast_in_dim3A_466] : memref<64x128xf32, #tpu.memory_space<vmem>>[vector<16xi32>, vector<16xi32>], vector<16xf32>,
      %add3A_468 = arith.addf %add3A_442, %gather3A_467 : vector<16xf32>
      %gather3A_469 = tpu.vector_load_idx %arg21[%add3A_222, %broadcast_in_dim3A_466] : memref<64x128xf32, #tpu.memory_space<vmem>>[vector<16xi32>, vector<16xi32>], vector<16xf32>,
      %add3A_470 = arith.addf %add3A_444, %gather3A_469 : vector<16xf32>
      %gather3A_471 = tpu.vector_load_idx %arg21[%add3A_225, %broadcast_in_dim3A_466] : memref<64x128xf32, #tpu.memory_space<vmem>>[vector<16xi32>, vector<16xi32>], vector<16xf32>,
      %add3A_472 = arith.addf %add3A_446, %gather3A_471 : vector<16xf32>
      %gather3A_473 = tpu.vector_load_idx %arg21[%add3A_228, %broadcast_in_dim3A_466] : memref<64x128xf32, #tpu.memory_space<vmem>>[vector<16xi32>, vector<16xi32>], vector<16xf32>,
      %add3A_474 = arith.addf %add3A_448, %gather3A_473 : vector<16xf32>
      %slice3A_475 = vector.extract_strided_slice %gather3A_79 {offsets = [3], sizes = [1], strides = [1]} : vector<16xi32> to vector<1xi32>
      %squeeze3A_476 = vector.extract %slice3A_475[0] : i32 from vector<1xi32>
      %shift_right_arithmetic3A_477 = arith.constant 7 : i32
      %shift_right_arithmetic3A_478 = arith.shrsi %squeeze3A_476, %shift_right_arithmetic3A_477 : i32
      %shift_left3A_479 = arith.constant 7 : i32
      %shift_left3A_480 = arith.shli %shift_right_arithmetic3A_478, %shift_left3A_479 : i32
      %multiple_of3A_481 = tpu.assume_multiple %shift_left3A_480, 128 : i32
      %and3A_482 = arith.constant 127 : i32
      %and3A_483 = arith.andi %squeeze3A_476, %and3A_482 : i32
      %dma_start3A_484 = arith.constant 0 : i32
      %dma_start3A_485 = tpu.memref_slice %arg9[%dma_start3A_484, %multiple_of3A_481] : memref<64x1000000xf32, #tpu.memory_space<hbm>> -> memref<64x128xf32, #tpu.memory_space<hbm>>
      %dma_start3A_486 = arith.constant 0 : i32
      %dma_start3A_487 = tpu.memref_slice %arg9[%dma_start3A_486, %multiple_of3A_481] : memref<64x1000000xf32, #tpu.memory_space<hbm>> -> memref<64x128xf32, #tpu.memory_space<hbm>>
      tpu.enqueue_dma source(%dma_start3A_487 : memref<64x128xf32, #tpu.memory_space<hbm>>) target(%arg21 : memref<64x128xf32, #tpu.memory_space<vmem>>) target_semaphore(%arg32 : memref<!tpu.dma_semaphore, #tpu.memory_space<semaphore_mem>>)
      %dma_wait3A_488 = arith.constant 0 : i32
      %dma_wait3A_489 = tpu.memref_slice %arg9[%dma_wait3A_488, %multiple_of3A_247] : memref<64x1000000xf32, #tpu.memory_space<hbm>> -> memref<64x128xf32, #tpu.memory_space<hbm>>
      %dma_wait3A_490 = arith.constant 0 : i32
      %dma_wait3A_491 = tpu.memref_slice %arg9[%dma_wait3A_490, %multiple_of3A_247] : memref<64x1000000xf32, #tpu.memory_space<hbm>> -> memref<64x128xf32, #tpu.memory_space<hbm>>
      tpu.wait_dma2 semaphore(%arg23 : memref<!tpu.dma_semaphore, #tpu.memory_space<semaphore_mem>>) src(%dma_wait3A_491 : memref<64x128xf32, #tpu.memory_space<hbm>>) dst(%arg12 : memref<64x128xf32, #tpu.memory_space<vmem>>)
      %broadcast_in_dim3A_492 = vector.broadcast %and3A_249 : i32 to vector<16xi32>
      %gather3A_493 = tpu.vector_load_idx %arg12[%add3A_219, %broadcast_in_dim3A_492] : memref<64x128xf32, #tpu.memory_space<vmem>>[vector<16xi32>, vector<16xi32>], vector<16xf32>,
      %add3A_494 = arith.addf %add3A_468, %gather3A_493 : vector<16xf32>
      %gather3A_495 = tpu.vector_load_idx %arg12[%add3A_222, %broadcast_in_dim3A_492] : memref<64x128xf32, #tpu.memory_space<vmem>>[vector<16xi32>, vector<16xi32>], vector<16xf32>,
      %add3A_496 = arith.addf %add3A_470, %gather3A_495 : vector<16xf32>
      %gather3A_497 = tpu.vector_load_idx %arg12[%add3A_225, %broadcast_in_dim3A_492] : memref<64x128xf32, #tpu.memory_space<vmem>>[vector<16xi32>, vector<16xi32>], vector<16xf32>,
      %add3A_498 = arith.addf %add3A_472, %gather3A_497 : vector<16xf32>
      %gather3A_499 = tpu.vector_load_idx %arg12[%add3A_228, %broadcast_in_dim3A_492] : memref<64x128xf32, #tpu.memory_space<vmem>>[vector<16xi32>, vector<16xi32>], vector<16xf32>,
      %add3A_500 = arith.addf %add3A_474, %gather3A_499 : vector<16xf32>
      %slice3A_501 = vector.extract_strided_slice %gather3A_79 {offsets = [4], sizes = [1], strides = [1]} : vector<16xi32> to vector<1xi32>
      %squeeze3A_502 = vector.extract %slice3A_501[0] : i32 from vector<1xi32>
      %shift_right_arithmetic3A_503 = arith.constant 7 : i32
      %shift_right_arithmetic3A_504 = arith.shrsi %squeeze3A_502, %shift_right_arithmetic3A_503 : i32
      %shift_left3A_505 = arith.constant 7 : i32
      %shift_left3A_506 = arith.shli %shift_right_arithmetic3A_504, %shift_left3A_505 : i32
      %multiple_of3A_507 = tpu.assume_multiple %shift_left3A_506, 128 : i32
      %and3A_508 = arith.constant 127 : i32
      %and3A_509 = arith.andi %squeeze3A_502, %and3A_508 : i32
      %dma_start3A_510 = arith.constant 0 : i32
      %dma_start3A_511 = tpu.memref_slice %arg9[%dma_start3A_510, %multiple_of3A_507] : memref<64x1000000xf32, #tpu.memory_space<hbm>> -> memref<64x128xf32, #tpu.memory_space<hbm>>
      %dma_start3A_512 = arith.constant 0 : i32
      %dma_start3A_513 = tpu.memref_slice %arg9[%dma_start3A_512, %multiple_of3A_507] : memref<64x1000000xf32, #tpu.memory_space<hbm>> -> memref<64x128xf32, #tpu.memory_space<hbm>>
      tpu.enqueue_dma source(%dma_start3A_513 : memref<64x128xf32, #tpu.memory_space<hbm>>) target(%arg12 : memref<64x128xf32, #tpu.memory_space<vmem>>) target_semaphore(%arg23 : memref<!tpu.dma_semaphore, #tpu.memory_space<semaphore_mem>>)
      %dma_wait3A_514 = arith.constant 0 : i32
      %dma_wait3A_515 = tpu.memref_slice %arg9[%dma_wait3A_514, %multiple_of3A_273] : memref<64x1000000xf32, #tpu.memory_space<hbm>> -> memref<64x128xf32, #tpu.memory_space<hbm>>
      %dma_wait3A_516 = arith.constant 0 : i32
      %dma_wait3A_517 = tpu.memref_slice %arg9[%dma_wait3A_516, %multiple_of3A_273] : memref<64x1000000xf32, #tpu.memory_space<hbm>> -> memref<64x128xf32, #tpu.memory_space<hbm>>
      tpu.wait_dma2 semaphore(%arg24 : memref<!tpu.dma_semaphore, #tpu.memory_space<semaphore_mem>>) src(%dma_wait3A_517 : memref<64x128xf32, #tpu.memory_space<hbm>>) dst(%arg13 : memref<64x128xf32, #tpu.memory_space<vmem>>)
      %broadcast_in_dim3A_518 = vector.broadcast %and3A_275 : i32 to vector<16xi32>
      %gather3A_519 = tpu.vector_load_idx %arg13[%add3A_219, %broadcast_in_dim3A_518] : memref<64x128xf32, #tpu.memory_space<vmem>>[vector<16xi32>, vector<16xi32>], vector<16xf32>,
      %add3A_520 = arith.addf %add3A_494, %gather3A_519 : vector<16xf32>
      %gather3A_521 = tpu.vector_load_idx %arg13[%add3A_222, %broadcast_in_dim3A_518] : memref<64x128xf32, #tpu.memory_space<vmem>>[vector<16xi32>, vector<16xi32>], vector<16xf32>,
      %add3A_522 = arith.addf %add3A_496, %gather3A_521 : vector<16xf32>
      %gather3A_523 = tpu.vector_load_idx %arg13[%add3A_225, %broadcast_in_dim3A_518] : memref<64x128xf32, #tpu.memory_space<vmem>>[vector<16xi32>, vector<16xi32>], vector<16xf32>,
      %add3A_524 = arith.addf %add3A_498, %gather3A_523 : vector<16xf32>
      %gather3A_525 = tpu.vector_load_idx %arg13[%add3A_228, %broadcast_in_dim3A_518] : memref<64x128xf32, #tpu.memory_space<vmem>>[vector<16xi32>, vector<16xi32>], vector<16xf32>,
      %add3A_526 = arith.addf %add3A_500, %gather3A_525 : vector<16xf32>
      %slice3A_527 = vector.extract_strided_slice %gather3A_79 {offsets = [5], sizes = [1], strides = [1]} : vector<16xi32> to vector<1xi32>
      %squeeze3A_528 = vector.extract %slice3A_527[0] : i32 from vector<1xi32>
      %shift_right_arithmetic3A_529 = arith.constant 7 : i32
      %shift_right_arithmetic3A_530 = arith.shrsi %squeeze3A_528, %shift_right_arithmetic3A_529 : i32
      %shift_left3A_531 = arith.constant 7 : i32
      %shift_left3A_532 = arith.shli %shift_right_arithmetic3A_530, %shift_left3A_531 : i32
      %multiple_of3A_533 = tpu.assume_multiple %shift_left3A_532, 128 : i32
      %and3A_534 = arith.constant 127 : i32
      %and3A_535 = arith.andi %squeeze3A_528, %and3A_534 : i32
      %dma_start3A_536 = arith.constant 0 : i32
      %dma_start3A_537 = tpu.memref_slice %arg9[%dma_start3A_536, %multiple_of3A_533] : memref<64x1000000xf32, #tpu.memory_space<hbm>> -> memref<64x128xf32, #tpu.memory_space<hbm>>
      %dma_start3A_538 = arith.constant 0 : i32
      %dma_start3A_539 = tpu.memref_slice %arg9[%dma_start3A_538, %multiple_of3A_533] : memref<64x1000000xf32, #tpu.memory_space<hbm>> -> memref<64x128xf32, #tpu.memory_space<hbm>>
      tpu.enqueue_dma source(%dma_start3A_539 : memref<64x128xf32, #tpu.memory_space<hbm>>) target(%arg13 : memref<64x128xf32, #tpu.memory_space<vmem>>) target_semaphore(%arg24 : memref<!tpu.dma_semaphore, #tpu.memory_space<semaphore_mem>>)
      %dma_wait3A_540 = arith.constant 0 : i32
      %dma_wait3A_541 = tpu.memref_slice %arg9[%dma_wait3A_540, %multiple_of3A_299] : memref<64x1000000xf32, #tpu.memory_space<hbm>> -> memref<64x128xf32, #tpu.memory_space<hbm>>
      %dma_wait3A_542 = arith.constant 0 : i32
      %dma_wait3A_543 = tpu.memref_slice %arg9[%dma_wait3A_542, %multiple_of3A_299] : memref<64x1000000xf32, #tpu.memory_space<hbm>> -> memref<64x128xf32, #tpu.memory_space<hbm>>
      tpu.wait_dma2 semaphore(%arg25 : memref<!tpu.dma_semaphore, #tpu.memory_space<semaphore_mem>>) src(%dma_wait3A_543 : memref<64x128xf32, #tpu.memory_space<hbm>>) dst(%arg14 : memref<64x128xf32, #tpu.memory_space<vmem>>)
      %broadcast_in_dim3A_544 = vector.broadcast %and3A_301 : i32 to vector<16xi32>
      %gather3A_545 = tpu.vector_load_idx %arg14[%add3A_219, %broadcast_in_dim3A_544] : memref<64x128xf32, #tpu.memory_space<vmem>>[vector<16xi32>, vector<16xi32>], vector<16xf32>,
      %add3A_546 = arith.addf %add3A_520, %gather3A_545 : vector<16xf32>
      %gather3A_547 = tpu.vector_load_idx %arg14[%add3A_222, %broadcast_in_dim3A_544] : memref<64x128xf32, #tpu.memory_space<vmem>>[vector<16xi32>, vector<16xi32>], vector<16xf32>,
      %add3A_548 = arith.addf %add3A_522, %gather3A_547 : vector<16xf32>
      %gather3A_549 = tpu.vector_load_idx %arg14[%add3A_225, %broadcast_in_dim3A_544] : memref<64x128xf32, #tpu.memory_space<vmem>>[vector<16xi32>, vector<16xi32>], vector<16xf32>,
      %add3A_550 = arith.addf %add3A_524, %gather3A_549 : vector<16xf32>
      %gather3A_551 = tpu.vector_load_idx %arg14[%add3A_228, %broadcast_in_dim3A_544] : memref<64x128xf32, #tpu.memory_space<vmem>>[vector<16xi32>, vector<16xi32>], vector<16xf32>,
      %add3A_552 = arith.addf %add3A_526, %gather3A_551 : vector<16xf32>
      %slice3A_553 = vector.extract_strided_slice %gather3A_79 {offsets = [6], sizes = [1], strides = [1]} : vector<16xi32> to vector<1xi32>
      %squeeze3A_554 = vector.extract %slice3A_553[0] : i32 from vector<1xi32>
      %shift_right_arithmetic3A_555 = arith.constant 7 : i32
      %shift_right_arithmetic3A_556 = arith.shrsi %squeeze3A_554, %shift_right_arithmetic3A_555 : i32
      %shift_left3A_557 = arith.constant 7 : i32
      %shift_left3A_558 = arith.shli %shift_right_arithmetic3A_556, %shift_left3A_557 : i32
      %multiple_of3A_559 = tpu.assume_multiple %shift_left3A_558, 128 : i32
      %and3A_560 = arith.constant 127 : i32
      %and3A_561 = arith.andi %squeeze3A_554, %and3A_560 : i32
      %dma_start3A_562 = arith.constant 0 : i32
      %dma_start3A_563 = tpu.memref_slice %arg9[%dma_start3A_562, %multiple_of3A_559] : memref<64x1000000xf32, #tpu.memory_space<hbm>> -> memref<64x128xf32, #tpu.memory_space<hbm>>
      %dma_start3A_564 = arith.constant 0 : i32
      %dma_start3A_565 = tpu.memref_slice %arg9[%dma_start3A_564, %multiple_of3A_559] : memref<64x1000000xf32, #tpu.memory_space<hbm>> -> memref<64x128xf32, #tpu.memory_space<hbm>>
      tpu.enqueue_dma source(%dma_start3A_565 : memref<64x128xf32, #tpu.memory_space<hbm>>) target(%arg14 : memref<64x128xf32, #tpu.memory_space<vmem>>) target_semaphore(%arg25 : memref<!tpu.dma_semaphore, #tpu.memory_space<semaphore_mem>>)
      %dma_wait3A_566 = arith.constant 0 : i32
      %dma_wait3A_567 = tpu.memref_slice %arg9[%dma_wait3A_566, %multiple_of3A_325] : memref<64x1000000xf32, #tpu.memory_space<hbm>> -> memref<64x128xf32, #tpu.memory_space<hbm>>
      %dma_wait3A_568 = arith.constant 0 : i32
      %dma_wait3A_569 = tpu.memref_slice %arg9[%dma_wait3A_568, %multiple_of3A_325] : memref<64x1000000xf32, #tpu.memory_space<hbm>> -> memref<64x128xf32, #tpu.memory_space<hbm>>
      tpu.wait_dma2 semaphore(%arg26 : memref<!tpu.dma_semaphore, #tpu.memory_space<semaphore_mem>>) src(%dma_wait3A_569 : memref<64x128xf32, #tpu.memory_space<hbm>>) dst(%arg15 : memref<64x128xf32, #tpu.memory_space<vmem>>)
      %broadcast_in_dim3A_570 = vector.broadcast %and3A_327 : i32 to vector<16xi32>
      %gather3A_571 = tpu.vector_load_idx %arg15[%add3A_219, %broadcast_in_dim3A_570] : memref<64x128xf32, #tpu.memory_space<vmem>>[vector<16xi32>, vector<16xi32>], vector<16xf32>,
      %add3A_572 = arith.addf %add3A_546, %gather3A_571 : vector<16xf32>
      %gather3A_573 = tpu.vector_load_idx %arg15[%add3A_222, %broadcast_in_dim3A_570] : memref<64x128xf32, #tpu.memory_space<vmem>>[vector<16xi32>, vector<16xi32>], vector<16xf32>,
      %add3A_574 = arith.addf %add3A_548, %gather3A_573 : vector<16xf32>
      %gather3A_575 = tpu.vector_load_idx %arg15[%add3A_225, %broadcast_in_dim3A_570] : memref<64x128xf32, #tpu.memory_space<vmem>>[vector<16xi32>, vector<16xi32>], vector<16xf32>,
      %add3A_576 = arith.addf %add3A_550, %gather3A_575 : vector<16xf32>
      %gather3A_577 = tpu.vector_load_idx %arg15[%add3A_228, %broadcast_in_dim3A_570] : memref<64x128xf32, #tpu.memory_space<vmem>>[vector<16xi32>, vector<16xi32>], vector<16xf32>,
      %add3A_578 = arith.addf %add3A_552, %gather3A_577 : vector<16xf32>
      %slice3A_579 = vector.extract_strided_slice %gather3A_79 {offsets = [7], sizes = [1], strides = [1]} : vector<16xi32> to vector<1xi32>
      %squeeze3A_580 = vector.extract %slice3A_579[0] : i32 from vector<1xi32>
      %shift_right_arithmetic3A_581 = arith.constant 7 : i32
      %shift_right_arithmetic3A_582 = arith.shrsi %squeeze3A_580, %shift_right_arithmetic3A_581 : i32
      %shift_left3A_583 = arith.constant 7 : i32
      %shift_left3A_584 = arith.shli %shift_right_arithmetic3A_582, %shift_left3A_583 : i32
      %multiple_of3A_585 = tpu.assume_multiple %shift_left3A_584, 128 : i32
      %and3A_586 = arith.constant 127 : i32
      %and3A_587 = arith.andi %squeeze3A_580, %and3A_586 : i32
      %dma_start3A_588 = arith.constant 0 : i32
      %dma_start3A_589 = tpu.memref_slice %arg9[%dma_start3A_588, %multiple_of3A_585] : memref<64x1000000xf32, #tpu.memory_space<hbm>> -> memref<64x128xf32, #tpu.memory_space<hbm>>
      %dma_start3A_590 = arith.constant 0 : i32
      %dma_start3A_591 = tpu.memref_slice %arg9[%dma_start3A_590, %multiple_of3A_585] : memref<64x1000000xf32, #tpu.memory_space<hbm>> -> memref<64x128xf32, #tpu.memory_space<hbm>>
      tpu.enqueue_dma source(%dma_start3A_591 : memref<64x128xf32, #tpu.memory_space<hbm>>) target(%arg15 : memref<64x128xf32, #tpu.memory_space<vmem>>) target_semaphore(%arg26 : memref<!tpu.dma_semaphore, #tpu.memory_space<semaphore_mem>>)
      %dma_wait3A_592 = arith.constant 0 : i32
      %dma_wait3A_593 = tpu.memref_slice %arg9[%dma_wait3A_592, %multiple_of3A_351] : memref<64x1000000xf32, #tpu.memory_space<hbm>> -> memref<64x128xf32, #tpu.memory_space<hbm>>
      %dma_wait3A_594 = arith.constant 0 : i32
      %dma_wait3A_595 = tpu.memref_slice %arg9[%dma_wait3A_594, %multiple_of3A_351] : memref<64x1000000xf32, #tpu.memory_space<hbm>> -> memref<64x128xf32, #tpu.memory_space<hbm>>
      tpu.wait_dma2 semaphore(%arg27 : memref<!tpu.dma_semaphore, #tpu.memory_space<semaphore_mem>>) src(%dma_wait3A_595 : memref<64x128xf32, #tpu.memory_space<hbm>>) dst(%arg16 : memref<64x128xf32, #tpu.memory_space<vmem>>)
      %broadcast_in_dim3A_596 = vector.broadcast %and3A_353 : i32 to vector<16xi32>
      %gather3A_597 = tpu.vector_load_idx %arg16[%add3A_219, %broadcast_in_dim3A_596] : memref<64x128xf32, #tpu.memory_space<vmem>>[vector<16xi32>, vector<16xi32>], vector<16xf32>,
      %add3A_598 = arith.addf %add3A_572, %gather3A_597 : vector<16xf32>
      %gather3A_599 = tpu.vector_load_idx %arg16[%add3A_222, %broadcast_in_dim3A_596] : memref<64x128xf32, #tpu.memory_space<vmem>>[vector<16xi32>, vector<16xi32>], vector<16xf32>,
      %add3A_600 = arith.addf %add3A_574, %gather3A_599 : vector<16xf32>
      %gather3A_601 = tpu.vector_load_idx %arg16[%add3A_225, %broadcast_in_dim3A_596] : memref<64x128xf32, #tpu.memory_space<vmem>>[vector<16xi32>, vector<16xi32>], vector<16xf32>,
      %add3A_602 = arith.addf %add3A_576, %gather3A_601 : vector<16xf32>
      %gather3A_603 = tpu.vector_load_idx %arg16[%add3A_228, %broadcast_in_dim3A_596] : memref<64x128xf32, #tpu.memory_space<vmem>>[vector<16xi32>, vector<16xi32>], vector<16xf32>,
      %add3A_604 = arith.addf %add3A_578, %gather3A_603 : vector<16xf32>
      %slice3A_605 = vector.extract_strided_slice %gather3A_79 {offsets = [8], sizes = [1], strides = [1]} : vector<16xi32> to vector<1xi32>
      %squeeze3A_606 = vector.extract %slice3A_605[0] : i32 from vector<1xi32>
      %shift_right_arithmetic3A_607 = arith.constant 7 : i32
      %shift_right_arithmetic3A_608 = arith.shrsi %squeeze3A_606, %shift_right_arithmetic3A_607 : i32
      %shift_left3A_609 = arith.constant 7 : i32
      %shift_left3A_610 = arith.shli %shift_right_arithmetic3A_608, %shift_left3A_609 : i32
      %multiple_of3A_611 = tpu.assume_multiple %shift_left3A_610, 128 : i32
      %and3A_612 = arith.constant 127 : i32
      %and3A_613 = arith.andi %squeeze3A_606, %and3A_612 : i32
      %dma_start3A_614 = arith.constant 0 : i32
      %dma_start3A_615 = tpu.memref_slice %arg9[%dma_start3A_614, %multiple_of3A_611] : memref<64x1000000xf32, #tpu.memory_space<hbm>> -> memref<64x128xf32, #tpu.memory_space<hbm>>
      %dma_start3A_616 = arith.constant 0 : i32
      %dma_start3A_617 = tpu.memref_slice %arg9[%dma_start3A_616, %multiple_of3A_611] : memref<64x1000000xf32, #tpu.memory_space<hbm>> -> memref<64x128xf32, #tpu.memory_space<hbm>>
      tpu.enqueue_dma source(%dma_start3A_617 : memref<64x128xf32, #tpu.memory_space<hbm>>) target(%arg16 : memref<64x128xf32, #tpu.memory_space<vmem>>) target_semaphore(%arg27 : memref<!tpu.dma_semaphore, #tpu.memory_space<semaphore_mem>>)
      %dma_wait3A_618 = arith.constant 0 : i32
      %dma_wait3A_619 = tpu.memref_slice %arg9[%dma_wait3A_618, %multiple_of3A_377] : memref<64x1000000xf32, #tpu.memory_space<hbm>> -> memref<64x128xf32, #tpu.memory_space<hbm>>
      %dma_wait3A_620 = arith.constant 0 : i32
      %dma_wait3A_621 = tpu.memref_slice %arg9[%dma_wait3A_620, %multiple_of3A_377] : memref<64x1000000xf32, #tpu.memory_space<hbm>> -> memref<64x128xf32, #tpu.memory_space<hbm>>
      tpu.wait_dma2 semaphore(%arg28 : memref<!tpu.dma_semaphore, #tpu.memory_space<semaphore_mem>>) src(%dma_wait3A_621 : memref<64x128xf32, #tpu.memory_space<hbm>>) dst(%arg17 : memref<64x128xf32, #tpu.memory_space<vmem>>)
      %broadcast_in_dim3A_622 = vector.broadcast %and3A_379 : i32 to vector<16xi32>
      %gather3A_623 = tpu.vector_load_idx %arg17[%add3A_219, %broadcast_in_dim3A_622] : memref<64x128xf32, #tpu.memory_space<vmem>>[vector<16xi32>, vector<16xi32>], vector<16xf32>,
      %add3A_624 = arith.addf %add3A_598, %gather3A_623 : vector<16xf32>
      %gather3A_625 = tpu.vector_load_idx %arg17[%add3A_222, %broadcast_in_dim3A_622] : memref<64x128xf32, #tpu.memory_space<vmem>>[vector<16xi32>, vector<16xi32>], vector<16xf32>,
      %add3A_626 = arith.addf %add3A_600, %gather3A_625 : vector<16xf32>
      %gather3A_627 = tpu.vector_load_idx %arg17[%add3A_225, %broadcast_in_dim3A_622] : memref<64x128xf32, #tpu.memory_space<vmem>>[vector<16xi32>, vector<16xi32>], vector<16xf32>,
      %add3A_628 = arith.addf %add3A_602, %gather3A_627 : vector<16xf32>
      %gather3A_629 = tpu.vector_load_idx %arg17[%add3A_228, %broadcast_in_dim3A_622] : memref<64x128xf32, #tpu.memory_space<vmem>>[vector<16xi32>, vector<16xi32>], vector<16xf32>,
      %add3A_630 = arith.addf %add3A_604, %gather3A_629 : vector<16xf32>
      %slice3A_631 = vector.extract_strided_slice %gather3A_79 {offsets = [9], sizes = [1], strides = [1]} : vector<16xi32> to vector<1xi32>
      %squeeze3A_632 = vector.extract %slice3A_631[0] : i32 from vector<1xi32>
      %shift_right_arithmetic3A_633 = arith.constant 7 : i32
      %shift_right_arithmetic3A_634 = arith.shrsi %squeeze3A_632, %shift_right_arithmetic3A_633 : i32
      %shift_left3A_635 = arith.constant 7 : i32
      %shift_left3A_636 = arith.shli %shift_right_arithmetic3A_634, %shift_left3A_635 : i32
      %multiple_of3A_637 = tpu.assume_multiple %shift_left3A_636, 128 : i32
      %and3A_638 = arith.constant 127 : i32
      %and3A_639 = arith.andi %squeeze3A_632, %and3A_638 : i32
      %dma_start3A_640 = arith.constant 0 : i32
      %dma_start3A_641 = tpu.memref_slice %arg9[%dma_start3A_640, %multiple_of3A_637] : memref<64x1000000xf32, #tpu.memory_space<hbm>> -> memref<64x128xf32, #tpu.memory_space<hbm>>
      %dma_start3A_642 = arith.constant 0 : i32
      %dma_start3A_643 = tpu.memref_slice %arg9[%dma_start3A_642, %multiple_of3A_637] : memref<64x1000000xf32, #tpu.memory_space<hbm>> -> memref<64x128xf32, #tpu.memory_space<hbm>>
      tpu.enqueue_dma source(%dma_start3A_643 : memref<64x128xf32, #tpu.memory_space<hbm>>) target(%arg17 : memref<64x128xf32, #tpu.memory_space<vmem>>) target_semaphore(%arg28 : memref<!tpu.dma_semaphore, #tpu.memory_space<semaphore_mem>>)
      %dma_wait3A_644 = arith.constant 0 : i32
      %dma_wait3A_645 = tpu.memref_slice %arg9[%dma_wait3A_644, %multiple_of3A_403] : memref<64x1000000xf32, #tpu.memory_space<hbm>> -> memref<64x128xf32, #tpu.memory_space<hbm>>
      %dma_wait3A_646 = arith.constant 0 : i32
      %dma_wait3A_647 = tpu.memref_slice %arg9[%dma_wait3A_646, %multiple_of3A_403] : memref<64x1000000xf32, #tpu.memory_space<hbm>> -> memref<64x128xf32, #tpu.memory_space<hbm>>
      tpu.wait_dma2 semaphore(%arg29 : memref<!tpu.dma_semaphore, #tpu.memory_space<semaphore_mem>>) src(%dma_wait3A_647 : memref<64x128xf32, #tpu.memory_space<hbm>>) dst(%arg18 : memref<64x128xf32, #tpu.memory_space<vmem>>)
      %broadcast_in_dim3A_648 = vector.broadcast %and3A_405 : i32 to vector<16xi32>
      %gather3A_649 = tpu.vector_load_idx %arg18[%add3A_219, %broadcast_in_dim3A_648] : memref<64x128xf32, #tpu.memory_space<vmem>>[vector<16xi32>, vector<16xi32>], vector<16xf32>,
      %add3A_650 = arith.addf %add3A_624, %gather3A_649 : vector<16xf32>
      %gather3A_651 = tpu.vector_load_idx %arg18[%add3A_222, %broadcast_in_dim3A_648] : memref<64x128xf32, #tpu.memory_space<vmem>>[vector<16xi32>, vector<16xi32>], vector<16xf32>,
      %add3A_652 = arith.addf %add3A_626, %gather3A_651 : vector<16xf32>
      %gather3A_653 = tpu.vector_load_idx %arg18[%add3A_225, %broadcast_in_dim3A_648] : memref<64x128xf32, #tpu.memory_space<vmem>>[vector<16xi32>, vector<16xi32>], vector<16xf32>,
      %add3A_654 = arith.addf %add3A_628, %gather3A_653 : vector<16xf32>
      %gather3A_655 = tpu.vector_load_idx %arg18[%add3A_228, %broadcast_in_dim3A_648] : memref<64x128xf32, #tpu.memory_space<vmem>>[vector<16xi32>, vector<16xi32>], vector<16xf32>,
      %add3A_656 = arith.addf %add3A_630, %gather3A_655 : vector<16xf32>
      %slice3A_657 = vector.extract_strided_slice %gather3A_79 {offsets = [10], sizes = [1], strides = [1]} : vector<16xi32> to vector<1xi32>
      %squeeze3A_658 = vector.extract %slice3A_657[0] : i32 from vector<1xi32>
      %shift_right_arithmetic3A_659 = arith.constant 7 : i32
      %shift_right_arithmetic3A_660 = arith.shrsi %squeeze3A_658, %shift_right_arithmetic3A_659 : i32
      %shift_left3A_661 = arith.constant 7 : i32
      %shift_left3A_662 = arith.shli %shift_right_arithmetic3A_660, %shift_left3A_661 : i32
      %multiple_of3A_663 = tpu.assume_multiple %shift_left3A_662, 128 : i32
      %and3A_664 = arith.constant 127 : i32
      %and3A_665 = arith.andi %squeeze3A_658, %and3A_664 : i32
      %dma_start3A_666 = arith.constant 0 : i32
      %dma_start3A_667 = tpu.memref_slice %arg9[%dma_start3A_666, %multiple_of3A_663] : memref<64x1000000xf32, #tpu.memory_space<hbm>> -> memref<64x128xf32, #tpu.memory_space<hbm>>
      %dma_start3A_668 = arith.constant 0 : i32
      %dma_start3A_669 = tpu.memref_slice %arg9[%dma_start3A_668, %multiple_of3A_663] : memref<64x1000000xf32, #tpu.memory_space<hbm>> -> memref<64x128xf32, #tpu.memory_space<hbm>>
      tpu.enqueue_dma source(%dma_start3A_669 : memref<64x128xf32, #tpu.memory_space<hbm>>) target(%arg18 : memref<64x128xf32, #tpu.memory_space<vmem>>) target_semaphore(%arg29 : memref<!tpu.dma_semaphore, #tpu.memory_space<semaphore_mem>>)
      %dma_wait3A_670 = arith.constant 0 : i32
      %dma_wait3A_671 = tpu.memref_slice %arg9[%dma_wait3A_670, %multiple_of3A_429] : memref<64x1000000xf32, #tpu.memory_space<hbm>> -> memref<64x128xf32, #tpu.memory_space<hbm>>
      %dma_wait3A_672 = arith.constant 0 : i32
      %dma_wait3A_673 = tpu.memref_slice %arg9[%dma_wait3A_672, %multiple_of3A_429] : memref<64x1000000xf32, #tpu.memory_space<hbm>> -> memref<64x128xf32, #tpu.memory_space<hbm>>
      tpu.wait_dma2 semaphore(%arg30 : memref<!tpu.dma_semaphore, #tpu.memory_space<semaphore_mem>>) src(%dma_wait3A_673 : memref<64x128xf32, #tpu.memory_space<hbm>>) dst(%arg19 : memref<64x128xf32, #tpu.memory_space<vmem>>)
      %broadcast_in_dim3A_674 = vector.broadcast %and3A_431 : i32 to vector<16xi32>
      %gather3A_675 = tpu.vector_load_idx %arg19[%add3A_219, %broadcast_in_dim3A_674] : memref<64x128xf32, #tpu.memory_space<vmem>>[vector<16xi32>, vector<16xi32>], vector<16xf32>,
      %add3A_676 = arith.addf %add3A_650, %gather3A_675 : vector<16xf32>
      %gather3A_677 = tpu.vector_load_idx %arg19[%add3A_222, %broadcast_in_dim3A_674] : memref<64x128xf32, #tpu.memory_space<vmem>>[vector<16xi32>, vector<16xi32>], vector<16xf32>,
      %add3A_678 = arith.addf %add3A_652, %gather3A_677 : vector<16xf32>
      %gather3A_679 = tpu.vector_load_idx %arg19[%add3A_225, %broadcast_in_dim3A_674] : memref<64x128xf32, #tpu.memory_space<vmem>>[vector<16xi32>, vector<16xi32>], vector<16xf32>,
      %add3A_680 = arith.addf %add3A_654, %gather3A_679 : vector<16xf32>
      %gather3A_681 = tpu.vector_load_idx %arg19[%add3A_228, %broadcast_in_dim3A_674] : memref<64x128xf32, #tpu.memory_space<vmem>>[vector<16xi32>, vector<16xi32>], vector<16xf32>,
      %add3A_682 = arith.addf %add3A_656, %gather3A_681 : vector<16xf32>
      %slice3A_683 = vector.extract_strided_slice %gather3A_79 {offsets = [11], sizes = [1], strides = [1]} : vector<16xi32> to vector<1xi32>
      %squeeze3A_684 = vector.extract %slice3A_683[0] : i32 from vector<1xi32>
      %shift_right_arithmetic3A_685 = arith.constant 7 : i32
      %shift_right_arithmetic3A_686 = arith.shrsi %squeeze3A_684, %shift_right_arithmetic3A_685 : i32
      %shift_left3A_687 = arith.constant 7 : i32
      %shift_left3A_688 = arith.shli %shift_right_arithmetic3A_686, %shift_left3A_687 : i32
      %multiple_of3A_689 = tpu.assume_multiple %shift_left3A_688, 128 : i32
      %and3A_690 = arith.constant 127 : i32
      %and3A_691 = arith.andi %squeeze3A_684, %and3A_690 : i32
      %dma_start3A_692 = arith.constant 0 : i32
      %dma_start3A_693 = tpu.memref_slice %arg9[%dma_start3A_692, %multiple_of3A_689] : memref<64x1000000xf32, #tpu.memory_space<hbm>> -> memref<64x128xf32, #tpu.memory_space<hbm>>
      %dma_start3A_694 = arith.constant 0 : i32
      %dma_start3A_695 = tpu.memref_slice %arg9[%dma_start3A_694, %multiple_of3A_689] : memref<64x1000000xf32, #tpu.memory_space<hbm>> -> memref<64x128xf32, #tpu.memory_space<hbm>>
      tpu.enqueue_dma source(%dma_start3A_695 : memref<64x128xf32, #tpu.memory_space<hbm>>) target(%arg19 : memref<64x128xf32, #tpu.memory_space<vmem>>) target_semaphore(%arg30 : memref<!tpu.dma_semaphore, #tpu.memory_space<semaphore_mem>>)
      %dma_wait3A_696 = arith.constant 0 : i32
      %dma_wait3A_697 = tpu.memref_slice %arg9[%dma_wait3A_696, %multiple_of3A_455] : memref<64x1000000xf32, #tpu.memory_space<hbm>> -> memref<64x128xf32, #tpu.memory_space<hbm>>
      %dma_wait3A_698 = arith.constant 0 : i32
      %dma_wait3A_699 = tpu.memref_slice %arg9[%dma_wait3A_698, %multiple_of3A_455] : memref<64x1000000xf32, #tpu.memory_space<hbm>> -> memref<64x128xf32, #tpu.memory_space<hbm>>
      tpu.wait_dma2 semaphore(%arg31 : memref<!tpu.dma_semaphore, #tpu.memory_space<semaphore_mem>>) src(%dma_wait3A_699 : memref<64x128xf32, #tpu.memory_space<hbm>>) dst(%arg20 : memref<64x128xf32, #tpu.memory_space<vmem>>)
      %broadcast_in_dim3A_700 = vector.broadcast %and3A_457 : i32 to vector<16xi32>
      %gather3A_701 = tpu.vector_load_idx %arg20[%add3A_219, %broadcast_in_dim3A_700] : memref<64x128xf32, #tpu.memory_space<vmem>>[vector<16xi32>, vector<16xi32>], vector<16xf32>,
      %add3A_702 = arith.addf %add3A_676, %gather3A_701 : vector<16xf32>
      %gather3A_703 = tpu.vector_load_idx %arg20[%add3A_222, %broadcast_in_dim3A_700] : memref<64x128xf32, #tpu.memory_space<vmem>>[vector<16xi32>, vector<16xi32>], vector<16xf32>,
      %add3A_704 = arith.addf %add3A_678, %gather3A_703 : vector<16xf32>
      %gather3A_705 = tpu.vector_load_idx %arg20[%add3A_225, %broadcast_in_dim3A_700] : memref<64x128xf32, #tpu.memory_space<vmem>>[vector<16xi32>, vector<16xi32>], vector<16xf32>,
      %add3A_706 = arith.addf %add3A_680, %gather3A_705 : vector<16xf32>
      %gather3A_707 = tpu.vector_load_idx %arg20[%add3A_228, %broadcast_in_dim3A_700] : memref<64x128xf32, #tpu.memory_space<vmem>>[vector<16xi32>, vector<16xi32>], vector<16xf32>,
      %add3A_708 = arith.addf %add3A_682, %gather3A_707 : vector<16xf32>
      %slice3A_709 = vector.extract_strided_slice %gather3A_79 {offsets = [12], sizes = [1], strides = [1]} : vector<16xi32> to vector<1xi32>
      %squeeze3A_710 = vector.extract %slice3A_709[0] : i32 from vector<1xi32>
      %shift_right_arithmetic3A_711 = arith.constant 7 : i32
      %shift_right_arithmetic3A_712 = arith.shrsi %squeeze3A_710, %shift_right_arithmetic3A_711 : i32
      %shift_left3A_713 = arith.constant 7 : i32
      %shift_left3A_714 = arith.shli %shift_right_arithmetic3A_712, %shift_left3A_713 : i32
      %multiple_of3A_715 = tpu.assume_multiple %shift_left3A_714, 128 : i32
      %and3A_716 = arith.constant 127 : i32
      %and3A_717 = arith.andi %squeeze3A_710, %and3A_716 : i32
      %dma_start3A_718 = arith.constant 0 : i32
      %dma_start3A_719 = tpu.memref_slice %arg9[%dma_start3A_718, %multiple_of3A_715] : memref<64x1000000xf32, #tpu.memory_space<hbm>> -> memref<64x128xf32, #tpu.memory_space<hbm>>
      %dma_start3A_720 = arith.constant 0 : i32
      %dma_start3A_721 = tpu.memref_slice %arg9[%dma_start3A_720, %multiple_of3A_715] : memref<64x1000000xf32, #tpu.memory_space<hbm>> -> memref<64x128xf32, #tpu.memory_space<hbm>>
      tpu.enqueue_dma source(%dma_start3A_721 : memref<64x128xf32, #tpu.memory_space<hbm>>) target(%arg20 : memref<64x128xf32, #tpu.memory_space<vmem>>) target_semaphore(%arg31 : memref<!tpu.dma_semaphore, #tpu.memory_space<semaphore_mem>>)
      %dma_wait3A_722 = arith.constant 0 : i32
      %dma_wait3A_723 = tpu.memref_slice %arg9[%dma_wait3A_722, %multiple_of3A_481] : memref<64x1000000xf32, #tpu.memory_space<hbm>> -> memref<64x128xf32, #tpu.memory_space<hbm>>
      %dma_wait3A_724 = arith.constant 0 : i32
      %dma_wait3A_725 = tpu.memref_slice %arg9[%dma_wait3A_724, %multiple_of3A_481] : memref<64x1000000xf32, #tpu.memory_space<hbm>> -> memref<64x128xf32, #tpu.memory_space<hbm>>
      tpu.wait_dma2 semaphore(%arg32 : memref<!tpu.dma_semaphore, #tpu.memory_space<semaphore_mem>>) src(%dma_wait3A_725 : memref<64x128xf32, #tpu.memory_space<hbm>>) dst(%arg21 : memref<64x128xf32, #tpu.memory_space<vmem>>)
      %broadcast_in_dim3A_726 = vector.broadcast %and3A_483 : i32 to vector<16xi32>
      %gather3A_727 = tpu.vector_load_idx %arg21[%add3A_219, %broadcast_in_dim3A_726] : memref<64x128xf32, #tpu.memory_space<vmem>>[vector<16xi32>, vector<16xi32>], vector<16xf32>,
      %add3A_728 = arith.addf %add3A_702, %gather3A_727 : vector<16xf32>
      %gather3A_729 = tpu.vector_load_idx %arg21[%add3A_222, %broadcast_in_dim3A_726] : memref<64x128xf32, #tpu.memory_space<vmem>>[vector<16xi32>, vector<16xi32>], vector<16xf32>,
      %add3A_730 = arith.addf %add3A_704, %gather3A_729 : vector<16xf32>
      %gather3A_731 = tpu.vector_load_idx %arg21[%add3A_225, %broadcast_in_dim3A_726] : memref<64x128xf32, #tpu.memory_space<vmem>>[vector<16xi32>, vector<16xi32>], vector<16xf32>,
      %add3A_732 = arith.addf %add3A_706, %gather3A_731 : vector<16xf32>
      %gather3A_733 = tpu.vector_load_idx %arg21[%add3A_228, %broadcast_in_dim3A_726] : memref<64x128xf32, #tpu.memory_space<vmem>>[vector<16xi32>, vector<16xi32>], vector<16xf32>,
      %add3A_734 = arith.addf %add3A_708, %gather3A_733 : vector<16xf32>
      %slice3A_735 = vector.extract_strided_slice %gather3A_79 {offsets = [13], sizes = [1], strides = [1]} : vector<16xi32> to vector<1xi32>
      %squeeze3A_736 = vector.extract %slice3A_735[0] : i32 from vector<1xi32>
      %shift_right_arithmetic3A_737 = arith.constant 7 : i32
      %shift_right_arithmetic3A_738 = arith.shrsi %squeeze3A_736, %shift_right_arithmetic3A_737 : i32
      %shift_left3A_739 = arith.constant 7 : i32
      %shift_left3A_740 = arith.shli %shift_right_arithmetic3A_738, %shift_left3A_739 : i32
      %multiple_of3A_741 = tpu.assume_multiple %shift_left3A_740, 128 : i32
      %and3A_742 = arith.constant 127 : i32
      %and3A_743 = arith.andi %squeeze3A_736, %and3A_742 : i32
      %dma_start3A_744 = arith.constant 0 : i32
      %dma_start3A_745 = tpu.memref_slice %arg9[%dma_start3A_744, %multiple_of3A_741] : memref<64x1000000xf32, #tpu.memory_space<hbm>> -> memref<64x128xf32, #tpu.memory_space<hbm>>
      %dma_start3A_746 = arith.constant 0 : i32
      %dma_start3A_747 = tpu.memref_slice %arg9[%dma_start3A_746, %multiple_of3A_741] : memref<64x1000000xf32, #tpu.memory_space<hbm>> -> memref<64x128xf32, #tpu.memory_space<hbm>>
      tpu.enqueue_dma source(%dma_start3A_747 : memref<64x128xf32, #tpu.memory_space<hbm>>) target(%arg21 : memref<64x128xf32, #tpu.memory_space<vmem>>) target_semaphore(%arg32 : memref<!tpu.dma_semaphore, #tpu.memory_space<semaphore_mem>>)
      %dma_wait3A_748 = arith.constant 0 : i32
      %dma_wait3A_749 = tpu.memref_slice %arg9[%dma_wait3A_748, %multiple_of3A_507] : memref<64x1000000xf32, #tpu.memory_space<hbm>> -> memref<64x128xf32, #tpu.memory_space<hbm>>
      %dma_wait3A_750 = arith.constant 0 : i32
      %dma_wait3A_751 = tpu.memref_slice %arg9[%dma_wait3A_750, %multiple_of3A_507] : memref<64x1000000xf32, #tpu.memory_space<hbm>> -> memref<64x128xf32, #tpu.memory_space<hbm>>
      tpu.wait_dma2 semaphore(%arg23 : memref<!tpu.dma_semaphore, #tpu.memory_space<semaphore_mem>>) src(%dma_wait3A_751 : memref<64x128xf32, #tpu.memory_space<hbm>>) dst(%arg12 : memref<64x128xf32, #tpu.memory_space<vmem>>)
      %broadcast_in_dim3A_752 = vector.broadcast %and3A_509 : i32 to vector<16xi32>
      %gather3A_753 = tpu.vector_load_idx %arg12[%add3A_219, %broadcast_in_dim3A_752] : memref<64x128xf32, #tpu.memory_space<vmem>>[vector<16xi32>, vector<16xi32>], vector<16xf32>,
      %add3A_754 = arith.addf %add3A_728, %gather3A_753 : vector<16xf32>
      %gather3A_755 = tpu.vector_load_idx %arg12[%add3A_222, %broadcast_in_dim3A_752] : memref<64x128xf32, #tpu.memory_space<vmem>>[vector<16xi32>, vector<16xi32>], vector<16xf32>,
      %add3A_756 = arith.addf %add3A_730, %gather3A_755 : vector<16xf32>
      %gather3A_757 = tpu.vector_load_idx %arg12[%add3A_225, %broadcast_in_dim3A_752] : memref<64x128xf32, #tpu.memory_space<vmem>>[vector<16xi32>, vector<16xi32>], vector<16xf32>,
      %add3A_758 = arith.addf %add3A_732, %gather3A_757 : vector<16xf32>
      %gather3A_759 = tpu.vector_load_idx %arg12[%add3A_228, %broadcast_in_dim3A_752] : memref<64x128xf32, #tpu.memory_space<vmem>>[vector<16xi32>, vector<16xi32>], vector<16xf32>,
      %add3A_760 = arith.addf %add3A_734, %gather3A_759 : vector<16xf32>
      %slice3A_761 = vector.extract_strided_slice %gather3A_79 {offsets = [14], sizes = [1], strides = [1]} : vector<16xi32> to vector<1xi32>
      %squeeze3A_762 = vector.extract %slice3A_761[0] : i32 from vector<1xi32>
      %shift_right_arithmetic3A_763 = arith.constant 7 : i32
      %shift_right_arithmetic3A_764 = arith.shrsi %squeeze3A_762, %shift_right_arithmetic3A_763 : i32
      %shift_left3A_765 = arith.constant 7 : i32
      %shift_left3A_766 = arith.shli %shift_right_arithmetic3A_764, %shift_left3A_765 : i32
      %multiple_of3A_767 = tpu.assume_multiple %shift_left3A_766, 128 : i32
      %and3A_768 = arith.constant 127 : i32
      %and3A_769 = arith.andi %squeeze3A_762, %and3A_768 : i32
      %dma_start3A_770 = arith.constant 0 : i32
      %dma_start3A_771 = tpu.memref_slice %arg9[%dma_start3A_770, %multiple_of3A_767] : memref<64x1000000xf32, #tpu.memory_space<hbm>> -> memref<64x128xf32, #tpu.memory_space<hbm>>
      %dma_start3A_772 = arith.constant 0 : i32
      %dma_start3A_773 = tpu.memref_slice %arg9[%dma_start3A_772, %multiple_of3A_767] : memref<64x1000000xf32, #tpu.memory_space<hbm>> -> memref<64x128xf32, #tpu.memory_space<hbm>>
      tpu.enqueue_dma source(%dma_start3A_773 : memref<64x128xf32, #tpu.memory_space<hbm>>) target(%arg12 : memref<64x128xf32, #tpu.memory_space<vmem>>) target_semaphore(%arg23 : memref<!tpu.dma_semaphore, #tpu.memory_space<semaphore_mem>>)
      %dma_wait3A_774 = arith.constant 0 : i32
      %dma_wait3A_775 = tpu.memref_slice %arg9[%dma_wait3A_774, %multiple_of3A_533] : memref<64x1000000xf32, #tpu.memory_space<hbm>> -> memref<64x128xf32, #tpu.memory_space<hbm>>
      %dma_wait3A_776 = arith.constant 0 : i32
      %dma_wait3A_777 = tpu.memref_slice %arg9[%dma_wait3A_776, %multiple_of3A_533] : memref<64x1000000xf32, #tpu.memory_space<hbm>> -> memref<64x128xf32, #tpu.memory_space<hbm>>
      tpu.wait_dma2 semaphore(%arg24 : memref<!tpu.dma_semaphore, #tpu.memory_space<semaphore_mem>>) src(%dma_wait3A_777 : memref<64x128xf32, #tpu.memory_space<hbm>>) dst(%arg13 : memref<64x128xf32, #tpu.memory_space<vmem>>)
      %broadcast_in_dim3A_778 = vector.broadcast %and3A_535 : i32 to vector<16xi32>
      %gather3A_779 = tpu.vector_load_idx %arg13[%add3A_219, %broadcast_in_dim3A_778] : memref<64x128xf32, #tpu.memory_space<vmem>>[vector<16xi32>, vector<16xi32>], vector<16xf32>,
      %add3A_780 = arith.addf %add3A_754, %gather3A_779 : vector<16xf32>
      %gather3A_781 = tpu.vector_load_idx %arg13[%add3A_222, %broadcast_in_dim3A_778] : memref<64x128xf32, #tpu.memory_space<vmem>>[vector<16xi32>, vector<16xi32>], vector<16xf32>,
      %add3A_782 = arith.addf %add3A_756, %gather3A_781 : vector<16xf32>
      %gather3A_783 = tpu.vector_load_idx %arg13[%add3A_225, %broadcast_in_dim3A_778] : memref<64x128xf32, #tpu.memory_space<vmem>>[vector<16xi32>, vector<16xi32>], vector<16xf32>,
      %add3A_784 = arith.addf %add3A_758, %gather3A_783 : vector<16xf32>
      %gather3A_785 = tpu.vector_load_idx %arg13[%add3A_228, %broadcast_in_dim3A_778] : memref<64x128xf32, #tpu.memory_space<vmem>>[vector<16xi32>, vector<16xi32>], vector<16xf32>,
      %add3A_786 = arith.addf %add3A_760, %gather3A_785 : vector<16xf32>
      %slice3A_787 = vector.extract_strided_slice %gather3A_79 {offsets = [15], sizes = [1], strides = [1]} : vector<16xi32> to vector<1xi32>
      %squeeze3A_788 = vector.extract %slice3A_787[0] : i32 from vector<1xi32>
      %shift_right_arithmetic3A_789 = arith.constant 7 : i32
      %shift_right_arithmetic3A_790 = arith.shrsi %squeeze3A_788, %shift_right_arithmetic3A_789 : i32
      %shift_left3A_791 = arith.constant 7 : i32
      %shift_left3A_792 = arith.shli %shift_right_arithmetic3A_790, %shift_left3A_791 : i32
      %multiple_of3A_793 = tpu.assume_multiple %shift_left3A_792, 128 : i32
      %and3A_794 = arith.constant 127 : i32
      %and3A_795 = arith.andi %squeeze3A_788, %and3A_794 : i32
      %dma_start3A_796 = arith.constant 0 : i32
      %dma_start3A_797 = tpu.memref_slice %arg9[%dma_start3A_796, %multiple_of3A_793] : memref<64x1000000xf32, #tpu.memory_space<hbm>> -> memref<64x128xf32, #tpu.memory_space<hbm>>
      %dma_start3A_798 = arith.constant 0 : i32
      %dma_start3A_799 = tpu.memref_slice %arg9[%dma_start3A_798, %multiple_of3A_793] : memref<64x1000000xf32, #tpu.memory_space<hbm>> -> memref<64x128xf32, #tpu.memory_space<hbm>>
      tpu.enqueue_dma source(%dma_start3A_799 : memref<64x128xf32, #tpu.memory_space<hbm>>) target(%arg13 : memref<64x128xf32, #tpu.memory_space<vmem>>) target_semaphore(%arg24 : memref<!tpu.dma_semaphore, #tpu.memory_space<semaphore_mem>>)
      %dma_wait3A_800 = arith.constant 0 : i32
      %dma_wait3A_801 = tpu.memref_slice %arg9[%dma_wait3A_800, %multiple_of3A_559] : memref<64x1000000xf32, #tpu.memory_space<hbm>> -> memref<64x128xf32, #tpu.memory_space<hbm>>
      %dma_wait3A_802 = arith.constant 0 : i32
      %dma_wait3A_803 = tpu.memref_slice %arg9[%dma_wait3A_802, %multiple_of3A_559] : memref<64x1000000xf32, #tpu.memory_space<hbm>> -> memref<64x128xf32, #tpu.memory_space<hbm>>
      tpu.wait_dma2 semaphore(%arg25 : memref<!tpu.dma_semaphore, #tpu.memory_space<semaphore_mem>>) src(%dma_wait3A_803 : memref<64x128xf32, #tpu.memory_space<hbm>>) dst(%arg14 : memref<64x128xf32, #tpu.memory_space<vmem>>)
      %broadcast_in_dim3A_804 = vector.broadcast %and3A_561 : i32 to vector<16xi32>
      %gather3A_805 = tpu.vector_load_idx %arg14[%add3A_219, %broadcast_in_dim3A_804] : memref<64x128xf32, #tpu.memory_space<vmem>>[vector<16xi32>, vector<16xi32>], vector<16xf32>,
      %add3A_806 = arith.addf %add3A_780, %gather3A_805 : vector<16xf32>
      %gather3A_807 = tpu.vector_load_idx %arg14[%add3A_222, %broadcast_in_dim3A_804] : memref<64x128xf32, #tpu.memory_space<vmem>>[vector<16xi32>, vector<16xi32>], vector<16xf32>,
      %add3A_808 = arith.addf %add3A_782, %gather3A_807 : vector<16xf32>
      %gather3A_809 = tpu.vector_load_idx %arg14[%add3A_225, %broadcast_in_dim3A_804] : memref<64x128xf32, #tpu.memory_space<vmem>>[vector<16xi32>, vector<16xi32>], vector<16xf32>,
      %add3A_810 = arith.addf %add3A_784, %gather3A_809 : vector<16xf32>
      %gather3A_811 = tpu.vector_load_idx %arg14[%add3A_228, %broadcast_in_dim3A_804] : memref<64x128xf32, #tpu.memory_space<vmem>>[vector<16xi32>, vector<16xi32>], vector<16xf32>,
      %add3A_812 = arith.addf %add3A_786, %gather3A_811 : vector<16xf32>
      %slice3A_813 = vector.extract_strided_slice %gather3A_84 {offsets = [0], sizes = [1], strides = [1]} : vector<16xi32> to vector<1xi32>
      %squeeze3A_814 = vector.extract %slice3A_813[0] : i32 from vector<1xi32>
      %shift_right_arithmetic3A_815 = arith.constant 7 : i32
      %shift_right_arithmetic3A_816 = arith.shrsi %squeeze3A_814, %shift_right_arithmetic3A_815 : i32
      %shift_left3A_817 = arith.constant 7 : i32
      %shift_left3A_818 = arith.shli %shift_right_arithmetic3A_816, %shift_left3A_817 : i32
      %multiple_of3A_819 = tpu.assume_multiple %shift_left3A_818, 128 : i32
      %and3A_820 = arith.constant 127 : i32
      %and3A_821 = arith.andi %squeeze3A_814, %and3A_820 : i32
      %dma_start3A_822 = arith.constant 0 : i32
      %dma_start3A_823 = tpu.memref_slice %arg9[%dma_start3A_822, %multiple_of3A_819] : memref<64x1000000xf32, #tpu.memory_space<hbm>> -> memref<64x128xf32, #tpu.memory_space<hbm>>
      %dma_start3A_824 = arith.constant 0 : i32
      %dma_start3A_825 = tpu.memref_slice %arg9[%dma_start3A_824, %multiple_of3A_819] : memref<64x1000000xf32, #tpu.memory_space<hbm>> -> memref<64x128xf32, #tpu.memory_space<hbm>>
      tpu.enqueue_dma source(%dma_start3A_825 : memref<64x128xf32, #tpu.memory_space<hbm>>) target(%arg14 : memref<64x128xf32, #tpu.memory_space<vmem>>) target_semaphore(%arg25 : memref<!tpu.dma_semaphore, #tpu.memory_space<semaphore_mem>>)
      %dma_wait3A_826 = arith.constant 0 : i32
      %dma_wait3A_827 = tpu.memref_slice %arg9[%dma_wait3A_826, %multiple_of3A_585] : memref<64x1000000xf32, #tpu.memory_space<hbm>> -> memref<64x128xf32, #tpu.memory_space<hbm>>
      %dma_wait3A_828 = arith.constant 0 : i32
      %dma_wait3A_829 = tpu.memref_slice %arg9[%dma_wait3A_828, %multiple_of3A_585] : memref<64x1000000xf32, #tpu.memory_space<hbm>> -> memref<64x128xf32, #tpu.memory_space<hbm>>
      tpu.wait_dma2 semaphore(%arg26 : memref<!tpu.dma_semaphore, #tpu.memory_space<semaphore_mem>>) src(%dma_wait3A_829 : memref<64x128xf32, #tpu.memory_space<hbm>>) dst(%arg15 : memref<64x128xf32, #tpu.memory_space<vmem>>)
      %broadcast_in_dim3A_830 = vector.broadcast %and3A_587 : i32 to vector<16xi32>
      %gather3A_831 = tpu.vector_load_idx %arg15[%add3A_219, %broadcast_in_dim3A_830] : memref<64x128xf32, #tpu.memory_space<vmem>>[vector<16xi32>, vector<16xi32>], vector<16xf32>,
      %add3A_832 = arith.addf %add3A_806, %gather3A_831 : vector<16xf32>
      %gather3A_833 = tpu.vector_load_idx %arg15[%add3A_222, %broadcast_in_dim3A_830] : memref<64x128xf32, #tpu.memory_space<vmem>>[vector<16xi32>, vector<16xi32>], vector<16xf32>,
      %add3A_834 = arith.addf %add3A_808, %gather3A_833 : vector<16xf32>
      %gather3A_835 = tpu.vector_load_idx %arg15[%add3A_225, %broadcast_in_dim3A_830] : memref<64x128xf32, #tpu.memory_space<vmem>>[vector<16xi32>, vector<16xi32>], vector<16xf32>,
      %add3A_836 = arith.addf %add3A_810, %gather3A_835 : vector<16xf32>
      %gather3A_837 = tpu.vector_load_idx %arg15[%add3A_228, %broadcast_in_dim3A_830] : memref<64x128xf32, #tpu.memory_space<vmem>>[vector<16xi32>, vector<16xi32>], vector<16xf32>,
      %add3A_838 = arith.addf %add3A_812, %gather3A_837 : vector<16xf32>
      %slice3A_839 = vector.extract_strided_slice %gather3A_84 {offsets = [1], sizes = [1], strides = [1]} : vector<16xi32> to vector<1xi32>
      %squeeze3A_840 = vector.extract %slice3A_839[0] : i32 from vector<1xi32>
      %shift_right_arithmetic3A_841 = arith.constant 7 : i32
      %shift_right_arithmetic3A_842 = arith.shrsi %squeeze3A_840, %shift_right_arithmetic3A_841 : i32
      %shift_left3A_843 = arith.constant 7 : i32
      %shift_left3A_844 = arith.shli %shift_right_arithmetic3A_842, %shift_left3A_843 : i32
      %multiple_of3A_845 = tpu.assume_multiple %shift_left3A_844, 128 : i32
      %and3A_846 = arith.constant 127 : i32
      %and3A_847 = arith.andi %squeeze3A_840, %and3A_846 : i32
      %dma_start3A_848 = arith.constant 0 : i32
      %dma_start3A_849 = tpu.memref_slice %arg9[%dma_start3A_848, %multiple_of3A_845] : memref<64x1000000xf32, #tpu.memory_space<hbm>> -> memref<64x128xf32, #tpu.memory_space<hbm>>
      %dma_start3A_850 = arith.constant 0 : i32
      %dma_start3A_851 = tpu.memref_slice %arg9[%dma_start3A_850, %multiple_of3A_845] : memref<64x1000000xf32, #tpu.memory_space<hbm>> -> memref<64x128xf32, #tpu.memory_space<hbm>>
      tpu.enqueue_dma source(%dma_start3A_851 : memref<64x128xf32, #tpu.memory_space<hbm>>) target(%arg15 : memref<64x128xf32, #tpu.memory_space<vmem>>) target_semaphore(%arg26 : memref<!tpu.dma_semaphore, #tpu.memory_space<semaphore_mem>>)
      %dma_wait3A_852 = arith.constant 0 : i32
      %dma_wait3A_853 = tpu.memref_slice %arg9[%dma_wait3A_852, %multiple_of3A_611] : memref<64x1000000xf32, #tpu.memory_space<hbm>> -> memref<64x128xf32, #tpu.memory_space<hbm>>
      %dma_wait3A_854 = arith.constant 0 : i32
      %dma_wait3A_855 = tpu.memref_slice %arg9[%dma_wait3A_854, %multiple_of3A_611] : memref<64x1000000xf32, #tpu.memory_space<hbm>> -> memref<64x128xf32, #tpu.memory_space<hbm>>
      tpu.wait_dma2 semaphore(%arg27 : memref<!tpu.dma_semaphore, #tpu.memory_space<semaphore_mem>>) src(%dma_wait3A_855 : memref<64x128xf32, #tpu.memory_space<hbm>>) dst(%arg16 : memref<64x128xf32, #tpu.memory_space<vmem>>)
      %broadcast_in_dim3A_856 = vector.broadcast %and3A_613 : i32 to vector<16xi32>
      %gather3A_857 = tpu.vector_load_idx %arg16[%add3A_219, %broadcast_in_dim3A_856] : memref<64x128xf32, #tpu.memory_space<vmem>>[vector<16xi32>, vector<16xi32>], vector<16xf32>,
      %add3A_858 = arith.addf %add3A_832, %gather3A_857 : vector<16xf32>
      %gather3A_859 = tpu.vector_load_idx %arg16[%add3A_222, %broadcast_in_dim3A_856] : memref<64x128xf32, #tpu.memory_space<vmem>>[vector<16xi32>, vector<16xi32>], vector<16xf32>,
      %add3A_860 = arith.addf %add3A_834, %gather3A_859 : vector<16xf32>
      %gather3A_861 = tpu.vector_load_idx %arg16[%add3A_225, %broadcast_in_dim3A_856] : memref<64x128xf32, #tpu.memory_space<vmem>>[vector<16xi32>, vector<16xi32>], vector<16xf32>,
      %add3A_862 = arith.addf %add3A_836, %gather3A_861 : vector<16xf32>
      %gather3A_863 = tpu.vector_load_idx %arg16[%add3A_228, %broadcast_in_dim3A_856] : memref<64x128xf32, #tpu.memory_space<vmem>>[vector<16xi32>, vector<16xi32>], vector<16xf32>,
      %add3A_864 = arith.addf %add3A_838, %gather3A_863 : vector<16xf32>
      %slice3A_865 = vector.extract_strided_slice %gather3A_84 {offsets = [2], sizes = [1], strides = [1]} : vector<16xi32> to vector<1xi32>
      %squeeze3A_866 = vector.extract %slice3A_865[0] : i32 from vector<1xi32>
      %shift_right_arithmetic3A_867 = arith.constant 7 : i32
      %shift_right_arithmetic3A_868 = arith.shrsi %squeeze3A_866, %shift_right_arithmetic3A_867 : i32
      %shift_left3A_869 = arith.constant 7 : i32
      %shift_left3A_870 = arith.shli %shift_right_arithmetic3A_868, %shift_left3A_869 : i32
      %multiple_of3A_871 = tpu.assume_multiple %shift_left3A_870, 128 : i32
      %and3A_872 = arith.constant 127 : i32
      %and3A_873 = arith.andi %squeeze3A_866, %and3A_872 : i32
      %dma_start3A_874 = arith.constant 0 : i32
      %dma_start3A_875 = tpu.memref_slice %arg9[%dma_start3A_874, %multiple_of3A_871] : memref<64x1000000xf32, #tpu.memory_space<hbm>> -> memref<64x128xf32, #tpu.memory_space<hbm>>
      %dma_start3A_876 = arith.constant 0 : i32
      %dma_start3A_877 = tpu.memref_slice %arg9[%dma_start3A_876, %multiple_of3A_871] : memref<64x1000000xf32, #tpu.memory_space<hbm>> -> memref<64x128xf32, #tpu.memory_space<hbm>>
      tpu.enqueue_dma source(%dma_start3A_877 : memref<64x128xf32, #tpu.memory_space<hbm>>) target(%arg16 : memref<64x128xf32, #tpu.memory_space<vmem>>) target_semaphore(%arg27 : memref<!tpu.dma_semaphore, #tpu.memory_space<semaphore_mem>>)
      %dma_wait3A_878 = arith.constant 0 : i32
      %dma_wait3A_879 = tpu.memref_slice %arg9[%dma_wait3A_878, %multiple_of3A_637] : memref<64x1000000xf32, #tpu.memory_space<hbm>> -> memref<64x128xf32, #tpu.memory_space<hbm>>
      %dma_wait3A_880 = arith.constant 0 : i32
      %dma_wait3A_881 = tpu.memref_slice %arg9[%dma_wait3A_880, %multiple_of3A_637] : memref<64x1000000xf32, #tpu.memory_space<hbm>> -> memref<64x128xf32, #tpu.memory_space<hbm>>
      tpu.wait_dma2 semaphore(%arg28 : memref<!tpu.dma_semaphore, #tpu.memory_space<semaphore_mem>>) src(%dma_wait3A_881 : memref<64x128xf32, #tpu.memory_space<hbm>>) dst(%arg17 : memref<64x128xf32, #tpu.memory_space<vmem>>)
      %broadcast_in_dim3A_882 = vector.broadcast %and3A_639 : i32 to vector<16xi32>
      %gather3A_883 = tpu.vector_load_idx %arg17[%add3A_219, %broadcast_in_dim3A_882] : memref<64x128xf32, #tpu.memory_space<vmem>>[vector<16xi32>, vector<16xi32>], vector<16xf32>,
      %add3A_884 = arith.addf %add3A_858, %gather3A_883 : vector<16xf32>
      %gather3A_885 = tpu.vector_load_idx %arg17[%add3A_222, %broadcast_in_dim3A_882] : memref<64x128xf32, #tpu.memory_space<vmem>>[vector<16xi32>, vector<16xi32>], vector<16xf32>,
      %add3A_886 = arith.addf %add3A_860, %gather3A_885 : vector<16xf32>
      %gather3A_887 = tpu.vector_load_idx %arg17[%add3A_225, %broadcast_in_dim3A_882] : memref<64x128xf32, #tpu.memory_space<vmem>>[vector<16xi32>, vector<16xi32>], vector<16xf32>,
      %add3A_888 = arith.addf %add3A_862, %gather3A_887 : vector<16xf32>
      %gather3A_889 = tpu.vector_load_idx %arg17[%add3A_228, %broadcast_in_dim3A_882] : memref<64x128xf32, #tpu.memory_space<vmem>>[vector<16xi32>, vector<16xi32>], vector<16xf32>,
      %add3A_890 = arith.addf %add3A_864, %gather3A_889 : vector<16xf32>
      %slice3A_891 = vector.extract_strided_slice %gather3A_84 {offsets = [3], sizes = [1], strides = [1]} : vector<16xi32> to vector<1xi32>
      %squeeze3A_892 = vector.extract %slice3A_891[0] : i32 from vector<1xi32>
      %shift_right_arithmetic3A_893 = arith.constant 7 : i32
      %shift_right_arithmetic3A_894 = arith.shrsi %squeeze3A_892, %shift_right_arithmetic3A_893 : i32
      %shift_left3A_895 = arith.constant 7 : i32
      %shift_left3A_896 = arith.shli %shift_right_arithmetic3A_894, %shift_left3A_895 : i32
      %multiple_of3A_897 = tpu.assume_multiple %shift_left3A_896, 128 : i32
      %and3A_898 = arith.constant 127 : i32
      %and3A_899 = arith.andi %squeeze3A_892, %and3A_898 : i32
      %dma_start3A_900 = arith.constant 0 : i32
      %dma_start3A_901 = tpu.memref_slice %arg9[%dma_start3A_900, %multiple_of3A_897] : memref<64x1000000xf32, #tpu.memory_space<hbm>> -> memref<64x128xf32, #tpu.memory_space<hbm>>
      %dma_start3A_902 = arith.constant 0 : i32
      %dma_start3A_903 = tpu.memref_slice %arg9[%dma_start3A_902, %multiple_of3A_897] : memref<64x1000000xf32, #tpu.memory_space<hbm>> -> memref<64x128xf32, #tpu.memory_space<hbm>>
      tpu.enqueue_dma source(%dma_start3A_903 : memref<64x128xf32, #tpu.memory_space<hbm>>) target(%arg17 : memref<64x128xf32, #tpu.memory_space<vmem>>) target_semaphore(%arg28 : memref<!tpu.dma_semaphore, #tpu.memory_space<semaphore_mem>>)
      %dma_wait3A_904 = arith.constant 0 : i32
      %dma_wait3A_905 = tpu.memref_slice %arg9[%dma_wait3A_904, %multiple_of3A_663] : memref<64x1000000xf32, #tpu.memory_space<hbm>> -> memref<64x128xf32, #tpu.memory_space<hbm>>
      %dma_wait3A_906 = arith.constant 0 : i32
      %dma_wait3A_907 = tpu.memref_slice %arg9[%dma_wait3A_906, %multiple_of3A_663] : memref<64x1000000xf32, #tpu.memory_space<hbm>> -> memref<64x128xf32, #tpu.memory_space<hbm>>
      tpu.wait_dma2 semaphore(%arg29 : memref<!tpu.dma_semaphore, #tpu.memory_space<semaphore_mem>>) src(%dma_wait3A_907 : memref<64x128xf32, #tpu.memory_space<hbm>>) dst(%arg18 : memref<64x128xf32, #tpu.memory_space<vmem>>)
      %broadcast_in_dim3A_908 = vector.broadcast %and3A_665 : i32 to vector<16xi32>
      %gather3A_909 = tpu.vector_load_idx %arg18[%add3A_219, %broadcast_in_dim3A_908] : memref<64x128xf32, #tpu.memory_space<vmem>>[vector<16xi32>, vector<16xi32>], vector<16xf32>,
      %add3A_910 = arith.addf %add3A_884, %gather3A_909 : vector<16xf32>
      %gather3A_911 = tpu.vector_load_idx %arg18[%add3A_222, %broadcast_in_dim3A_908] : memref<64x128xf32, #tpu.memory_space<vmem>>[vector<16xi32>, vector<16xi32>], vector<16xf32>,
      %add3A_912 = arith.addf %add3A_886, %gather3A_911 : vector<16xf32>
      %gather3A_913 = tpu.vector_load_idx %arg18[%add3A_225, %broadcast_in_dim3A_908] : memref<64x128xf32, #tpu.memory_space<vmem>>[vector<16xi32>, vector<16xi32>], vector<16xf32>,
      %add3A_914 = arith.addf %add3A_888, %gather3A_913 : vector<16xf32>
      %gather3A_915 = tpu.vector_load_idx %arg18[%add3A_228, %broadcast_in_dim3A_908] : memref<64x128xf32, #tpu.memory_space<vmem>>[vector<16xi32>, vector<16xi32>], vector<16xf32>,
      %add3A_916 = arith.addf %add3A_890, %gather3A_915 : vector<16xf32>
      %slice3A_917 = vector.extract_strided_slice %gather3A_84 {offsets = [4], sizes = [1], strides = [1]} : vector<16xi32> to vector<1xi32>
      %squeeze3A_918 = vector.extract %slice3A_917[0] : i32 from vector<1xi32>
      %shift_right_arithmetic3A_919 = arith.constant 7 : i32
      %shift_right_arithmetic3A_920 = arith.shrsi %squeeze3A_918, %shift_right_arithmetic3A_919 : i32
      %shift_left3A_921 = arith.constant 7 : i32
      %shift_left3A_922 = arith.shli %shift_right_arithmetic3A_920, %shift_left3A_921 : i32
      %multiple_of3A_923 = tpu.assume_multiple %shift_left3A_922, 128 : i32
      %and3A_924 = arith.constant 127 : i32
      %and3A_925 = arith.andi %squeeze3A_918, %and3A_924 : i32
      %dma_start3A_926 = arith.constant 0 : i32
      %dma_start3A_927 = tpu.memref_slice %arg9[%dma_start3A_926, %multiple_of3A_923] : memref<64x1000000xf32, #tpu.memory_space<hbm>> -> memref<64x128xf32, #tpu.memory_space<hbm>>
      %dma_start3A_928 = arith.constant 0 : i32
      %dma_start3A_929 = tpu.memref_slice %arg9[%dma_start3A_928, %multiple_of3A_923] : memref<64x1000000xf32, #tpu.memory_space<hbm>> -> memref<64x128xf32, #tpu.memory_space<hbm>>
      tpu.enqueue_dma source(%dma_start3A_929 : memref<64x128xf32, #tpu.memory_space<hbm>>) target(%arg18 : memref<64x128xf32, #tpu.memory_space<vmem>>) target_semaphore(%arg29 : memref<!tpu.dma_semaphore, #tpu.memory_space<semaphore_mem>>)
      %dma_wait3A_930 = arith.constant 0 : i32
      %dma_wait3A_931 = tpu.memref_slice %arg9[%dma_wait3A_930, %multiple_of3A_689] : memref<64x1000000xf32, #tpu.memory_space<hbm>> -> memref<64x128xf32, #tpu.memory_space<hbm>>
      %dma_wait3A_932 = arith.constant 0 : i32
      %dma_wait3A_933 = tpu.memref_slice %arg9[%dma_wait3A_932, %multiple_of3A_689] : memref<64x1000000xf32, #tpu.memory_space<hbm>> -> memref<64x128xf32, #tpu.memory_space<hbm>>
      tpu.wait_dma2 semaphore(%arg30 : memref<!tpu.dma_semaphore, #tpu.memory_space<semaphore_mem>>) src(%dma_wait3A_933 : memref<64x128xf32, #tpu.memory_space<hbm>>) dst(%arg19 : memref<64x128xf32, #tpu.memory_space<vmem>>)
      %broadcast_in_dim3A_934 = vector.broadcast %and3A_691 : i32 to vector<16xi32>
      %gather3A_935 = tpu.vector_load_idx %arg19[%add3A_219, %broadcast_in_dim3A_934] : memref<64x128xf32, #tpu.memory_space<vmem>>[vector<16xi32>, vector<16xi32>], vector<16xf32>,
      %add3A_936 = arith.addf %add3A_910, %gather3A_935 : vector<16xf32>
      %gather3A_937 = tpu.vector_load_idx %arg19[%add3A_222, %broadcast_in_dim3A_934] : memref<64x128xf32, #tpu.memory_space<vmem>>[vector<16xi32>, vector<16xi32>], vector<16xf32>,
      %add3A_938 = arith.addf %add3A_912, %gather3A_937 : vector<16xf32>
      %gather3A_939 = tpu.vector_load_idx %arg19[%add3A_225, %broadcast_in_dim3A_934] : memref<64x128xf32, #tpu.memory_space<vmem>>[vector<16xi32>, vector<16xi32>], vector<16xf32>,
      %add3A_940 = arith.addf %add3A_914, %gather3A_939 : vector<16xf32>
      %gather3A_941 = tpu.vector_load_idx %arg19[%add3A_228, %broadcast_in_dim3A_934] : memref<64x128xf32, #tpu.memory_space<vmem>>[vector<16xi32>, vector<16xi32>], vector<16xf32>,
      %add3A_942 = arith.addf %add3A_916, %gather3A_941 : vector<16xf32>
      %slice3A_943 = vector.extract_strided_slice %gather3A_84 {offsets = [5], sizes = [1], strides = [1]} : vector<16xi32> to vector<1xi32>
      %squeeze3A_944 = vector.extract %slice3A_943[0] : i32 from vector<1xi32>
      %shift_right_arithmetic3A_945 = arith.constant 7 : i32
      %shift_right_arithmetic3A_946 = arith.shrsi %squeeze3A_944, %shift_right_arithmetic3A_945 : i32
      %shift_left3A_947 = arith.constant 7 : i32
      %shift_left3A_948 = arith.shli %shift_right_arithmetic3A_946, %shift_left3A_947 : i32
      %multiple_of3A_949 = tpu.assume_multiple %shift_left3A_948, 128 : i32
      %and3A_950 = arith.constant 127 : i32
      %and3A_951 = arith.andi %squeeze3A_944, %and3A_950 : i32
      %dma_start3A_952 = arith.constant 0 : i32
      %dma_start3A_953 = tpu.memref_slice %arg9[%dma_start3A_952, %multiple_of3A_949] : memref<64x1000000xf32, #tpu.memory_space<hbm>> -> memref<64x128xf32, #tpu.memory_space<hbm>>
      %dma_start3A_954 = arith.constant 0 : i32
      %dma_start3A_955 = tpu.memref_slice %arg9[%dma_start3A_954, %multiple_of3A_949] : memref<64x1000000xf32, #tpu.memory_space<hbm>> -> memref<64x128xf32, #tpu.memory_space<hbm>>
      tpu.enqueue_dma source(%dma_start3A_955 : memref<64x128xf32, #tpu.memory_space<hbm>>) target(%arg19 : memref<64x128xf32, #tpu.memory_space<vmem>>) target_semaphore(%arg30 : memref<!tpu.dma_semaphore, #tpu.memory_space<semaphore_mem>>)
      %dma_wait3A_956 = arith.constant 0 : i32
      %dma_wait3A_957 = tpu.memref_slice %arg9[%dma_wait3A_956, %multiple_of3A_715] : memref<64x1000000xf32, #tpu.memory_space<hbm>> -> memref<64x128xf32, #tpu.memory_space<hbm>>
      %dma_wait3A_958 = arith.constant 0 : i32
      %dma_wait3A_959 = tpu.memref_slice %arg9[%dma_wait3A_958, %multiple_of3A_715] : memref<64x1000000xf32, #tpu.memory_space<hbm>> -> memref<64x128xf32, #tpu.memory_space<hbm>>
      tpu.wait_dma2 semaphore(%arg31 : memref<!tpu.dma_semaphore, #tpu.memory_space<semaphore_mem>>) src(%dma_wait3A_959 : memref<64x128xf32, #tpu.memory_space<hbm>>) dst(%arg20 : memref<64x128xf32, #tpu.memory_space<vmem>>)
      %broadcast_in_dim3A_960 = vector.broadcast %and3A_717 : i32 to vector<16xi32>
      %gather3A_961 = tpu.vector_load_idx %arg20[%add3A_219, %broadcast_in_dim3A_960] : memref<64x128xf32, #tpu.memory_space<vmem>>[vector<16xi32>, vector<16xi32>], vector<16xf32>,
      %add3A_962 = arith.addf %add3A_936, %gather3A_961 : vector<16xf32>
      %gather3A_963 = tpu.vector_load_idx %arg20[%add3A_222, %broadcast_in_dim3A_960] : memref<64x128xf32, #tpu.memory_space<vmem>>[vector<16xi32>, vector<16xi32>], vector<16xf32>,
      %add3A_964 = arith.addf %add3A_938, %gather3A_963 : vector<16xf32>
      %gather3A_965 = tpu.vector_load_idx %arg20[%add3A_225, %broadcast_in_dim3A_960] : memref<64x128xf32, #tpu.memory_space<vmem>>[vector<16xi32>, vector<16xi32>], vector<16xf32>,
      %add3A_966 = arith.addf %add3A_940, %gather3A_965 : vector<16xf32>
      %gather3A_967 = tpu.vector_load_idx %arg20[%add3A_228, %broadcast_in_dim3A_960] : memref<64x128xf32, #tpu.memory_space<vmem>>[vector<16xi32>, vector<16xi32>], vector<16xf32>,
      %add3A_968 = arith.addf %add3A_942, %gather3A_967 : vector<16xf32>
      %slice3A_969 = vector.extract_strided_slice %gather3A_84 {offsets = [6], sizes = [1], strides = [1]} : vector<16xi32> to vector<1xi32>
      %squeeze3A_970 = vector.extract %slice3A_969[0] : i32 from vector<1xi32>
      %shift_right_arithmetic3A_971 = arith.constant 7 : i32
      %shift_right_arithmetic3A_972 = arith.shrsi %squeeze3A_970, %shift_right_arithmetic3A_971 : i32
      %shift_left3A_973 = arith.constant 7 : i32
      %shift_left3A_974 = arith.shli %shift_right_arithmetic3A_972, %shift_left3A_973 : i32
      %multiple_of3A_975 = tpu.assume_multiple %shift_left3A_974, 128 : i32
      %and3A_976 = arith.constant 127 : i32
      %and3A_977 = arith.andi %squeeze3A_970, %and3A_976 : i32
      %dma_start3A_978 = arith.constant 0 : i32
      %dma_start3A_979 = tpu.memref_slice %arg9[%dma_start3A_978, %multiple_of3A_975] : memref<64x1000000xf32, #tpu.memory_space<hbm>> -> memref<64x128xf32, #tpu.memory_space<hbm>>
      %dma_start3A_980 = arith.constant 0 : i32
      %dma_start3A_981 = tpu.memref_slice %arg9[%dma_start3A_980, %multiple_of3A_975] : memref<64x1000000xf32, #tpu.memory_space<hbm>> -> memref<64x128xf32, #tpu.memory_space<hbm>>
      tpu.enqueue_dma source(%dma_start3A_981 : memref<64x128xf32, #tpu.memory_space<hbm>>) target(%arg20 : memref<64x128xf32, #tpu.memory_space<vmem>>) target_semaphore(%arg31 : memref<!tpu.dma_semaphore, #tpu.memory_space<semaphore_mem>>)
      %dma_wait3A_982 = arith.constant 0 : i32
      %dma_wait3A_983 = tpu.memref_slice %arg9[%dma_wait3A_982, %multiple_of3A_741] : memref<64x1000000xf32, #tpu.memory_space<hbm>> -> memref<64x128xf32, #tpu.memory_space<hbm>>
      %dma_wait3A_984 = arith.constant 0 : i32
      %dma_wait3A_985 = tpu.memref_slice %arg9[%dma_wait3A_984, %multiple_of3A_741] : memref<64x1000000xf32, #tpu.memory_space<hbm>> -> memref<64x128xf32, #tpu.memory_space<hbm>>
      tpu.wait_dma2 semaphore(%arg32 : memref<!tpu.dma_semaphore, #tpu.memory_space<semaphore_mem>>) src(%dma_wait3A_985 : memref<64x128xf32, #tpu.memory_space<hbm>>) dst(%arg21 : memref<64x128xf32, #tpu.memory_space<vmem>>)
      %broadcast_in_dim3A_986 = vector.broadcast %and3A_743 : i32 to vector<16xi32>
      %gather3A_987 = tpu.vector_load_idx %arg21[%add3A_219, %broadcast_in_dim3A_986] : memref<64x128xf32, #tpu.memory_space<vmem>>[vector<16xi32>, vector<16xi32>], vector<16xf32>,
      %add3A_988 = arith.addf %add3A_962, %gather3A_987 : vector<16xf32>
      %gather3A_989 = tpu.vector_load_idx %arg21[%add3A_222, %broadcast_in_dim3A_986] : memref<64x128xf32, #tpu.memory_space<vmem>>[vector<16xi32>, vector<16xi32>], vector<16xf32>,
      %add3A_990 = arith.addf %add3A_964, %gather3A_989 : vector<16xf32>
      %gather3A_991 = tpu.vector_load_idx %arg21[%add3A_225, %broadcast_in_dim3A_986] : memref<64x128xf32, #tpu.memory_space<vmem>>[vector<16xi32>, vector<16xi32>], vector<16xf32>,
      %add3A_992 = arith.addf %add3A_966, %gather3A_991 : vector<16xf32>
      %gather3A_993 = tpu.vector_load_idx %arg21[%add3A_228, %broadcast_in_dim3A_986] : memref<64x128xf32, #tpu.memory_space<vmem>>[vector<16xi32>, vector<16xi32>], vector<16xf32>,
      %add3A_994 = arith.addf %add3A_968, %gather3A_993 : vector<16xf32>
      %slice3A_995 = vector.extract_strided_slice %gather3A_84 {offsets = [7], sizes = [1], strides = [1]} : vector<16xi32> to vector<1xi32>
      %squeeze3A_996 = vector.extract %slice3A_995[0] : i32 from vector<1xi32>
      %shift_right_arithmetic3A_997 = arith.constant 7 : i32
      %shift_right_arithmetic3A_998 = arith.shrsi %squeeze3A_996, %shift_right_arithmetic3A_997 : i32
      %shift_left3A_999 = arith.constant 7 : i32
      %shift_left3A_1000 = arith.shli %shift_right_arithmetic3A_998, %shift_left3A_999 : i32
      %multiple_of3A_1001 = tpu.assume_multiple %shift_left3A_1000, 128 : i32
      %and3A_1002 = arith.constant 127 : i32
      %and3A_1003 = arith.andi %squeeze3A_996, %and3A_1002 : i32
      %dma_start3A_1004 = arith.constant 0 : i32
      %dma_start3A_1005 = tpu.memref_slice %arg9[%dma_start3A_1004, %multiple_of3A_1001] : memref<64x1000000xf32, #tpu.memory_space<hbm>> -> memref<64x128xf32, #tpu.memory_space<hbm>>
      %dma_start3A_1006 = arith.constant 0 : i32
      %dma_start3A_1007 = tpu.memref_slice %arg9[%dma_start3A_1006, %multiple_of3A_1001] : memref<64x1000000xf32, #tpu.memory_space<hbm>> -> memref<64x128xf32, #tpu.memory_space<hbm>>
      tpu.enqueue_dma source(%dma_start3A_1007 : memref<64x128xf32, #tpu.memory_space<hbm>>) target(%arg21 : memref<64x128xf32, #tpu.memory_space<vmem>>) target_semaphore(%arg32 : memref<!tpu.dma_semaphore, #tpu.memory_space<semaphore_mem>>)
      %dma_wait3A_1008 = arith.constant 0 : i32
      %dma_wait3A_1009 = tpu.memref_slice %arg9[%dma_wait3A_1008, %multiple_of3A_767] : memref<64x1000000xf32, #tpu.memory_space<hbm>> -> memref<64x128xf32, #tpu.memory_space<hbm>>
      %dma_wait3A_1010 = arith.constant 0 : i32
      %dma_wait3A_1011 = tpu.memref_slice %arg9[%dma_wait3A_1010, %multiple_of3A_767] : memref<64x1000000xf32, #tpu.memory_space<hbm>> -> memref<64x128xf32, #tpu.memory_space<hbm>>
      tpu.wait_dma2 semaphore(%arg23 : memref<!tpu.dma_semaphore, #tpu.memory_space<semaphore_mem>>) src(%dma_wait3A_1011 : memref<64x128xf32, #tpu.memory_space<hbm>>) dst(%arg12 : memref<64x128xf32, #tpu.memory_space<vmem>>)
      %broadcast_in_dim3A_1012 = vector.broadcast %and3A_769 : i32 to vector<16xi32>
      %gather3A_1013 = tpu.vector_load_idx %arg12[%add3A_219, %broadcast_in_dim3A_1012] : memref<64x128xf32, #tpu.memory_space<vmem>>[vector<16xi32>, vector<16xi32>], vector<16xf32>,
      %add3A_1014 = arith.addf %add3A_988, %gather3A_1013 : vector<16xf32>
      %gather3A_1015 = tpu.vector_load_idx %arg12[%add3A_222, %broadcast_in_dim3A_1012] : memref<64x128xf32, #tpu.memory_space<vmem>>[vector<16xi32>, vector<16xi32>], vector<16xf32>,
      %add3A_1016 = arith.addf %add3A_990, %gather3A_1015 : vector<16xf32>
      %gather3A_1017 = tpu.vector_load_idx %arg12[%add3A_225, %broadcast_in_dim3A_1012] : memref<64x128xf32, #tpu.memory_space<vmem>>[vector<16xi32>, vector<16xi32>], vector<16xf32>,
      %add3A_1018 = arith.addf %add3A_992, %gather3A_1017 : vector<16xf32>
      %gather3A_1019 = tpu.vector_load_idx %arg12[%add3A_228, %broadcast_in_dim3A_1012] : memref<64x128xf32, #tpu.memory_space<vmem>>[vector<16xi32>, vector<16xi32>], vector<16xf32>,
      %add3A_1020 = arith.addf %add3A_994, %gather3A_1019 : vector<16xf32>
      %slice3A_1021 = vector.extract_strided_slice %gather3A_84 {offsets = [8], sizes = [1], strides = [1]} : vector<16xi32> to vector<1xi32>
      %squeeze3A_1022 = vector.extract %slice3A_1021[0] : i32 from vector<1xi32>
      %shift_right_arithmetic3A_1023 = arith.constant 7 : i32
      %shift_right_arithmetic3A_1024 = arith.shrsi %squeeze3A_1022, %shift_right_arithmetic3A_1023 : i32
      %shift_left3A_1025 = arith.constant 7 : i32
      %shift_left3A_1026 = arith.shli %shift_right_arithmetic3A_1024, %shift_left3A_1025 : i32
      %multiple_of3A_1027 = tpu.assume_multiple %shift_left3A_1026, 128 : i32
      %and3A_1028 = arith.constant 127 : i32
      %and3A_1029 = arith.andi %squeeze3A_1022, %and3A_1028 : i32
      %dma_start3A_1030 = arith.constant 0 : i32
      %dma_start3A_1031 = tpu.memref_slice %arg9[%dma_start3A_1030, %multiple_of3A_1027] : memref<64x1000000xf32, #tpu.memory_space<hbm>> -> memref<64x128xf32, #tpu.memory_space<hbm>>
      %dma_start3A_1032 = arith.constant 0 : i32
      %dma_start3A_1033 = tpu.memref_slice %arg9[%dma_start3A_1032, %multiple_of3A_1027] : memref<64x1000000xf32, #tpu.memory_space<hbm>> -> memref<64x128xf32, #tpu.memory_space<hbm>>
      tpu.enqueue_dma source(%dma_start3A_1033 : memref<64x128xf32, #tpu.memory_space<hbm>>) target(%arg12 : memref<64x128xf32, #tpu.memory_space<vmem>>) target_semaphore(%arg23 : memref<!tpu.dma_semaphore, #tpu.memory_space<semaphore_mem>>)
      %dma_wait3A_1034 = arith.constant 0 : i32
      %dma_wait3A_1035 = tpu.memref_slice %arg9[%dma_wait3A_1034, %multiple_of3A_793] : memref<64x1000000xf32, #tpu.memory_space<hbm>> -> memref<64x128xf32, #tpu.memory_space<hbm>>
      %dma_wait3A_1036 = arith.constant 0 : i32
      %dma_wait3A_1037 = tpu.memref_slice %arg9[%dma_wait3A_1036, %multiple_of3A_793] : memref<64x1000000xf32, #tpu.memory_space<hbm>> -> memref<64x128xf32, #tpu.memory_space<hbm>>
      tpu.wait_dma2 semaphore(%arg24 : memref<!tpu.dma_semaphore, #tpu.memory_space<semaphore_mem>>) src(%dma_wait3A_1037 : memref<64x128xf32, #tpu.memory_space<hbm>>) dst(%arg13 : memref<64x128xf32, #tpu.memory_space<vmem>>)
      %broadcast_in_dim3A_1038 = vector.broadcast %and3A_795 : i32 to vector<16xi32>
      %gather3A_1039 = tpu.vector_load_idx %arg13[%add3A_219, %broadcast_in_dim3A_1038] : memref<64x128xf32, #tpu.memory_space<vmem>>[vector<16xi32>, vector<16xi32>], vector<16xf32>,
      %add3A_1040 = arith.addf %add3A_1014, %gather3A_1039 : vector<16xf32>
      %gather3A_1041 = tpu.vector_load_idx %arg13[%add3A_222, %broadcast_in_dim3A_1038] : memref<64x128xf32, #tpu.memory_space<vmem>>[vector<16xi32>, vector<16xi32>], vector<16xf32>,
      %add3A_1042 = arith.addf %add3A_1016, %gather3A_1041 : vector<16xf32>
      %gather3A_1043 = tpu.vector_load_idx %arg13[%add3A_225, %broadcast_in_dim3A_1038] : memref<64x128xf32, #tpu.memory_space<vmem>>[vector<16xi32>, vector<16xi32>], vector<16xf32>,
      %add3A_1044 = arith.addf %add3A_1018, %gather3A_1043 : vector<16xf32>
      %gather3A_1045 = tpu.vector_load_idx %arg13[%add3A_228, %broadcast_in_dim3A_1038] : memref<64x128xf32, #tpu.memory_space<vmem>>[vector<16xi32>, vector<16xi32>], vector<16xf32>,
      %add3A_1046 = arith.addf %add3A_1020, %gather3A_1045 : vector<16xf32>
      %slice3A_1047 = vector.extract_strided_slice %gather3A_84 {offsets = [9], sizes = [1], strides = [1]} : vector<16xi32> to vector<1xi32>
      %squeeze3A_1048 = vector.extract %slice3A_1047[0] : i32 from vector<1xi32>
      %shift_right_arithmetic3A_1049 = arith.constant 7 : i32
      %shift_right_arithmetic3A_1050 = arith.shrsi %squeeze3A_1048, %shift_right_arithmetic3A_1049 : i32
      %shift_left3A_1051 = arith.constant 7 : i32
      %shift_left3A_1052 = arith.shli %shift_right_arithmetic3A_1050, %shift_left3A_1051 : i32
      %multiple_of3A_1053 = tpu.assume_multiple %shift_left3A_1052, 128 : i32
      %and3A_1054 = arith.constant 127 : i32
      %and3A_1055 = arith.andi %squeeze3A_1048, %and3A_1054 : i32
      %dma_start3A_1056 = arith.constant 0 : i32
      %dma_start3A_1057 = tpu.memref_slice %arg9[%dma_start3A_1056, %multiple_of3A_1053] : memref<64x1000000xf32, #tpu.memory_space<hbm>> -> memref<64x128xf32, #tpu.memory_space<hbm>>
      %dma_start3A_1058 = arith.constant 0 : i32
      %dma_start3A_1059 = tpu.memref_slice %arg9[%dma_start3A_1058, %multiple_of3A_1053] : memref<64x1000000xf32, #tpu.memory_space<hbm>> -> memref<64x128xf32, #tpu.memory_space<hbm>>
      tpu.enqueue_dma source(%dma_start3A_1059 : memref<64x128xf32, #tpu.memory_space<hbm>>) target(%arg13 : memref<64x128xf32, #tpu.memory_space<vmem>>) target_semaphore(%arg24 : memref<!tpu.dma_semaphore, #tpu.memory_space<semaphore_mem>>)
      %dma_wait3A_1060 = arith.constant 0 : i32
      %dma_wait3A_1061 = tpu.memref_slice %arg9[%dma_wait3A_1060, %multiple_of3A_819] : memref<64x1000000xf32, #tpu.memory_space<hbm>> -> memref<64x128xf32, #tpu.memory_space<hbm>>
      %dma_wait3A_1062 = arith.constant 0 : i32
      %dma_wait3A_1063 = tpu.memref_slice %arg9[%dma_wait3A_1062, %multiple_of3A_819] : memref<64x1000000xf32, #tpu.memory_space<hbm>> -> memref<64x128xf32, #tpu.memory_space<hbm>>
      tpu.wait_dma2 semaphore(%arg25 : memref<!tpu.dma_semaphore, #tpu.memory_space<semaphore_mem>>) src(%dma_wait3A_1063 : memref<64x128xf32, #tpu.memory_space<hbm>>) dst(%arg14 : memref<64x128xf32, #tpu.memory_space<vmem>>)
      %broadcast_in_dim3A_1064 = vector.broadcast %and3A_821 : i32 to vector<16xi32>
      %gather3A_1065 = tpu.vector_load_idx %arg14[%add3A_219, %broadcast_in_dim3A_1064] : memref<64x128xf32, #tpu.memory_space<vmem>>[vector<16xi32>, vector<16xi32>], vector<16xf32>,
      %add3A_1066 = arith.addf %add3A_1040, %gather3A_1065 : vector<16xf32>
      %gather3A_1067 = tpu.vector_load_idx %arg14[%add3A_222, %broadcast_in_dim3A_1064] : memref<64x128xf32, #tpu.memory_space<vmem>>[vector<16xi32>, vector<16xi32>], vector<16xf32>,
      %add3A_1068 = arith.addf %add3A_1042, %gather3A_1067 : vector<16xf32>
      %gather3A_1069 = tpu.vector_load_idx %arg14[%add3A_225, %broadcast_in_dim3A_1064] : memref<64x128xf32, #tpu.memory_space<vmem>>[vector<16xi32>, vector<16xi32>], vector<16xf32>,
      %add3A_1070 = arith.addf %add3A_1044, %gather3A_1069 : vector<16xf32>
      %gather3A_1071 = tpu.vector_load_idx %arg14[%add3A_228, %broadcast_in_dim3A_1064] : memref<64x128xf32, #tpu.memory_space<vmem>>[vector<16xi32>, vector<16xi32>], vector<16xf32>,
      %add3A_1072 = arith.addf %add3A_1046, %gather3A_1071 : vector<16xf32>
      %slice3A_1073 = vector.extract_strided_slice %gather3A_84 {offsets = [10], sizes = [1], strides = [1]} : vector<16xi32> to vector<1xi32>
      %squeeze3A_1074 = vector.extract %slice3A_1073[0] : i32 from vector<1xi32>
      %shift_right_arithmetic3A_1075 = arith.constant 7 : i32
      %shift_right_arithmetic3A_1076 = arith.shrsi %squeeze3A_1074, %shift_right_arithmetic3A_1075 : i32
      %shift_left3A_1077 = arith.constant 7 : i32
      %shift_left3A_1078 = arith.shli %shift_right_arithmetic3A_1076, %shift_left3A_1077 : i32
      %multiple_of3A_1079 = tpu.assume_multiple %shift_left3A_1078, 128 : i32
      %and3A_1080 = arith.constant 127 : i32
      %and3A_1081 = arith.andi %squeeze3A_1074, %and3A_1080 : i32
      %dma_start3A_1082 = arith.constant 0 : i32
      %dma_start3A_1083 = tpu.memref_slice %arg9[%dma_start3A_1082, %multiple_of3A_1079] : memref<64x1000000xf32, #tpu.memory_space<hbm>> -> memref<64x128xf32, #tpu.memory_space<hbm>>
      %dma_start3A_1084 = arith.constant 0 : i32
      %dma_start3A_1085 = tpu.memref_slice %arg9[%dma_start3A_1084, %multiple_of3A_1079] : memref<64x1000000xf32, #tpu.memory_space<hbm>> -> memref<64x128xf32, #tpu.memory_space<hbm>>
      tpu.enqueue_dma source(%dma_start3A_1085 : memref<64x128xf32, #tpu.memory_space<hbm>>) target(%arg14 : memref<64x128xf32, #tpu.memory_space<vmem>>) target_semaphore(%arg25 : memref<!tpu.dma_semaphore, #tpu.memory_space<semaphore_mem>>)
      %dma_wait3A_1086 = arith.constant 0 : i32
      %dma_wait3A_1087 = tpu.memref_slice %arg9[%dma_wait3A_1086, %multiple_of3A_845] : memref<64x1000000xf32, #tpu.memory_space<hbm>> -> memref<64x128xf32, #tpu.memory_space<hbm>>
      %dma_wait3A_1088 = arith.constant 0 : i32
      %dma_wait3A_1089 = tpu.memref_slice %arg9[%dma_wait3A_1088, %multiple_of3A_845] : memref<64x1000000xf32, #tpu.memory_space<hbm>> -> memref<64x128xf32, #tpu.memory_space<hbm>>
      tpu.wait_dma2 semaphore(%arg26 : memref<!tpu.dma_semaphore, #tpu.memory_space<semaphore_mem>>) src(%dma_wait3A_1089 : memref<64x128xf32, #tpu.memory_space<hbm>>) dst(%arg15 : memref<64x128xf32, #tpu.memory_space<vmem>>)
      %broadcast_in_dim3A_1090 = vector.broadcast %and3A_847 : i32 to vector<16xi32>
      %gather3A_1091 = tpu.vector_load_idx %arg15[%add3A_219, %broadcast_in_dim3A_1090] : memref<64x128xf32, #tpu.memory_space<vmem>>[vector<16xi32>, vector<16xi32>], vector<16xf32>,
      %add3A_1092 = arith.addf %add3A_1066, %gather3A_1091 : vector<16xf32>
      %gather3A_1093 = tpu.vector_load_idx %arg15[%add3A_222, %broadcast_in_dim3A_1090] : memref<64x128xf32, #tpu.memory_space<vmem>>[vector<16xi32>, vector<16xi32>], vector<16xf32>,
      %add3A_1094 = arith.addf %add3A_1068, %gather3A_1093 : vector<16xf32>
      %gather3A_1095 = tpu.vector_load_idx %arg15[%add3A_225, %broadcast_in_dim3A_1090] : memref<64x128xf32, #tpu.memory_space<vmem>>[vector<16xi32>, vector<16xi32>], vector<16xf32>,
      %add3A_1096 = arith.addf %add3A_1070, %gather3A_1095 : vector<16xf32>
      %gather3A_1097 = tpu.vector_load_idx %arg15[%add3A_228, %broadcast_in_dim3A_1090] : memref<64x128xf32, #tpu.memory_space<vmem>>[vector<16xi32>, vector<16xi32>], vector<16xf32>,
      %add3A_1098 = arith.addf %add3A_1072, %gather3A_1097 : vector<16xf32>
      %slice3A_1099 = vector.extract_strided_slice %gather3A_84 {offsets = [11], sizes = [1], strides = [1]} : vector<16xi32> to vector<1xi32>
      %squeeze3A_1100 = vector.extract %slice3A_1099[0] : i32 from vector<1xi32>
      %shift_right_arithmetic3A_1101 = arith.constant 7 : i32
      %shift_right_arithmetic3A_1102 = arith.shrsi %squeeze3A_1100, %shift_right_arithmetic3A_1101 : i32
      %shift_left3A_1103 = arith.constant 7 : i32
      %shift_left3A_1104 = arith.shli %shift_right_arithmetic3A_1102, %shift_left3A_1103 : i32
      %multiple_of3A_1105 = tpu.assume_multiple %shift_left3A_1104, 128 : i32
      %and3A_1106 = arith.constant 127 : i32
      %and3A_1107 = arith.andi %squeeze3A_1100, %and3A_1106 : i32
      %dma_start3A_1108 = arith.constant 0 : i32
      %dma_start3A_1109 = tpu.memref_slice %arg9[%dma_start3A_1108, %multiple_of3A_1105] : memref<64x1000000xf32, #tpu.memory_space<hbm>> -> memref<64x128xf32, #tpu.memory_space<hbm>>
      %dma_start3A_1110 = arith.constant 0 : i32
      %dma_start3A_1111 = tpu.memref_slice %arg9[%dma_start3A_1110, %multiple_of3A_1105] : memref<64x1000000xf32, #tpu.memory_space<hbm>> -> memref<64x128xf32, #tpu.memory_space<hbm>>
      tpu.enqueue_dma source(%dma_start3A_1111 : memref<64x128xf32, #tpu.memory_space<hbm>>) target(%arg15 : memref<64x128xf32, #tpu.memory_space<vmem>>) target_semaphore(%arg26 : memref<!tpu.dma_semaphore, #tpu.memory_space<semaphore_mem>>)
      %dma_wait3A_1112 = arith.constant 0 : i32
      %dma_wait3A_1113 = tpu.memref_slice %arg9[%dma_wait3A_1112, %multiple_of3A_871] : memref<64x1000000xf32, #tpu.memory_space<hbm>> -> memref<64x128xf32, #tpu.memory_space<hbm>>
      %dma_wait3A_1114 = arith.constant 0 : i32
      %dma_wait3A_1115 = tpu.memref_slice %arg9[%dma_wait3A_1114, %multiple_of3A_871] : memref<64x1000000xf32, #tpu.memory_space<hbm>> -> memref<64x128xf32, #tpu.memory_space<hbm>>
      tpu.wait_dma2 semaphore(%arg27 : memref<!tpu.dma_semaphore, #tpu.memory_space<semaphore_mem>>) src(%dma_wait3A_1115 : memref<64x128xf32, #tpu.memory_space<hbm>>) dst(%arg16 : memref<64x128xf32, #tpu.memory_space<vmem>>)
      %broadcast_in_dim3A_1116 = vector.broadcast %and3A_873 : i32 to vector<16xi32>
      %gather3A_1117 = tpu.vector_load_idx %arg16[%add3A_219, %broadcast_in_dim3A_1116] : memref<64x128xf32, #tpu.memory_space<vmem>>[vector<16xi32>, vector<16xi32>], vector<16xf32>,
      %add3A_1118 = arith.addf %add3A_1092, %gather3A_1117 : vector<16xf32>
      %gather3A_1119 = tpu.vector_load_idx %arg16[%add3A_222, %broadcast_in_dim3A_1116] : memref<64x128xf32, #tpu.memory_space<vmem>>[vector<16xi32>, vector<16xi32>], vector<16xf32>,
      %add3A_1120 = arith.addf %add3A_1094, %gather3A_1119 : vector<16xf32>
      %gather3A_1121 = tpu.vector_load_idx %arg16[%add3A_225, %broadcast_in_dim3A_1116] : memref<64x128xf32, #tpu.memory_space<vmem>>[vector<16xi32>, vector<16xi32>], vector<16xf32>,
      %add3A_1122 = arith.addf %add3A_1096, %gather3A_1121 : vector<16xf32>
      %gather3A_1123 = tpu.vector_load_idx %arg16[%add3A_228, %broadcast_in_dim3A_1116] : memref<64x128xf32, #tpu.memory_space<vmem>>[vector<16xi32>, vector<16xi32>], vector<16xf32>,
      %add3A_1124 = arith.addf %add3A_1098, %gather3A_1123 : vector<16xf32>
      %slice3A_1125 = vector.extract_strided_slice %gather3A_84 {offsets = [12], sizes = [1], strides = [1]} : vector<16xi32> to vector<1xi32>
      %squeeze3A_1126 = vector.extract %slice3A_1125[0] : i32 from vector<1xi32>
      %shift_right_arithmetic3A_1127 = arith.constant 7 : i32
      %shift_right_arithmetic3A_1128 = arith.shrsi %squeeze3A_1126, %shift_right_arithmetic3A_1127 : i32
      %shift_left3A_1129 = arith.constant 7 : i32
      %shift_left3A_1130 = arith.shli %shift_right_arithmetic3A_1128, %shift_left3A_1129 : i32
      %multiple_of3A_1131 = tpu.assume_multiple %shift_left3A_1130, 128 : i32
      %and3A_1132 = arith.constant 127 : i32
      %and3A_1133 = arith.andi %squeeze3A_1126, %and3A_1132 : i32
      %dma_start3A_1134 = arith.constant 0 : i32
      %dma_start3A_1135 = tpu.memref_slice %arg9[%dma_start3A_1134, %multiple_of3A_1131] : memref<64x1000000xf32, #tpu.memory_space<hbm>> -> memref<64x128xf32, #tpu.memory_space<hbm>>
      %dma_start3A_1136 = arith.constant 0 : i32
      %dma_start3A_1137 = tpu.memref_slice %arg9[%dma_start3A_1136, %multiple_of3A_1131] : memref<64x1000000xf32, #tpu.memory_space<hbm>> -> memref<64x128xf32, #tpu.memory_space<hbm>>
      tpu.enqueue_dma source(%dma_start3A_1137 : memref<64x128xf32, #tpu.memory_space<hbm>>) target(%arg16 : memref<64x128xf32, #tpu.memory_space<vmem>>) target_semaphore(%arg27 : memref<!tpu.dma_semaphore, #tpu.memory_space<semaphore_mem>>)
      %dma_wait3A_1138 = arith.constant 0 : i32
      %dma_wait3A_1139 = tpu.memref_slice %arg9[%dma_wait3A_1138, %multiple_of3A_897] : memref<64x1000000xf32, #tpu.memory_space<hbm>> -> memref<64x128xf32, #tpu.memory_space<hbm>>
      %dma_wait3A_1140 = arith.constant 0 : i32
      %dma_wait3A_1141 = tpu.memref_slice %arg9[%dma_wait3A_1140, %multiple_of3A_897] : memref<64x1000000xf32, #tpu.memory_space<hbm>> -> memref<64x128xf32, #tpu.memory_space<hbm>>
      tpu.wait_dma2 semaphore(%arg28 : memref<!tpu.dma_semaphore, #tpu.memory_space<semaphore_mem>>) src(%dma_wait3A_1141 : memref<64x128xf32, #tpu.memory_space<hbm>>) dst(%arg17 : memref<64x128xf32, #tpu.memory_space<vmem>>)
      %broadcast_in_dim3A_1142 = vector.broadcast %and3A_899 : i32 to vector<16xi32>
      %gather3A_1143 = tpu.vector_load_idx %arg17[%add3A_219, %broadcast_in_dim3A_1142] : memref<64x128xf32, #tpu.memory_space<vmem>>[vector<16xi32>, vector<16xi32>], vector<16xf32>,
      %add3A_1144 = arith.addf %add3A_1118, %gather3A_1143 : vector<16xf32>
      %gather3A_1145 = tpu.vector_load_idx %arg17[%add3A_222, %broadcast_in_dim3A_1142] : memref<64x128xf32, #tpu.memory_space<vmem>>[vector<16xi32>, vector<16xi32>], vector<16xf32>,
      %add3A_1146 = arith.addf %add3A_1120, %gather3A_1145 : vector<16xf32>
      %gather3A_1147 = tpu.vector_load_idx %arg17[%add3A_225, %broadcast_in_dim3A_1142] : memref<64x128xf32, #tpu.memory_space<vmem>>[vector<16xi32>, vector<16xi32>], vector<16xf32>,
      %add3A_1148 = arith.addf %add3A_1122, %gather3A_1147 : vector<16xf32>
      %gather3A_1149 = tpu.vector_load_idx %arg17[%add3A_228, %broadcast_in_dim3A_1142] : memref<64x128xf32, #tpu.memory_space<vmem>>[vector<16xi32>, vector<16xi32>], vector<16xf32>,
      %add3A_1150 = arith.addf %add3A_1124, %gather3A_1149 : vector<16xf32>
      %slice3A_1151 = vector.extract_strided_slice %gather3A_84 {offsets = [13], sizes = [1], strides = [1]} : vector<16xi32> to vector<1xi32>
      %squeeze3A_1152 = vector.extract %slice3A_1151[0] : i32 from vector<1xi32>
      %shift_right_arithmetic3A_1153 = arith.constant 7 : i32
      %shift_right_arithmetic3A_1154 = arith.shrsi %squeeze3A_1152, %shift_right_arithmetic3A_1153 : i32
      %shift_left3A_1155 = arith.constant 7 : i32
      %shift_left3A_1156 = arith.shli %shift_right_arithmetic3A_1154, %shift_left3A_1155 : i32
      %multiple_of3A_1157 = tpu.assume_multiple %shift_left3A_1156, 128 : i32
      %and3A_1158 = arith.constant 127 : i32
      %and3A_1159 = arith.andi %squeeze3A_1152, %and3A_1158 : i32
      %dma_start3A_1160 = arith.constant 0 : i32
      %dma_start3A_1161 = tpu.memref_slice %arg9[%dma_start3A_1160, %multiple_of3A_1157] : memref<64x1000000xf32, #tpu.memory_space<hbm>> -> memref<64x128xf32, #tpu.memory_space<hbm>>
      %dma_start3A_1162 = arith.constant 0 : i32
      %dma_start3A_1163 = tpu.memref_slice %arg9[%dma_start3A_1162, %multiple_of3A_1157] : memref<64x1000000xf32, #tpu.memory_space<hbm>> -> memref<64x128xf32, #tpu.memory_space<hbm>>
      tpu.enqueue_dma source(%dma_start3A_1163 : memref<64x128xf32, #tpu.memory_space<hbm>>) target(%arg17 : memref<64x128xf32, #tpu.memory_space<vmem>>) target_semaphore(%arg28 : memref<!tpu.dma_semaphore, #tpu.memory_space<semaphore_mem>>)
      %dma_wait3A_1164 = arith.constant 0 : i32
      %dma_wait3A_1165 = tpu.memref_slice %arg9[%dma_wait3A_1164, %multiple_of3A_923] : memref<64x1000000xf32, #tpu.memory_space<hbm>> -> memref<64x128xf32, #tpu.memory_space<hbm>>
      %dma_wait3A_1166 = arith.constant 0 : i32
      %dma_wait3A_1167 = tpu.memref_slice %arg9[%dma_wait3A_1166, %multiple_of3A_923] : memref<64x1000000xf32, #tpu.memory_space<hbm>> -> memref<64x128xf32, #tpu.memory_space<hbm>>
      tpu.wait_dma2 semaphore(%arg29 : memref<!tpu.dma_semaphore, #tpu.memory_space<semaphore_mem>>) src(%dma_wait3A_1167 : memref<64x128xf32, #tpu.memory_space<hbm>>) dst(%arg18 : memref<64x128xf32, #tpu.memory_space<vmem>>)
      %broadcast_in_dim3A_1168 = vector.broadcast %and3A_925 : i32 to vector<16xi32>
      %gather3A_1169 = tpu.vector_load_idx %arg18[%add3A_219, %broadcast_in_dim3A_1168] : memref<64x128xf32, #tpu.memory_space<vmem>>[vector<16xi32>, vector<16xi32>], vector<16xf32>,
      %add3A_1170 = arith.addf %add3A_1144, %gather3A_1169 : vector<16xf32>
      %gather3A_1171 = tpu.vector_load_idx %arg18[%add3A_222, %broadcast_in_dim3A_1168] : memref<64x128xf32, #tpu.memory_space<vmem>>[vector<16xi32>, vector<16xi32>], vector<16xf32>,
      %add3A_1172 = arith.addf %add3A_1146, %gather3A_1171 : vector<16xf32>
      %gather3A_1173 = tpu.vector_load_idx %arg18[%add3A_225, %broadcast_in_dim3A_1168] : memref<64x128xf32, #tpu.memory_space<vmem>>[vector<16xi32>, vector<16xi32>], vector<16xf32>,
      %add3A_1174 = arith.addf %add3A_1148, %gather3A_1173 : vector<16xf32>
      %gather3A_1175 = tpu.vector_load_idx %arg18[%add3A_228, %broadcast_in_dim3A_1168] : memref<64x128xf32, #tpu.memory_space<vmem>>[vector<16xi32>, vector<16xi32>], vector<16xf32>,
      %add3A_1176 = arith.addf %add3A_1150, %gather3A_1175 : vector<16xf32>
      %slice3A_1177 = vector.extract_strided_slice %gather3A_84 {offsets = [14], sizes = [1], strides = [1]} : vector<16xi32> to vector<1xi32>
      %squeeze3A_1178 = vector.extract %slice3A_1177[0] : i32 from vector<1xi32>
      %shift_right_arithmetic3A_1179 = arith.constant 7 : i32
      %shift_right_arithmetic3A_1180 = arith.shrsi %squeeze3A_1178, %shift_right_arithmetic3A_1179 : i32
      %shift_left3A_1181 = arith.constant 7 : i32
      %shift_left3A_1182 = arith.shli %shift_right_arithmetic3A_1180, %shift_left3A_1181 : i32
      %multiple_of3A_1183 = tpu.assume_multiple %shift_left3A_1182, 128 : i32
      %and3A_1184 = arith.constant 127 : i32
      %and3A_1185 = arith.andi %squeeze3A_1178, %and3A_1184 : i32
      %dma_start3A_1186 = arith.constant 0 : i32
      %dma_start3A_1187 = tpu.memref_slice %arg9[%dma_start3A_1186, %multiple_of3A_1183] : memref<64x1000000xf32, #tpu.memory_space<hbm>> -> memref<64x128xf32, #tpu.memory_space<hbm>>
      %dma_start3A_1188 = arith.constant 0 : i32
      %dma_start3A_1189 = tpu.memref_slice %arg9[%dma_start3A_1188, %multiple_of3A_1183] : memref<64x1000000xf32, #tpu.memory_space<hbm>> -> memref<64x128xf32, #tpu.memory_space<hbm>>
      tpu.enqueue_dma source(%dma_start3A_1189 : memref<64x128xf32, #tpu.memory_space<hbm>>) target(%arg18 : memref<64x128xf32, #tpu.memory_space<vmem>>) target_semaphore(%arg29 : memref<!tpu.dma_semaphore, #tpu.memory_space<semaphore_mem>>)
      %dma_wait3A_1190 = arith.constant 0 : i32
      %dma_wait3A_1191 = tpu.memref_slice %arg9[%dma_wait3A_1190, %multiple_of3A_949] : memref<64x1000000xf32, #tpu.memory_space<hbm>> -> memref<64x128xf32, #tpu.memory_space<hbm>>
      %dma_wait3A_1192 = arith.constant 0 : i32
      %dma_wait3A_1193 = tpu.memref_slice %arg9[%dma_wait3A_1192, %multiple_of3A_949] : memref<64x1000000xf32, #tpu.memory_space<hbm>> -> memref<64x128xf32, #tpu.memory_space<hbm>>
      tpu.wait_dma2 semaphore(%arg30 : memref<!tpu.dma_semaphore, #tpu.memory_space<semaphore_mem>>) src(%dma_wait3A_1193 : memref<64x128xf32, #tpu.memory_space<hbm>>) dst(%arg19 : memref<64x128xf32, #tpu.memory_space<vmem>>)
      %broadcast_in_dim3A_1194 = vector.broadcast %and3A_951 : i32 to vector<16xi32>
      %gather3A_1195 = tpu.vector_load_idx %arg19[%add3A_219, %broadcast_in_dim3A_1194] : memref<64x128xf32, #tpu.memory_space<vmem>>[vector<16xi32>, vector<16xi32>], vector<16xf32>,
      %add3A_1196 = arith.addf %add3A_1170, %gather3A_1195 : vector<16xf32>
      %gather3A_1197 = tpu.vector_load_idx %arg19[%add3A_222, %broadcast_in_dim3A_1194] : memref<64x128xf32, #tpu.memory_space<vmem>>[vector<16xi32>, vector<16xi32>], vector<16xf32>,
      %add3A_1198 = arith.addf %add3A_1172, %gather3A_1197 : vector<16xf32>
      %gather3A_1199 = tpu.vector_load_idx %arg19[%add3A_225, %broadcast_in_dim3A_1194] : memref<64x128xf32, #tpu.memory_space<vmem>>[vector<16xi32>, vector<16xi32>], vector<16xf32>,
      %add3A_1200 = arith.addf %add3A_1174, %gather3A_1199 : vector<16xf32>
      %gather3A_1201 = tpu.vector_load_idx %arg19[%add3A_228, %broadcast_in_dim3A_1194] : memref<64x128xf32, #tpu.memory_space<vmem>>[vector<16xi32>, vector<16xi32>], vector<16xf32>,
      %add3A_1202 = arith.addf %add3A_1176, %gather3A_1201 : vector<16xf32>
      %slice3A_1203 = vector.extract_strided_slice %gather3A_84 {offsets = [15], sizes = [1], strides = [1]} : vector<16xi32> to vector<1xi32>
      %squeeze3A_1204 = vector.extract %slice3A_1203[0] : i32 from vector<1xi32>
      %shift_right_arithmetic3A_1205 = arith.constant 7 : i32
      %shift_right_arithmetic3A_1206 = arith.shrsi %squeeze3A_1204, %shift_right_arithmetic3A_1205 : i32
      %shift_left3A_1207 = arith.constant 7 : i32
      %shift_left3A_1208 = arith.shli %shift_right_arithmetic3A_1206, %shift_left3A_1207 : i32
      %multiple_of3A_1209 = tpu.assume_multiple %shift_left3A_1208, 128 : i32
      %and3A_1210 = arith.constant 127 : i32
      %and3A_1211 = arith.andi %squeeze3A_1204, %and3A_1210 : i32
      %dma_start3A_1212 = arith.constant 0 : i32
      %dma_start3A_1213 = tpu.memref_slice %arg9[%dma_start3A_1212, %multiple_of3A_1209] : memref<64x1000000xf32, #tpu.memory_space<hbm>> -> memref<64x128xf32, #tpu.memory_space<hbm>>
      %dma_start3A_1214 = arith.constant 0 : i32
      %dma_start3A_1215 = tpu.memref_slice %arg9[%dma_start3A_1214, %multiple_of3A_1209] : memref<64x1000000xf32, #tpu.memory_space<hbm>> -> memref<64x128xf32, #tpu.memory_space<hbm>>
      tpu.enqueue_dma source(%dma_start3A_1215 : memref<64x128xf32, #tpu.memory_space<hbm>>) target(%arg19 : memref<64x128xf32, #tpu.memory_space<vmem>>) target_semaphore(%arg30 : memref<!tpu.dma_semaphore, #tpu.memory_space<semaphore_mem>>)
      %dma_wait3A_1216 = arith.constant 0 : i32
      %dma_wait3A_1217 = tpu.memref_slice %arg9[%dma_wait3A_1216, %multiple_of3A_975] : memref<64x1000000xf32, #tpu.memory_space<hbm>> -> memref<64x128xf32, #tpu.memory_space<hbm>>
      %dma_wait3A_1218 = arith.constant 0 : i32
      %dma_wait3A_1219 = tpu.memref_slice %arg9[%dma_wait3A_1218, %multiple_of3A_975] : memref<64x1000000xf32, #tpu.memory_space<hbm>> -> memref<64x128xf32, #tpu.memory_space<hbm>>
      tpu.wait_dma2 semaphore(%arg31 : memref<!tpu.dma_semaphore, #tpu.memory_space<semaphore_mem>>) src(%dma_wait3A_1219 : memref<64x128xf32, #tpu.memory_space<hbm>>) dst(%arg20 : memref<64x128xf32, #tpu.memory_space<vmem>>)
      %broadcast_in_dim3A_1220 = vector.broadcast %and3A_977 : i32 to vector<16xi32>
      %gather3A_1221 = tpu.vector_load_idx %arg20[%add3A_219, %broadcast_in_dim3A_1220] : memref<64x128xf32, #tpu.memory_space<vmem>>[vector<16xi32>, vector<16xi32>], vector<16xf32>,
      %add3A_1222 = arith.addf %add3A_1196, %gather3A_1221 : vector<16xf32>
      %gather3A_1223 = tpu.vector_load_idx %arg20[%add3A_222, %broadcast_in_dim3A_1220] : memref<64x128xf32, #tpu.memory_space<vmem>>[vector<16xi32>, vector<16xi32>], vector<16xf32>,
      %add3A_1224 = arith.addf %add3A_1198, %gather3A_1223 : vector<16xf32>
      %gather3A_1225 = tpu.vector_load_idx %arg20[%add3A_225, %broadcast_in_dim3A_1220] : memref<64x128xf32, #tpu.memory_space<vmem>>[vector<16xi32>, vector<16xi32>], vector<16xf32>,
      %add3A_1226 = arith.addf %add3A_1200, %gather3A_1225 : vector<16xf32>
      %gather3A_1227 = tpu.vector_load_idx %arg20[%add3A_228, %broadcast_in_dim3A_1220] : memref<64x128xf32, #tpu.memory_space<vmem>>[vector<16xi32>, vector<16xi32>], vector<16xf32>,
      %add3A_1228 = arith.addf %add3A_1202, %gather3A_1227 : vector<16xf32>
      %slice3A_1229 = vector.extract_strided_slice %gather3A_91 {offsets = [0], sizes = [1], strides = [1]} : vector<16xi32> to vector<1xi32>
      %squeeze3A_1230 = vector.extract %slice3A_1229[0] : i32 from vector<1xi32>
      %shift_right_arithmetic3A_1231 = arith.constant 7 : i32
      %shift_right_arithmetic3A_1232 = arith.shrsi %squeeze3A_1230, %shift_right_arithmetic3A_1231 : i32
      %shift_left3A_1233 = arith.constant 7 : i32
      %shift_left3A_1234 = arith.shli %shift_right_arithmetic3A_1232, %shift_left3A_1233 : i32
      %multiple_of3A_1235 = tpu.assume_multiple %shift_left3A_1234, 128 : i32
      %and3A_1236 = arith.constant 127 : i32
      %and3A_1237 = arith.andi %squeeze3A_1230, %and3A_1236 : i32
      %dma_start3A_1238 = arith.constant 0 : i32
      %dma_start3A_1239 = tpu.memref_slice %arg9[%dma_start3A_1238, %multiple_of3A_1235] : memref<64x1000000xf32, #tpu.memory_space<hbm>> -> memref<64x128xf32, #tpu.memory_space<hbm>>
      %dma_start3A_1240 = arith.constant 0 : i32
      %dma_start3A_1241 = tpu.memref_slice %arg9[%dma_start3A_1240, %multiple_of3A_1235] : memref<64x1000000xf32, #tpu.memory_space<hbm>> -> memref<64x128xf32, #tpu.memory_space<hbm>>
      tpu.enqueue_dma source(%dma_start3A_1241 : memref<64x128xf32, #tpu.memory_space<hbm>>) target(%arg20 : memref<64x128xf32, #tpu.memory_space<vmem>>) target_semaphore(%arg31 : memref<!tpu.dma_semaphore, #tpu.memory_space<semaphore_mem>>)
      %dma_wait3A_1242 = arith.constant 0 : i32
      %dma_wait3A_1243 = tpu.memref_slice %arg9[%dma_wait3A_1242, %multiple_of3A_1001] : memref<64x1000000xf32, #tpu.memory_space<hbm>> -> memref<64x128xf32, #tpu.memory_space<hbm>>
      %dma_wait3A_1244 = arith.constant 0 : i32
      %dma_wait3A_1245 = tpu.memref_slice %arg9[%dma_wait3A_1244, %multiple_of3A_1001] : memref<64x1000000xf32, #tpu.memory_space<hbm>> -> memref<64x128xf32, #tpu.memory_space<hbm>>
      tpu.wait_dma2 semaphore(%arg32 : memref<!tpu.dma_semaphore, #tpu.memory_space<semaphore_mem>>) src(%dma_wait3A_1245 : memref<64x128xf32, #tpu.memory_space<hbm>>) dst(%arg21 : memref<64x128xf32, #tpu.memory_space<vmem>>)
      %broadcast_in_dim3A_1246 = vector.broadcast %and3A_1003 : i32 to vector<16xi32>
      %gather3A_1247 = tpu.vector_load_idx %arg21[%add3A_219, %broadcast_in_dim3A_1246] : memref<64x128xf32, #tpu.memory_space<vmem>>[vector<16xi32>, vector<16xi32>], vector<16xf32>,
      %add3A_1248 = arith.addf %add3A_1222, %gather3A_1247 : vector<16xf32>
      %gather3A_1249 = tpu.vector_load_idx %arg21[%add3A_222, %broadcast_in_dim3A_1246] : memref<64x128xf32, #tpu.memory_space<vmem>>[vector<16xi32>, vector<16xi32>], vector<16xf32>,
      %add3A_1250 = arith.addf %add3A_1224, %gather3A_1249 : vector<16xf32>
      %gather3A_1251 = tpu.vector_load_idx %arg21[%add3A_225, %broadcast_in_dim3A_1246] : memref<64x128xf32, #tpu.memory_space<vmem>>[vector<16xi32>, vector<16xi32>], vector<16xf32>,
      %add3A_1252 = arith.addf %add3A_1226, %gather3A_1251 : vector<16xf32>
      %gather3A_1253 = tpu.vector_load_idx %arg21[%add3A_228, %broadcast_in_dim3A_1246] : memref<64x128xf32, #tpu.memory_space<vmem>>[vector<16xi32>, vector<16xi32>], vector<16xf32>,
      %add3A_1254 = arith.addf %add3A_1228, %gather3A_1253 : vector<16xf32>
      %slice3A_1255 = vector.extract_strided_slice %gather3A_91 {offsets = [1], sizes = [1], strides = [1]} : vector<16xi32> to vector<1xi32>
      %squeeze3A_1256 = vector.extract %slice3A_1255[0] : i32 from vector<1xi32>
      %shift_right_arithmetic3A_1257 = arith.constant 7 : i32
      %shift_right_arithmetic3A_1258 = arith.shrsi %squeeze3A_1256, %shift_right_arithmetic3A_1257 : i32
      %shift_left3A_1259 = arith.constant 7 : i32
      %shift_left3A_1260 = arith.shli %shift_right_arithmetic3A_1258, %shift_left3A_1259 : i32
      %multiple_of3A_1261 = tpu.assume_multiple %shift_left3A_1260, 128 : i32
      %and3A_1262 = arith.constant 127 : i32
      %and3A_1263 = arith.andi %squeeze3A_1256, %and3A_1262 : i32
      %dma_start3A_1264 = arith.constant 0 : i32
      %dma_start3A_1265 = tpu.memref_slice %arg9[%dma_start3A_1264, %multiple_of3A_1261] : memref<64x1000000xf32, #tpu.memory_space<hbm>> -> memref<64x128xf32, #tpu.memory_space<hbm>>
      %dma_start3A_1266 = arith.constant 0 : i32
      %dma_start3A_1267 = tpu.memref_slice %arg9[%dma_start3A_1266, %multiple_of3A_1261] : memref<64x1000000xf32, #tpu.memory_space<hbm>> -> memref<64x128xf32, #tpu.memory_space<hbm>>
      tpu.enqueue_dma source(%dma_start3A_1267 : memref<64x128xf32, #tpu.memory_space<hbm>>) target(%arg21 : memref<64x128xf32, #tpu.memory_space<vmem>>) target_semaphore(%arg32 : memref<!tpu.dma_semaphore, #tpu.memory_space<semaphore_mem>>)
      %dma_wait3A_1268 = arith.constant 0 : i32
      %dma_wait3A_1269 = tpu.memref_slice %arg9[%dma_wait3A_1268, %multiple_of3A_1027] : memref<64x1000000xf32, #tpu.memory_space<hbm>> -> memref<64x128xf32, #tpu.memory_space<hbm>>
      %dma_wait3A_1270 = arith.constant 0 : i32
      %dma_wait3A_1271 = tpu.memref_slice %arg9[%dma_wait3A_1270, %multiple_of3A_1027] : memref<64x1000000xf32, #tpu.memory_space<hbm>> -> memref<64x128xf32, #tpu.memory_space<hbm>>
      tpu.wait_dma2 semaphore(%arg23 : memref<!tpu.dma_semaphore, #tpu.memory_space<semaphore_mem>>) src(%dma_wait3A_1271 : memref<64x128xf32, #tpu.memory_space<hbm>>) dst(%arg12 : memref<64x128xf32, #tpu.memory_space<vmem>>)
      %broadcast_in_dim3A_1272 = vector.broadcast %and3A_1029 : i32 to vector<16xi32>
      %gather3A_1273 = tpu.vector_load_idx %arg12[%add3A_219, %broadcast_in_dim3A_1272] : memref<64x128xf32, #tpu.memory_space<vmem>>[vector<16xi32>, vector<16xi32>], vector<16xf32>,
      %add3A_1274 = arith.addf %add3A_1248, %gather3A_1273 : vector<16xf32>
      %gather3A_1275 = tpu.vector_load_idx %arg12[%add3A_222, %broadcast_in_dim3A_1272] : memref<64x128xf32, #tpu.memory_space<vmem>>[vector<16xi32>, vector<16xi32>], vector<16xf32>,
      %add3A_1276 = arith.addf %add3A_1250, %gather3A_1275 : vector<16xf32>
      %gather3A_1277 = tpu.vector_load_idx %arg12[%add3A_225, %broadcast_in_dim3A_1272] : memref<64x128xf32, #tpu.memory_space<vmem>>[vector<16xi32>, vector<16xi32>], vector<16xf32>,
      %add3A_1278 = arith.addf %add3A_1252, %gather3A_1277 : vector<16xf32>
      %gather3A_1279 = tpu.vector_load_idx %arg12[%add3A_228, %broadcast_in_dim3A_1272] : memref<64x128xf32, #tpu.memory_space<vmem>>[vector<16xi32>, vector<16xi32>], vector<16xf32>,
      %add3A_1280 = arith.addf %add3A_1254, %gather3A_1279 : vector<16xf32>
      %dma_wait3A_1281 = arith.constant 0 : i32
      %dma_wait3A_1282 = tpu.memref_slice %arg9[%dma_wait3A_1281, %multiple_of3A_1053] : memref<64x1000000xf32, #tpu.memory_space<hbm>> -> memref<64x128xf32, #tpu.memory_space<hbm>>
      %dma_wait3A_1283 = arith.constant 0 : i32
      %dma_wait3A_1284 = tpu.memref_slice %arg9[%dma_wait3A_1283, %multiple_of3A_1053] : memref<64x1000000xf32, #tpu.memory_space<hbm>> -> memref<64x128xf32, #tpu.memory_space<hbm>>
      tpu.wait_dma2 semaphore(%arg24 : memref<!tpu.dma_semaphore, #tpu.memory_space<semaphore_mem>>) src(%dma_wait3A_1284 : memref<64x128xf32, #tpu.memory_space<hbm>>) dst(%arg13 : memref<64x128xf32, #tpu.memory_space<vmem>>)
      %broadcast_in_dim3A_1285 = vector.broadcast %and3A_1055 : i32 to vector<16xi32>
      %gather3A_1286 = tpu.vector_load_idx %arg13[%add3A_219, %broadcast_in_dim3A_1285] : memref<64x128xf32, #tpu.memory_space<vmem>>[vector<16xi32>, vector<16xi32>], vector<16xf32>,
      %add3A_1287 = arith.addf %add3A_1274, %gather3A_1286 : vector<16xf32>
      %gather3A_1288 = tpu.vector_load_idx %arg13[%add3A_222, %broadcast_in_dim3A_1285] : memref<64x128xf32, #tpu.memory_space<vmem>>[vector<16xi32>, vector<16xi32>], vector<16xf32>,
      %add3A_1289 = arith.addf %add3A_1276, %gather3A_1288 : vector<16xf32>
      %gather3A_1290 = tpu.vector_load_idx %arg13[%add3A_225, %broadcast_in_dim3A_1285] : memref<64x128xf32, #tpu.memory_space<vmem>>[vector<16xi32>, vector<16xi32>], vector<16xf32>,
      %add3A_1291 = arith.addf %add3A_1278, %gather3A_1290 : vector<16xf32>
      %gather3A_1292 = tpu.vector_load_idx %arg13[%add3A_228, %broadcast_in_dim3A_1285] : memref<64x128xf32, #tpu.memory_space<vmem>>[vector<16xi32>, vector<16xi32>], vector<16xf32>,
      %add3A_1293 = arith.addf %add3A_1280, %gather3A_1292 : vector<16xf32>
      %dma_wait3A_1294 = arith.constant 0 : i32
      %dma_wait3A_1295 = tpu.memref_slice %arg9[%dma_wait3A_1294, %multiple_of3A_1079] : memref<64x1000000xf32, #tpu.memory_space<hbm>> -> memref<64x128xf32, #tpu.memory_space<hbm>>
      %dma_wait3A_1296 = arith.constant 0 : i32
      %dma_wait3A_1297 = tpu.memref_slice %arg9[%dma_wait3A_1296, %multiple_of3A_1079] : memref<64x1000000xf32, #tpu.memory_space<hbm>> -> memref<64x128xf32, #tpu.memory_space<hbm>>
      tpu.wait_dma2 semaphore(%arg25 : memref<!tpu.dma_semaphore, #tpu.memory_space<semaphore_mem>>) src(%dma_wait3A_1297 : memref<64x128xf32, #tpu.memory_space<hbm>>) dst(%arg14 : memref<64x128xf32, #tpu.memory_space<vmem>>)
      %broadcast_in_dim3A_1298 = vector.broadcast %and3A_1081 : i32 to vector<16xi32>
      %gather3A_1299 = tpu.vector_load_idx %arg14[%add3A_219, %broadcast_in_dim3A_1298] : memref<64x128xf32, #tpu.memory_space<vmem>>[vector<16xi32>, vector<16xi32>], vector<16xf32>,
      %add3A_1300 = arith.addf %add3A_1287, %gather3A_1299 : vector<16xf32>
      %gather3A_1301 = tpu.vector_load_idx %arg14[%add3A_222, %broadcast_in_dim3A_1298] : memref<64x128xf32, #tpu.memory_space<vmem>>[vector<16xi32>, vector<16xi32>], vector<16xf32>,
      %add3A_1302 = arith.addf %add3A_1289, %gather3A_1301 : vector<16xf32>
      %gather3A_1303 = tpu.vector_load_idx %arg14[%add3A_225, %broadcast_in_dim3A_1298] : memref<64x128xf32, #tpu.memory_space<vmem>>[vector<16xi32>, vector<16xi32>], vector<16xf32>,
      %add3A_1304 = arith.addf %add3A_1291, %gather3A_1303 : vector<16xf32>
      %gather3A_1305 = tpu.vector_load_idx %arg14[%add3A_228, %broadcast_in_dim3A_1298] : memref<64x128xf32, #tpu.memory_space<vmem>>[vector<16xi32>, vector<16xi32>], vector<16xf32>,
      %add3A_1306 = arith.addf %add3A_1293, %gather3A_1305 : vector<16xf32>
      %dma_wait3A_1307 = arith.constant 0 : i32
      %dma_wait3A_1308 = tpu.memref_slice %arg9[%dma_wait3A_1307, %multiple_of3A_1105] : memref<64x1000000xf32, #tpu.memory_space<hbm>> -> memref<64x128xf32, #tpu.memory_space<hbm>>
      %dma_wait3A_1309 = arith.constant 0 : i32
      %dma_wait3A_1310 = tpu.memref_slice %arg9[%dma_wait3A_1309, %multiple_of3A_1105] : memref<64x1000000xf32, #tpu.memory_space<hbm>> -> memref<64x128xf32, #tpu.memory_space<hbm>>
      tpu.wait_dma2 semaphore(%arg26 : memref<!tpu.dma_semaphore, #tpu.memory_space<semaphore_mem>>) src(%dma_wait3A_1310 : memref<64x128xf32, #tpu.memory_space<hbm>>) dst(%arg15 : memref<64x128xf32, #tpu.memory_space<vmem>>)
      %broadcast_in_dim3A_1311 = vector.broadcast %and3A_1107 : i32 to vector<16xi32>
      %gather3A_1312 = tpu.vector_load_idx %arg15[%add3A_219, %broadcast_in_dim3A_1311] : memref<64x128xf32, #tpu.memory_space<vmem>>[vector<16xi32>, vector<16xi32>], vector<16xf32>,
      %add3A_1313 = arith.addf %add3A_1300, %gather3A_1312 : vector<16xf32>
      %gather3A_1314 = tpu.vector_load_idx %arg15[%add3A_222, %broadcast_in_dim3A_1311] : memref<64x128xf32, #tpu.memory_space<vmem>>[vector<16xi32>, vector<16xi32>], vector<16xf32>,
      %add3A_1315 = arith.addf %add3A_1302, %gather3A_1314 : vector<16xf32>
      %gather3A_1316 = tpu.vector_load_idx %arg15[%add3A_225, %broadcast_in_dim3A_1311] : memref<64x128xf32, #tpu.memory_space<vmem>>[vector<16xi32>, vector<16xi32>], vector<16xf32>,
      %add3A_1317 = arith.addf %add3A_1304, %gather3A_1316 : vector<16xf32>
      %gather3A_1318 = tpu.vector_load_idx %arg15[%add3A_228, %broadcast_in_dim3A_1311] : memref<64x128xf32, #tpu.memory_space<vmem>>[vector<16xi32>, vector<16xi32>], vector<16xf32>,
      %add3A_1319 = arith.addf %add3A_1306, %gather3A_1318 : vector<16xf32>
      %dma_wait3A_1320 = arith.constant 0 : i32
      %dma_wait3A_1321 = tpu.memref_slice %arg9[%dma_wait3A_1320, %multiple_of3A_1131] : memref<64x1000000xf32, #tpu.memory_space<hbm>> -> memref<64x128xf32, #tpu.memory_space<hbm>>
      %dma_wait3A_1322 = arith.constant 0 : i32
      %dma_wait3A_1323 = tpu.memref_slice %arg9[%dma_wait3A_1322, %multiple_of3A_1131] : memref<64x1000000xf32, #tpu.memory_space<hbm>> -> memref<64x128xf32, #tpu.memory_space<hbm>>
      tpu.wait_dma2 semaphore(%arg27 : memref<!tpu.dma_semaphore, #tpu.memory_space<semaphore_mem>>) src(%dma_wait3A_1323 : memref<64x128xf32, #tpu.memory_space<hbm>>) dst(%arg16 : memref<64x128xf32, #tpu.memory_space<vmem>>)
      %broadcast_in_dim3A_1324 = vector.broadcast %and3A_1133 : i32 to vector<16xi32>
      %gather3A_1325 = tpu.vector_load_idx %arg16[%add3A_219, %broadcast_in_dim3A_1324] : memref<64x128xf32, #tpu.memory_space<vmem>>[vector<16xi32>, vector<16xi32>], vector<16xf32>,
      %add3A_1326 = arith.addf %add3A_1313, %gather3A_1325 : vector<16xf32>
      %gather3A_1327 = tpu.vector_load_idx %arg16[%add3A_222, %broadcast_in_dim3A_1324] : memref<64x128xf32, #tpu.memory_space<vmem>>[vector<16xi32>, vector<16xi32>], vector<16xf32>,
      %add3A_1328 = arith.addf %add3A_1315, %gather3A_1327 : vector<16xf32>
      %gather3A_1329 = tpu.vector_load_idx %arg16[%add3A_225, %broadcast_in_dim3A_1324] : memref<64x128xf32, #tpu.memory_space<vmem>>[vector<16xi32>, vector<16xi32>], vector<16xf32>,
      %add3A_1330 = arith.addf %add3A_1317, %gather3A_1329 : vector<16xf32>
      %gather3A_1331 = tpu.vector_load_idx %arg16[%add3A_228, %broadcast_in_dim3A_1324] : memref<64x128xf32, #tpu.memory_space<vmem>>[vector<16xi32>, vector<16xi32>], vector<16xf32>,
      %add3A_1332 = arith.addf %add3A_1319, %gather3A_1331 : vector<16xf32>
      %dma_wait3A_1333 = arith.constant 0 : i32
      %dma_wait3A_1334 = tpu.memref_slice %arg9[%dma_wait3A_1333, %multiple_of3A_1157] : memref<64x1000000xf32, #tpu.memory_space<hbm>> -> memref<64x128xf32, #tpu.memory_space<hbm>>
      %dma_wait3A_1335 = arith.constant 0 : i32
      %dma_wait3A_1336 = tpu.memref_slice %arg9[%dma_wait3A_1335, %multiple_of3A_1157] : memref<64x1000000xf32, #tpu.memory_space<hbm>> -> memref<64x128xf32, #tpu.memory_space<hbm>>
      tpu.wait_dma2 semaphore(%arg28 : memref<!tpu.dma_semaphore, #tpu.memory_space<semaphore_mem>>) src(%dma_wait3A_1336 : memref<64x128xf32, #tpu.memory_space<hbm>>) dst(%arg17 : memref<64x128xf32, #tpu.memory_space<vmem>>)
      %broadcast_in_dim3A_1337 = vector.broadcast %and3A_1159 : i32 to vector<16xi32>
      %gather3A_1338 = tpu.vector_load_idx %arg17[%add3A_219, %broadcast_in_dim3A_1337] : memref<64x128xf32, #tpu.memory_space<vmem>>[vector<16xi32>, vector<16xi32>], vector<16xf32>,
      %add3A_1339 = arith.addf %add3A_1326, %gather3A_1338 : vector<16xf32>
      %gather3A_1340 = tpu.vector_load_idx %arg17[%add3A_222, %broadcast_in_dim3A_1337] : memref<64x128xf32, #tpu.memory_space<vmem>>[vector<16xi32>, vector<16xi32>], vector<16xf32>,
      %add3A_1341 = arith.addf %add3A_1328, %gather3A_1340 : vector<16xf32>
      %gather3A_1342 = tpu.vector_load_idx %arg17[%add3A_225, %broadcast_in_dim3A_1337] : memref<64x128xf32, #tpu.memory_space<vmem>>[vector<16xi32>, vector<16xi32>], vector<16xf32>,
      %add3A_1343 = arith.addf %add3A_1330, %gather3A_1342 : vector<16xf32>
      %gather3A_1344 = tpu.vector_load_idx %arg17[%add3A_228, %broadcast_in_dim3A_1337] : memref<64x128xf32, #tpu.memory_space<vmem>>[vector<16xi32>, vector<16xi32>], vector<16xf32>,
      %add3A_1345 = arith.addf %add3A_1332, %gather3A_1344 : vector<16xf32>
      %dma_wait3A_1346 = arith.constant 0 : i32
      %dma_wait3A_1347 = tpu.memref_slice %arg9[%dma_wait3A_1346, %multiple_of3A_1183] : memref<64x1000000xf32, #tpu.memory_space<hbm>> -> memref<64x128xf32, #tpu.memory_space<hbm>>
      %dma_wait3A_1348 = arith.constant 0 : i32
      %dma_wait3A_1349 = tpu.memref_slice %arg9[%dma_wait3A_1348, %multiple_of3A_1183] : memref<64x1000000xf32, #tpu.memory_space<hbm>> -> memref<64x128xf32, #tpu.memory_space<hbm>>
      tpu.wait_dma2 semaphore(%arg29 : memref<!tpu.dma_semaphore, #tpu.memory_space<semaphore_mem>>) src(%dma_wait3A_1349 : memref<64x128xf32, #tpu.memory_space<hbm>>) dst(%arg18 : memref<64x128xf32, #tpu.memory_space<vmem>>)
      %broadcast_in_dim3A_1350 = vector.broadcast %and3A_1185 : i32 to vector<16xi32>
      %gather3A_1351 = tpu.vector_load_idx %arg18[%add3A_219, %broadcast_in_dim3A_1350] : memref<64x128xf32, #tpu.memory_space<vmem>>[vector<16xi32>, vector<16xi32>], vector<16xf32>,
      %add3A_1352 = arith.addf %add3A_1339, %gather3A_1351 : vector<16xf32>
      %gather3A_1353 = tpu.vector_load_idx %arg18[%add3A_222, %broadcast_in_dim3A_1350] : memref<64x128xf32, #tpu.memory_space<vmem>>[vector<16xi32>, vector<16xi32>], vector<16xf32>,
      %add3A_1354 = arith.addf %add3A_1341, %gather3A_1353 : vector<16xf32>
      %gather3A_1355 = tpu.vector_load_idx %arg18[%add3A_225, %broadcast_in_dim3A_1350] : memref<64x128xf32, #tpu.memory_space<vmem>>[vector<16xi32>, vector<16xi32>], vector<16xf32>,
      %add3A_1356 = arith.addf %add3A_1343, %gather3A_1355 : vector<16xf32>
      %gather3A_1357 = tpu.vector_load_idx %arg18[%add3A_228, %broadcast_in_dim3A_1350] : memref<64x128xf32, #tpu.memory_space<vmem>>[vector<16xi32>, vector<16xi32>], vector<16xf32>,
      %add3A_1358 = arith.addf %add3A_1345, %gather3A_1357 : vector<16xf32>
      %dma_wait3A_1359 = arith.constant 0 : i32
      %dma_wait3A_1360 = tpu.memref_slice %arg9[%dma_wait3A_1359, %multiple_of3A_1209] : memref<64x1000000xf32, #tpu.memory_space<hbm>> -> memref<64x128xf32, #tpu.memory_space<hbm>>
      %dma_wait3A_1361 = arith.constant 0 : i32
      %dma_wait3A_1362 = tpu.memref_slice %arg9[%dma_wait3A_1361, %multiple_of3A_1209] : memref<64x1000000xf32, #tpu.memory_space<hbm>> -> memref<64x128xf32, #tpu.memory_space<hbm>>
      tpu.wait_dma2 semaphore(%arg30 : memref<!tpu.dma_semaphore, #tpu.memory_space<semaphore_mem>>) src(%dma_wait3A_1362 : memref<64x128xf32, #tpu.memory_space<hbm>>) dst(%arg19 : memref<64x128xf32, #tpu.memory_space<vmem>>)
      %broadcast_in_dim3A_1363 = vector.broadcast %and3A_1211 : i32 to vector<16xi32>
      %gather3A_1364 = tpu.vector_load_idx %arg19[%add3A_219, %broadcast_in_dim3A_1363] : memref<64x128xf32, #tpu.memory_space<vmem>>[vector<16xi32>, vector<16xi32>], vector<16xf32>,
      %add3A_1365 = arith.addf %add3A_1352, %gather3A_1364 : vector<16xf32>
      %gather3A_1366 = tpu.vector_load_idx %arg19[%add3A_222, %broadcast_in_dim3A_1363] : memref<64x128xf32, #tpu.memory_space<vmem>>[vector<16xi32>, vector<16xi32>], vector<16xf32>,
      %add3A_1367 = arith.addf %add3A_1354, %gather3A_1366 : vector<16xf32>
      %gather3A_1368 = tpu.vector_load_idx %arg19[%add3A_225, %broadcast_in_dim3A_1363] : memref<64x128xf32, #tpu.memory_space<vmem>>[vector<16xi32>, vector<16xi32>], vector<16xf32>,
      %add3A_1369 = arith.addf %add3A_1356, %gather3A_1368 : vector<16xf32>
      %gather3A_1370 = tpu.vector_load_idx %arg19[%add3A_228, %broadcast_in_dim3A_1363] : memref<64x128xf32, #tpu.memory_space<vmem>>[vector<16xi32>, vector<16xi32>], vector<16xf32>,
      %add3A_1371 = arith.addf %add3A_1358, %gather3A_1370 : vector<16xf32>
      %dma_wait3A_1372 = arith.constant 0 : i32
      %dma_wait3A_1373 = tpu.memref_slice %arg9[%dma_wait3A_1372, %multiple_of3A_1235] : memref<64x1000000xf32, #tpu.memory_space<hbm>> -> memref<64x128xf32, #tpu.memory_space<hbm>>
      %dma_wait3A_1374 = arith.constant 0 : i32
      %dma_wait3A_1375 = tpu.memref_slice %arg9[%dma_wait3A_1374, %multiple_of3A_1235] : memref<64x1000000xf32, #tpu.memory_space<hbm>> -> memref<64x128xf32, #tpu.memory_space<hbm>>
      tpu.wait_dma2 semaphore(%arg31 : memref<!tpu.dma_semaphore, #tpu.memory_space<semaphore_mem>>) src(%dma_wait3A_1375 : memref<64x128xf32, #tpu.memory_space<hbm>>) dst(%arg20 : memref<64x128xf32, #tpu.memory_space<vmem>>)
      %broadcast_in_dim3A_1376 = vector.broadcast %and3A_1237 : i32 to vector<16xi32>
      %gather3A_1377 = tpu.vector_load_idx %arg20[%add3A_219, %broadcast_in_dim3A_1376] : memref<64x128xf32, #tpu.memory_space<vmem>>[vector<16xi32>, vector<16xi32>], vector<16xf32>,
      %add3A_1378 = arith.addf %add3A_1365, %gather3A_1377 : vector<16xf32>
      %gather3A_1379 = tpu.vector_load_idx %arg20[%add3A_222, %broadcast_in_dim3A_1376] : memref<64x128xf32, #tpu.memory_space<vmem>>[vector<16xi32>, vector<16xi32>], vector<16xf32>,
      %add3A_1380 = arith.addf %add3A_1367, %gather3A_1379 : vector<16xf32>
      %gather3A_1381 = tpu.vector_load_idx %arg20[%add3A_225, %broadcast_in_dim3A_1376] : memref<64x128xf32, #tpu.memory_space<vmem>>[vector<16xi32>, vector<16xi32>], vector<16xf32>,
      %add3A_1382 = arith.addf %add3A_1369, %gather3A_1381 : vector<16xf32>
      %gather3A_1383 = tpu.vector_load_idx %arg20[%add3A_228, %broadcast_in_dim3A_1376] : memref<64x128xf32, #tpu.memory_space<vmem>>[vector<16xi32>, vector<16xi32>], vector<16xf32>,
      %add3A_1384 = arith.addf %add3A_1371, %gather3A_1383 : vector<16xf32>
      %dma_wait3A_1385 = arith.constant 0 : i32
      %dma_wait3A_1386 = tpu.memref_slice %arg9[%dma_wait3A_1385, %multiple_of3A_1261] : memref<64x1000000xf32, #tpu.memory_space<hbm>> -> memref<64x128xf32, #tpu.memory_space<hbm>>
      %dma_wait3A_1387 = arith.constant 0 : i32
      %dma_wait3A_1388 = tpu.memref_slice %arg9[%dma_wait3A_1387, %multiple_of3A_1261] : memref<64x1000000xf32, #tpu.memory_space<hbm>> -> memref<64x128xf32, #tpu.memory_space<hbm>>
      tpu.wait_dma2 semaphore(%arg32 : memref<!tpu.dma_semaphore, #tpu.memory_space<semaphore_mem>>) src(%dma_wait3A_1388 : memref<64x128xf32, #tpu.memory_space<hbm>>) dst(%arg21 : memref<64x128xf32, #tpu.memory_space<vmem>>)
      %broadcast_in_dim3A_1389 = vector.broadcast %and3A_1263 : i32 to vector<16xi32>
      %gather3A_1390 = tpu.vector_load_idx %arg21[%add3A_219, %broadcast_in_dim3A_1389] : memref<64x128xf32, #tpu.memory_space<vmem>>[vector<16xi32>, vector<16xi32>], vector<16xf32>,
      %add3A_1391 = arith.addf %add3A_1378, %gather3A_1390 : vector<16xf32>
      %gather3A_1392 = tpu.vector_load_idx %arg21[%add3A_222, %broadcast_in_dim3A_1389] : memref<64x128xf32, #tpu.memory_space<vmem>>[vector<16xi32>, vector<16xi32>], vector<16xf32>,
      %add3A_1393 = arith.addf %add3A_1380, %gather3A_1392 : vector<16xf32>
      %gather3A_1394 = tpu.vector_load_idx %arg21[%add3A_225, %broadcast_in_dim3A_1389] : memref<64x128xf32, #tpu.memory_space<vmem>>[vector<16xi32>, vector<16xi32>], vector<16xf32>,
      %add3A_1395 = arith.addf %add3A_1382, %gather3A_1394 : vector<16xf32>
      %gather3A_1396 = tpu.vector_load_idx %arg21[%add3A_228, %broadcast_in_dim3A_1389] : memref<64x128xf32, #tpu.memory_space<vmem>>[vector<16xi32>, vector<16xi32>], vector<16xf32>,
      %add3A_1397 = arith.addf %add3A_1384, %gather3A_1396 : vector<16xf32>
      %swap3A = arith.constant 0 : i32
      %swap3A_1398 = arith.index_cast %swap3A : i32 to index
      %swap3A_1399 = arith.constant 0 : index
      %swap3A_1400 = tpu.vector_load %arg22[%swap3A_1398, %swap3A_1399] {strides = array<i32>} : memref<1x64xf32, #tpu.memory_space<vmem>>, vector<16xf32>,
      tpu.vector_store %arg22[%swap3A_1398, %swap3A_1399], %add3A_1391 {strides = array<i32>} : memref<1x64xf32, #tpu.memory_space<vmem>>, vector<16xf32>,
      %swap3A_1401 = arith.constant 0 : i32
      %swap3A_1402 = arith.index_cast %swap3A_1401 : i32 to index
      %swap3A_1403 = arith.constant 16 : index
      %swap3A_1404 = tpu.vector_load %arg22[%swap3A_1402, %swap3A_1403] {strides = array<i32>} : memref<1x64xf32, #tpu.memory_space<vmem>>, vector<16xf32>,
      tpu.vector_store %arg22[%swap3A_1402, %swap3A_1403], %add3A_1393 {strides = array<i32>} : memref<1x64xf32, #tpu.memory_space<vmem>>, vector<16xf32>,
      %swap3A_1405 = arith.constant 0 : i32
      %swap3A_1406 = arith.index_cast %swap3A_1405 : i32 to index
      %swap3A_1407 = arith.constant 32 : index
      %swap3A_1408 = tpu.vector_load %arg22[%swap3A_1406, %swap3A_1407] {strides = array<i32>} : memref<1x64xf32, #tpu.memory_space<vmem>>, vector<16xf32>,
      tpu.vector_store %arg22[%swap3A_1406, %swap3A_1407], %add3A_1395 {strides = array<i32>} : memref<1x64xf32, #tpu.memory_space<vmem>>, vector<16xf32>,
      %swap3A_1409 = arith.constant 0 : i32
      %swap3A_1410 = arith.index_cast %swap3A_1409 : i32 to index
      %swap3A_1411 = arith.constant 48 : index
      %swap3A_1412 = tpu.vector_load %arg22[%swap3A_1410, %swap3A_1411] {strides = array<i32>} : memref<1x64xf32, #tpu.memory_space<vmem>>, vector<16xf32>,
      tpu.vector_store %arg22[%swap3A_1410, %swap3A_1411], %add3A_1397 {strides = array<i32>} : memref<1x64xf32, #tpu.memory_space<vmem>>, vector<16xf32>,
      %mul3A_1413 = arith.constant 7 : i32
      %mul3A_1414 = arith.muli %mul3A_1413, %select_n3A_33 : i32
      %add3A_1415 = arith.addi %mul3A_1414, %select_n3A : i32
      "tpu.region"() ({
        %run_scoped3A = tpu.sem_alloc : memref<!tpu.dma_semaphore, #tpu.memory_space<semaphore_mem>>
        %dma_start3A_1416 = arith.constant 0 : i32
        %dma_start3A_1417 = arith.constant 0 : i32
        %dma_start3A_1418 = tpu.memref_slice %arg10[%add3A_1415, %dma_start3A_1416, %dma_start3A_1417] : memref<28x1x64xf32, #tpu.memory_space<hbm>> -> memref<1x1x64xf32, #tpu.memory_space<hbm>>
        %dma_start3A_1419 = tpu.memref_squeeze %dma_start3A_1418 : memref<1x1x64xf32, #tpu.memory_space<hbm>> -> memref<1x64xf32, #tpu.memory_space<hbm>>
        %dma_start3A_1420 = arith.constant 0 : i32
        %dma_start3A_1421 = arith.constant 0 : i32
        %dma_start3A_1422 = tpu.memref_slice %arg10[%add3A_1415, %dma_start3A_1420, %dma_start3A_1421] : memref<28x1x64xf32, #tpu.memory_space<hbm>> -> memref<1x1x64xf32, #tpu.memory_space<hbm>>
        %dma_start3A_1423 = tpu.memref_squeeze %dma_start3A_1422 : memref<1x1x64xf32, #tpu.memory_space<hbm>> -> memref<1x64xf32, #tpu.memory_space<hbm>>
        tpu.enqueue_dma source(%arg22 : memref<1x64xf32, #tpu.memory_space<vmem>>) target(%dma_start3A_1423 : memref<1x64xf32, #tpu.memory_space<hbm>>) target_semaphore(%run_scoped3A : memref<!tpu.dma_semaphore, #tpu.memory_space<semaphore_mem>>)
        %dma_wait3A_1424 = arith.constant 0 : i32
        %dma_wait3A_1425 = arith.constant 0 : i32
        %dma_wait3A_1426 = tpu.memref_slice %arg10[%add3A_1415, %dma_wait3A_1424, %dma_wait3A_1425] : memref<28x1x64xf32, #tpu.memory_space<hbm>> -> memref<1x1x64xf32, #tpu.memory_space<hbm>>
        %dma_wait3A_1427 = tpu.memref_squeeze %dma_wait3A_1426 : memref<1x1x64xf32, #tpu.memory_space<hbm>> -> memref<1x64xf32, #tpu.memory_space<hbm>>
        %dma_wait3A_1428 = arith.constant 0 : i32
        %dma_wait3A_1429 = arith.constant 0 : i32
        %dma_wait3A_1430 = tpu.memref_slice %arg10[%add3A_1415, %dma_wait3A_1428, %dma_wait3A_1429] : memref<28x1x64xf32, #tpu.memory_space<hbm>> -> memref<1x1x64xf32, #tpu.memory_space<hbm>>
        %dma_wait3A_1431 = tpu.memref_squeeze %dma_wait3A_1430 : memref<1x1x64xf32, #tpu.memory_space<hbm>> -> memref<1x64xf32, #tpu.memory_space<hbm>>
        tpu.wait_dma2 semaphore(%run_scoped3A : memref<!tpu.dma_semaphore, #tpu.memory_space<semaphore_mem>>) src(%arg22 : memref<1x64xf32, #tpu.memory_space<vmem>>) dst(%dma_wait3A_1431 : memref<1x64xf32, #tpu.memory_space<hbm>>)
        tpu.yield
      }) : () -> ()
    } else {
    }
    return
  }
}

module attributes {stable_mosaic.version = 14 : i64} {
  func.func @_tc_combine_body(%arg0: memref<8xf32, #tpu.memory_space<smem>>, %arg1: memref<28x1x64xf32, #tpu.memory_space<vmem>>, %arg2: memref<8x32xf32, #tpu.memory_space<vmem>>, %arg3: memref<32x64xf32, #tpu.memory_space<vmem>>, %arg4: memref<64xf32, #tpu.memory_space<vmem>>, %arg5: memref<8x64xf32, #tpu.memory_space<vmem>>) attributes {dimension_semantics = [], scalar_prefetch = 0 : i64, scratch_operands = 0 : i64, tpu.core_type = #tpu.core_type<tc>} {
    %get3A = arith.constant 0 : index
    %get3A_0 = arith.constant 0 : index
    %get3A_1 = arith.constant 0 : index
    %get3A_2 = vector.load %arg1[%get3A, %get3A_0, %get3A_1] : memref<28x1x64xf32, #tpu.memory_space<vmem>>, vector<7x1x64xf32>
    %get3A_3 = vector.shape_cast %get3A_2 : vector<7x1x64xf32> to vector<7x64xf32>
    %get3A_4 = arith.constant 7 : index
    %get3A_5 = arith.constant 0 : index
    %get3A_6 = arith.constant 0 : index
    %get3A_7 = vector.load %arg1[%get3A_4, %get3A_5, %get3A_6] : memref<28x1x64xf32, #tpu.memory_space<vmem>>, vector<7x1x64xf32>
    %get3A_8 = vector.shape_cast %get3A_7 : vector<7x1x64xf32> to vector<7x64xf32>
    %add3A = arith.addf %get3A_3, %get3A_8 : vector<7x64xf32>
    %get3A_9 = arith.constant 14 : index
    %get3A_10 = arith.constant 0 : index
    %get3A_11 = arith.constant 0 : index
    %get3A_12 = vector.load %arg1[%get3A_9, %get3A_10, %get3A_11] : memref<28x1x64xf32, #tpu.memory_space<vmem>>, vector<7x1x64xf32>
    %get3A_13 = vector.shape_cast %get3A_12 : vector<7x1x64xf32> to vector<7x64xf32>
    %add3A_14 = arith.addf %add3A, %get3A_13 : vector<7x64xf32>
    %get3A_15 = arith.constant 21 : index
    %get3A_16 = arith.constant 0 : index
    %get3A_17 = arith.constant 0 : index
    %get3A_18 = vector.load %arg1[%get3A_15, %get3A_16, %get3A_17] : memref<28x1x64xf32, #tpu.memory_space<vmem>>, vector<7x1x64xf32>
    %get3A_19 = vector.shape_cast %get3A_18 : vector<7x1x64xf32> to vector<7x64xf32>
    %add3A_20 = arith.addf %add3A_14, %get3A_19 : vector<7x64xf32>
    %mul3A = arith.constant 5.000000e-03 : f32
    %mul3A_21 = vector.broadcast %mul3A : f32 to vector<7x64xf32>
    %mul3A_22 = arith.mulf %add3A_20, %mul3A_21 : vector<7x64xf32>
    %swap3A = arith.constant 0 : index
    %swap3A_23 = arith.constant 0 : index
    %swap3A_24 = vector.load %arg5[%swap3A, %swap3A_23] : memref<8x64xf32, #tpu.memory_space<vmem>>, vector<7x64xf32>
    tpu.vector_store %arg5[%swap3A, %swap3A_23], %mul3A_22 {strides = array<i32>} : memref<8x64xf32, #tpu.memory_space<vmem>>, vector<7x64xf32>,
    %get3A_25 = arith.constant 0 : index
    %get3A_26 = memref.load %arg0[%get3A_25] : memref<8xf32, #tpu.memory_space<smem>>
    %get3A_27 = arith.constant 1 : index
    %get3A_28 = memref.load %arg0[%get3A_27] : memref<8xf32, #tpu.memory_space<smem>>
    %get3A_29 = arith.constant 2 : index
    %get3A_30 = memref.load %arg0[%get3A_29] : memref<8xf32, #tpu.memory_space<smem>>
    %get3A_31 = arith.constant 3 : index
    %get3A_32 = memref.load %arg0[%get3A_31] : memref<8xf32, #tpu.memory_space<smem>>
    %get3A_33 = arith.constant 4 : index
    %get3A_34 = memref.load %arg0[%get3A_33] : memref<8xf32, #tpu.memory_space<smem>>
    %get3A_35 = arith.constant 5 : index
    %get3A_36 = memref.load %arg0[%get3A_35] : memref<8xf32, #tpu.memory_space<smem>>
    %get3A_37 = arith.constant 6 : index
    %get3A_38 = memref.load %arg0[%get3A_37] : memref<8xf32, #tpu.memory_space<smem>>
    %get3A_39 = arith.constant 7 : index
    %get3A_40 = memref.load %arg0[%get3A_39] : memref<8xf32, #tpu.memory_space<smem>>
    %stack3A = vector.broadcast %get3A_26 : f32 to vector<1xf32>
    %stack3A_41 = vector.broadcast %get3A_28 : f32 to vector<1xf32>
    %stack3A_42 = vector.broadcast %get3A_30 : f32 to vector<1xf32>
    %stack3A_43 = vector.broadcast %get3A_32 : f32 to vector<1xf32>
    %stack3A_44 = vector.broadcast %get3A_34 : f32 to vector<1xf32>
    %stack3A_45 = vector.broadcast %get3A_36 : f32 to vector<1xf32>
    %stack3A_46 = vector.broadcast %get3A_38 : f32 to vector<1xf32>
    %stack3A_47 = vector.broadcast %get3A_40 : f32 to vector<1xf32>
    %stack3A_48 = tpu.concatenate %stack3A, %stack3A_41, %stack3A_42, %stack3A_43, %stack3A_44, %stack3A_45, %stack3A_46, %stack3A_47 in 0 : vector<1xf32>, vector<1xf32>, vector<1xf32>, vector<1xf32>, vector<1xf32>, vector<1xf32>, vector<1xf32>, vector<1xf32> -> vector<8xf32>
    %broadcast_in_dim3A = vector.shape_cast %stack3A_48 : vector<8xf32> to vector<1x8xf32>
    %get3A_49 = arith.constant 0 : index
    %get3A_50 = arith.constant 0 : index
    %get3A_51 = vector.load %arg2[%get3A_49, %get3A_50] : memref<8x32xf32, #tpu.memory_space<vmem>>, vector<8x32xf32>
    %dot_general3A = arith.constant dense<0.000000e+00> : vector<1x32xf32>
    %dot_general3A_52 = tpu.matmul %broadcast_in_dim3A, %get3A_51, %dot_general3A {dimension_numbers = #tpu.dot_dimension_numbers<[1], [0], [0], [1], [0, 0, 1, 1], [], []>, precision = #tpu.contract_precision<fp32>, transpose_lhs_hint = false} : vector<1x8xf32>, vector<8x32xf32>, vector<1x32xf32> -> vector<1x32xf32>
    %max3A = arith.constant 0.000000e+00 : f32
    %max3A_53 = vector.broadcast %max3A : f32 to vector<1x32xf32>
    %max3A_54 = arith.maximumf %dot_general3A_52, %max3A_53 : vector<1x32xf32>
    %get3A_55 = arith.constant 0 : index
    %get3A_56 = arith.constant 0 : index
    %get3A_57 = vector.load %arg3[%get3A_55, %get3A_56] : memref<32x64xf32, #tpu.memory_space<vmem>>, vector<32x64xf32>
    %dot_general3A_58 = arith.constant dense<0.000000e+00> : vector<1x64xf32>
    %dot_general3A_59 = tpu.matmul %max3A_54, %get3A_57, %dot_general3A_58 {dimension_numbers = #tpu.dot_dimension_numbers<[1], [0], [0], [1], [0, 0, 1, 1], [], []>, precision = #tpu.contract_precision<fp32>, transpose_lhs_hint = false} : vector<1x32xf32>, vector<32x64xf32>, vector<1x64xf32> -> vector<1x64xf32>
    %get3A_60 = arith.constant 0 : index
    %get3A_61 = vector.load %arg4[%get3A_60] : memref<64xf32, #tpu.memory_space<vmem>>, vector<64xf32>
    %broadcast_in_dim3A_62 = vector.shape_cast %get3A_61 : vector<64xf32> to vector<1x64xf32>
    %add3A_63 = arith.addf %dot_general3A_59, %broadcast_in_dim3A_62 : vector<1x64xf32>
    %swap3A_64 = arith.constant 7 : index
    %swap3A_65 = arith.constant 0 : index
    %swap3A_66 = vector.load %arg5[%swap3A_64, %swap3A_65] : memref<8x64xf32, #tpu.memory_space<vmem>>, vector<1x64xf32>
    tpu.vector_store %arg5[%swap3A_64, %swap3A_65], %add3A_63 {strides = array<i32>} : memref<8x64xf32, #tpu.memory_space<vmem>>, vector<1x64xf32>,
    return
  }
}

</mosaic_0001>

<sc_bundles>
// kernel: kernel.4.cloned.1.call-start
scs
__scs_entry_jumppad:
0x0: {  	(pc) =	sbr.rel $0x88, $3  }
0x1: {  	(tag) =	ssettag $0x0;
	lr =	simm.s32 $0x1  }
0x2: {  	[smem:$0x3F8E] =	sst lr;
	_ =	strace $0xD0000000  }
0x3: {  	_ = 	snop  }
0x4: {  	_ = 	snop  }
0x5: {  	_ = 	snop  }
0x6: {  	_ = 	snop  }
0x7: {  	_ = 	snop  }
__scs_overlays_trampoline_lowered:
0x8: {  	[smem:$0x3F9D] =	sst s0  }
0x9: {  	[smem:$0x3F9E] =	sst s1  }
0xa: {  	[smem:$0x3F9F] =	sst s2  }
0xb: {  	[smem:$0x3FA0] =	sst s3  }
0xc: {  	[smem:$0x3FA1] =	sst s4  }
0xd: {  	[smem:$0x3FA2] =	sst s5  }
0xe: {  	[smem:$0x3FA3] =	sst s6  }
0xf: {  	[smem:$0x3FA4] =	sst s7  }
0x10: {  	[smem:$0x3FA5] =	sst s8  }
0x11: {  	[smem:$0x3FA6] =	sst s9;
	s0 =	simm.s32 @!p0 $0x0  }
0x12: {  	s1 =	sld [smem:$0x3F8C];
	s0 =	simm.s32 @p0 $0x1  }
0x13: {  	[smem:$0x3FA7] =	sst s0;
	s0 =	simm.s32 @!p1 $0x0  }
0x14: {  	s2 =	sld [smem:$0x3F8B];
	s0 =	simm.s32 @p1 $0x1  }
0x15: {  	[smem:$0x3FA8] =	sst s0;
	s0 =	simm.s32 @!p2 $0x0  }
0x16: {  	s3 =	sld [smem:$0x3FDB];
	s0 =	simm.s32 @p2 $0x1  }
0x17: {  	s4 =	simm.s32 $0x1BF5;
	[smem:$0x3FAA] =	sst s0  }
0x18: {  	s0 =	sld [smem:$0x3F8D];
	_ =	swait.ge [sflag:s4], $0x0  }
0x19: {  	s7 =	sld [smem:$0x3F8E]  }
0x1a: {  	s8 =	sadd.s32 $0xFFFFE003, lr  }
0x1b: {  	s9 =	sadd.s32 $0xFFFFFEF7, lr;
	s5 =	simm.s32 $0xFFFFFFFF;
	p2 =	slt.u32 s8, $0xFFFFF086  }
0x1c: {  	p1 =	slt.u32 s9, $0xF7A;
	s5 =	simm.s32 @!p2 $0x0  }
0x1d: {  	s5 =	simm.s32 @p1 $0x1;
	p0 =	seq.s32 s7, s2  }
0x1e: {  	s7 =	smul.u32 @!p0 $0xF7A, s2;
	p2 =	seq.s32 @!p0 s5, $0x0  }
0x1f: {  	s9 =	smul.u32 $0xF7A, s1;
	s8 =	simm.s32 @!p0 $0x1BF5;
	p2 =	por !p2, p0  }
0x20: {  	[sflag:s8] =	ssyncset.s32 @!p0 $0xFFFFF086;
	s6 =	sadd.s32 @!p0 s3, s7;
	s7 =	simm.s32 @!p0 $0x108  }
0x21: {  	s3 =	sadd.s32 s3, s9;
	s6 =	sadd.s32 @!p0 $0x88, s6;
	s7 =	simm.s32 @p2 $0x1082  }
0x22: {  	[simem:s7], [sflag:s8] =	dma.local @!p0 [hbm:s6], $0xF7A  }
0x23: {  	s9 =	sor.u32 $0xD0000000, s2;
	s6 =	simm.s32 $0x108;
	_ =	swait.ge @!p0 [sflag:s8], $0x0  }
0x24: {  	s3 =	sadd.s32 $0x88, s3;
	s6 =	simm.s32 @!p1 $0x1082;
	[sflag:s4] =	ssyncset.s32 $0xFFFFF086  }
0x25: {  	[simem:s6], [sflag:s4] =	dma.local [hbm:s3], $0xF7A  }
0x26: {  	[smem:$0x3F8E] =	sst s1;
	(tag) =	ssettag s2;
	_ =	strace s9  }
0x27: {  	s1 =	sld [smem:$0x3F9E]  }
0x28: {  	s2 =	sld [smem:$0x3F9F]  }
0x29: {  	s4 =	sld [smem:$0x3FA1]  }
0x2a: {  	p0 =	seq.s32 s5, $0x0;
	s5 =	sld [smem:$0x3FA2]  }
0x2b: {  	s6 =	sld [smem:$0x3FA3]  }
0x2c: {  	s7 =	sld [smem:$0x3FA4]  }
0x2d: {  	s3 =	simm.s32 $0x108;
	s8 =	sld [smem:$0x3FA5]  }
0x2e: {  	s3 =	simm.s32 @!p0 $0x1082;
	s9 =	sld [smem:$0x3FA6]  }
0x2f: {  	lr =	sadd.s32 s0, s3;
	s0 =	sld [smem:$0x3F9D]  }
0x30: {  	s3 =	sld [smem:$0x3FA0]  }
0x31: {  	[smem:$0x3FA9] =	sst s10  }
0x32: {  	s10 =	sld [smem:$0x3FA7];
	_ =	sdelay $0x3  }
0x33: {  	p0 =	seq.s32 s10, $0x1;
	s10 =	sld [smem:$0x3FA9];
	_ =	sdelay $0x3  }
0x34: {  	[smem:$0x3FA9] =	sst s10  }
0x35: {  	s10 =	sld [smem:$0x3FA8];
	_ =	sdelay $0x3  }
0x36: {  	p1 =	seq.s32 s10, $0x1;
	s10 =	sld [smem:$0x3FA9];
	_ =	sdelay $0x3  }
0x37: {  	[smem:$0x3FA9] =	sst s10  }
0x38: {  	s10 =	sld [smem:$0x3FAA]  }
0x39: {  	_ = 	snop;
	(pc) =	sbr.ind lr, $3  }
0x3a: {  	_ = 	snop  }
0x3b: {  	_ = 	snop  }
0x3c: {  	p2 =	seq.s32 s10, $0x1;
	s10 =	sld [smem:$0x3FA9]  }
0x3d: {  	_ =	shalt  }
0x3e: {  	_ =	shalt  }
0x3f: {  	_ =	shalt  }
0x40: {  	_ =	shalt  }
0x41: {  	_ =	shalt  }
0x42: {  	_ =	shalt  }
0x43: {  	_ =	shalt  }
0x44: {  	_ =	shalt  }
0x45: {  	_ =	shalt  }
0x46: {  	_ =	shalt  }
0x47: {  	_ =	shalt  }
0x48: {  	_ =	shalt  }
0x49: {  	_ =	shalt  }
0x4a: {  	_ =	shalt  }
0x4b: {  	_ =	shalt  }
0x4c: {  	_ =	shalt  }
0x4d: {  	_ =	shalt  }
0x4e: {  	_ =	shalt  }
0x4f: {  	_ =	shalt  }
0x50: {  	_ =	shalt  }
0x51: {  	_ =	shalt  }
0x52: {  	_ =	shalt  }
0x53: {  	_ =	shalt  }
0x54: {  	_ =	shalt  }
0x55: {  	_ =	shalt  }
0x56: {  	_ =	shalt  }
0x57: {  	_ =	shalt  }
0x58: {  	_ =	shalt  }
0x59: {  	_ =	shalt  }
0x5a: {  	_ =	shalt  }
0x5b: {  	_ =	shalt  }
0x5c: {  	_ =	shalt  }
0x5d: {  	_ =	shalt  }
0x5e: {  	_ =	shalt  }
0x5f: {  	_ =	shalt  }
0x60: {  	_ =	shalt  }
0x61: {  	_ =	shalt  }
0x62: {  	_ =	shalt  }
0x63: {  	_ =	shalt  }
0x64: {  	_ =	shalt  }
0x65: {  	_ =	shalt  }
0x66: {  	_ =	shalt  }
0x67: {  	_ =	shalt  }
0x68: {  	_ =	shalt  }
0x69: {  	_ =	shalt  }
0x6a: {  	_ =	shalt  }
0x6b: {  	_ =	shalt  }
0x6c: {  	_ =	shalt  }
0x6d: {  	_ =	shalt  }
0x6e: {  	_ =	shalt  }
0x6f: {  	_ =	shalt  }
0x70: {  	_ =	shalt  }
0x71: {  	_ =	shalt  }
0x72: {  	_ =	shalt  }
0x73: {  	_ =	shalt  }
0x74: {  	_ =	shalt  }
0x75: {  	_ =	shalt  }
0x76: {  	_ =	shalt  }
0x77: {  	_ =	shalt  }
0x78: {  	_ =	shalt  }
0x79: {  	_ =	shalt  }
0x7a: {  	_ =	shalt  }
0x7b: {  	_ =	shalt  }
0x7c: {  	_ =	shalt  }
0x7d: {  	_ =	shalt  }
0x7e: {  	_ =	shalt  }
0x7f: {  	_ =	shalt  }
0x80: {  	_ =	shalt  }
0x81: {  	_ =	shalt  }
0x82: {  	_ =	shalt  }
0x83: {  	_ =	shalt  }
0x84: {  	_ =	shalt  }
0x85: {  	_ =	shalt  }
0x86: {  	_ =	shalt  }
0x87: {  	_ =	shalt  }
.Lfunc_end0:
.L_simem_size_0:
called_computation_lowered:
.L_overlay_start_0:
0x88: {  	s2 =	sld [smem:$0x3FD9]  }
0x89: {  	s3 =	sld [smem:$0x3FFE];
	_ =	sdelay $0x1  }
0x8a: {  	s1 =	srdreg.scid  }
0x8b: {  	s0 =	sand.u32 $0x1, s1  }
0x8c: {  	s17 =	sshll.u32 s0, $0xA;
	s2 =	sadd.s32 s3, s2  }
0x8d: {  	s2 =	sadd.s32 s2, s17  }
0x8e: {  	[smem:$0x3FB5] =	sst s2  }
0x8f: {  	_ = 	snop  }
0x90: {  	s2 =	sld [smem:$0x3FC9]  }
0x91: {  	s18 =	sld [smem:$0x3FC8]  }
0x92: {  	s4 =	sld [smem:$0x3FC7]  }
0x93: {  	s5 =	sld [smem:$0x3FC6]  }
0x94: {  	s6 =	sld [smem:$0x3FC5]  }
0x95: {  	s7 =	sld [smem:$0x3FC4]  }
0x96: {  	s8 =	sld [smem:$0x3FC3]  }
0x97: {  	s9 =	sld [smem:$0x3FBB];
	(tm) =	ssettm $0x1  }
0x98: {  	s10 =	sld [smem:$0x3FFB];
	_ =	sdelay $0x3  }
0x99: {  	_ =	strace s10  }
0x9a: {  	s10 =	sld [smem:$0x3FFC];
	_ =	sdelay $0x3  }
0x9b: {  	_ =	strace s10  }
0x9c: {  	s10 =	sld [smem:$0x3FFD];
	_ =	sdelay $0x3  }
0x9d: {  	_ =	strace s10  }
0x9e: {  	_ =	strace $0x8FFFFFFF  }
0x9f: {  	s19 =	sld [smem:$0x3FDB];
	_ =	sdelay $0x1  }
0xa0: {  	s11 =	simm.s32 $_scs_section_size  }
0xa1: {  	s12 =	simm.s32 $_size__tile_overlayer_lowered;
	s13 =	simm.s32 $_tile_overlayer_lowered  }
0xa2: {  	s22 =	simm.s32 $0x1BFF;
	s21 =	sshll.u32 s13, $0x1;
	s10 =	sadd.s32 s11, s19  }
0xa3: {  	s14 =	simm.s32 $0x0;
	s20 =	sshll.u32 s12, $0x1;
	s12 =	sadd.s32 s21, s10  }
0xa4: {  	[timem:s14], [sflag:s22] =	dma.local [hbm:s12], s20  }
0xa5: {  	_ =	swait.ge [sflag:s22], s20  }
0xa6: {  	s11 =	ssub.s32 $0x0, s20;
	[sflag:s22] =	ssyncset.done $0x0  }
0xa7: {  	[sflag:s22] =	ssyncadd.s32 s11;
	_ =	sdelay $0x1  }
0xa8: {  	s23 =	simm.s32 $0x1B8B  }
0xa9: {  	_ =	swait.ge [sflag:s23], $0x1  }
0xaa: {  	[sflag:s23] =	ssyncset.done $0x0  }
0xab: {  	s25 =	simm.s32 $0x1B8E;
	s24 =	sld [smem:$0x3FFE];
	[sflag:s23] =	ssyncadd.s32 $0xFFFFFFFF  }
0xac: {  	s26 =	simm.s32 $execute0_lowered;
	[smem:$0x3FD2] =	sst s25  }
0xad: {  	s12 =	sshll.u32 s26, $0x1;
	_ =	strace $0x80000046;
	[dreg:$0x1] =	wrdreg $0xFFFFFFFF  }
0xae: {  	s28 =	simm.s32 $_size_execute0_lowered;
	s10 =	sadd.s32 s10, s12;
	[dreg:$0x0] =	wrdreg $0x0  }
0xaf: {  	s12 =	sshll.u32 s28, $0x1;
	[dreg:$0x2] =	wrdreg s10  }
0xb0: {  	[dreg:$0x3] =	wrdreg s12  }
0xb1: {  	[dreg:$0x4] =	wrdreg $0xC0  }
0xb2: {  	_ =	task [dreg:s14], $0x5FFFF  }
0xb3: {  	[dreg:$0x1] =	wrdreg $0xFFFFFFFF  }
0xb4: {  	[dreg:$0x0] =	wrdreg $0x60  }
0xb5: {  	[dreg:$0x2] =	wrdreg s2  }
0xb6: {  	[dreg:$0x3] =	wrdreg s18  }
0xb7: {  	[dreg:$0x4] =	wrdreg s6  }
0xb8: {  	[dreg:$0x5] =	wrdreg s4  }
0xb9: {  	[dreg:$0x6] =	wrdreg s5  }
0xba: {  	[dreg:$0x7] =	wrdreg s7  }
0xbb: {  	[dreg:$0x8] =	wrdreg s8  }
0xbc: {  	[dreg:$0x9] =	wrdreg s9  }
0xbd: {  	[dreg:$0xa] =	wrdreg s24  }
0xbe: {  	[dreg:$0xb] =	wrdreg $0x9  }
0xbf: {  	_ =	task.clear_ibuf [dreg:s14], $0xCFFFF;
	_ =	strace $0x90000046  }
0xc0: {  	s29 =	simm.s32 $0x9;
	_ =	strace $0x80000048  }
0xc1: {  	_ =	swait.ge [sflag:s29], $0x1  }
0xc2: {  	[sflag:s29] =	ssyncadd.s32 $0xFFFFFFFF  }
0xc3: {  	_ =	strace $0x90000048  }
0xc4: {  	_ =	sfence  }
0xc5: {  	s30 =	sld [smem:$0x0];
	_ =	sdelay $0x2  }
0xc6: {  	s31 =	sshll.u32 s1, $0xD;
	s1 =	sshrl.u32 s1, $0x2  }
0xc7: {  	s3 =	sand.u32 $0x4000, s31;
	s1 =	sadd.s32 s1, s30  }
0xc8: {  	s0 =	sor.u32 s3, s0;
	s1 =	sshll.u32 s1, $0x11  }
0xc9: {  	s0 =	sor.u32 s1, s0  }
0xca: {  	s0 =	sadd.s32 $0x8F2B, s0  }
0xcb: {  	[sflag:s0] =	ssyncadd.remote.s32 $0x1  }
0xcc: {  	_ =	sfence.sel $0xFFFF  }
0xcd: {  	[dreg:$0x0] =	wrdreg $0xFFFFFFFF;
	(pc) =	sbr.abs _section_cstart, $3  }
0xce: {  	[dreg:$0x1] =	wrdreg $0xFFFFFFFF  }
0xcf: {  	_ =	task.clear_ibuf [dreg:s14], $0x2FFFF;
	_ =	strace $0x9FFFFFFF  }
0xd0: {  	(tm) =	ssettm $0x7FFFFFFF  }
0xd1: {  	_ =	shalt  }
tec
execute0_lowered:
.L_overlay_start_1:
0x0: {  	(tag) =	ssettag $0x1  }
0x1: {  	s12 =	rddreg [dreg:$0x0]  }
0x2: {  	s2 =	rddreg [dreg:$0x1]  }
0x3: {  	s0 =	rddreg [dreg:$0x2]  }
0x4: {  	s5 =	rddreg [dreg:$0x3];
	s8 =	stileid.u32  }
0x5: {  	s4 =	rddreg [dreg:$0x4];
	p0 =	sgt.u32 s8, $0xD  }
.Ltmp0:
0x6: {  	s7 =	rddreg [dreg:$0x5];
	(pc) =	sbr.rel @p0 .LBB2_3-.Ltmp0, $4  }
0x7: {  	s1 =	rddreg [dreg:$0x6]  }
0x8: {  	s3 =	rddreg [dreg:$0x7];
	s9 =	simm.s32 $0x0  }
0x9: {  	[smem:$0x7FF] =	sst s9  }
0xa: {  	s6 =	rddreg [dreg:$0x8];
	_ =	strace $0x80000047  }
0xb: {  	s8 =	srdreg.scid;
	s10 =	stileid.u32  }
0xc: {  	s13 =	simm.s32 $0x6100;
	s14 =	simm.s32 $0x8100;
	s15 =	simm.s32 $0xA100  }
0xd: {  	s16 =	simm.s32 $0xC100;
	s17 =	simm.s32 $0xE100;
	s18 =	simm.s32 $0x10100  }
0xe: {  	s19 =	simm.s32 $0x12100;
	s28 =	simm.s32 $0x1;
	s29 =	simm.s32 $0x2  }
0xf: {  	s30 =	simm.s32 $0x3;
	s9 =	sshll.u32 s10, $0x1;
	s10 =	sshrl.u32 s10, $0x1  }
0x10: {  	s8 =	sand.u32 $0x1, s8;
	s9 =	sand.u32 $0x2, s9;
	p0 =	sgt.s32 s10, $0x2  }
0x11: {  	s9 =	sor.u32 s8, s9;
	p2 =	sgt.s32 @p0 s10, $0x4;
	s8 =	ssub.s32 $0x2, s8  }
0x12: {  	s11 =	smul.u32 $0x7, s9;
	p1 =	por !p2, !p0;
	p4 =	por p2, !p0  }
0x13: {  	s20 =	smul.u32 $0x32, s9;
	s25 =	sshrl.u32 s8, $0x1;
	s9 =	simm.s32 $0x7A1400  }
0x14: {  	p3 =	seq.s32 @!p1 s10, $0x5;
	p4 =	seq.s32 @!p4 s10, $0x3;
	s26 =	ssub.s32 s8, s25  }
0x15: {  	s8 =	simm.s32 $0x400;
	s11 =	sadd.s32 s10, s11;
	p3 =	por @p0 !p3, !p2  }
0x16: {  	p4 =	por @p0 !p4, p2;
	p2 =	seq.s32 @!p0 s10, $0x0;
	p3 =	por !p3, !p0  }
0x17: {  	s1 =	smov.u32 @p3 s7;
	p3 =	por !p4, !p0;
	p4 =	por p2, p0  }
0x18: {  	s23 =	sadd.s32 $0x10, s20;
	s4 =	smov.u32 @p3 s5;
	p3 =	seq.s32 @!p4 s10, $0x1  }
0x19: {  	v0 =	vlaneseq.u32;
	s24 =	sadd.s32 $0x20, s20;
	s11 =	sshll.u32 s11, $0x4;
	p3 =	por @!p0 !p3, p2  }
0x1a: {  	s21 =	sadd.s32 $0x30, s20;
	v1 =	vadd.s32 s20, v0;
	s22 =	sadd.s32 s11, s6;
	p3 =	por !p3, p0  }
0x1b: {  	[tilespmem:$0x1FFC0] =	vst v1;
	v62 =	vadd.s32 s23, v0;
	s11 =	simm.s32 $0x2100;
	p2 =	por !p2, p0;
	s0 =	smov.u32 @p3 s2  }
0x1c: {  	v54 =	vmul.u32 $0x80, v0;
	v2 =	vadd.s32 s21, v0;
	v0 =	vadd.s32 s24, v0;
	[tilespmem:$0x1FFD0] =	vst v62;
	s31 =	sadd.s32 $0xE00, s22;
	s1 =	smov.u32 @p1 s4;
	s12 =	smov.u32 @p2 s0  }
0x1d: {  	[tilespmem:$0x1FFE0] =	vst v0;
	v63 =	vmin.u32 v2, $0xC7;
	s10 =	simm.s32 $0x100;
	[dreg:$0xb] =	wrdreg s31;
	s12 =	smov.u32 @p0 s1  }
0x1e: {  	v5 =	vor.u32 $0x800, v54;
	v6 =	vor.u32 $0x1000, v54;
	v7 =	vor.u32 $0x1800, v54;
	[tilespmem:$0x1FFF0] =	vst v63;
	s0 =	smax.u32 s26, $0x1;
	[dreg:$0xa] =	wrdreg s12;
	s12 =	simm.s32 $0x4100  }
.LBB2_2:
0x1f: {  	[dreg:$0xc] =	wrdreg s0  }
0x20: {  	s22 =	rddreg [dreg:$0xa];
	s2 =	simm.s32 $0x0;
	s23 =	simm.s32 $0xB  }
0x21: {  	[tilespmem:s2], [sflag:$0xB] =	stream.linear.gather [hbm4b:s22+s2], $0x100, $0x38;
	[tilespmem:$0x14180] =	vst v63  }
0x22: {  	_ =	swait.ge [sflag:s23], $0x100  }
0x23: {  	v0 =	vld [tilespmem:$0x1FFC0];
	_ =	sdelay $0x5  }
0x24: {  	[sflag:s23] =	ssyncset.done $0x0  }
0x25: {  	[sflag:s23] =	ssyncadd.s32 $0xFFFFFF00  }
0x26: {  	v2 =	vld.idx.msk [tilespmem:v0+s2+$0x0], $0xffff;
	_ =	sdelay $0x4  }
0x27: {  	(v2sf) =	vpush v2, $0x0;
	_ =	sdelay $0x2  }
0x28: {  	(v2sf) =	vpush v2, $0x1  }
0x29: {  	(v2sf) =	vpush v2, $0x2;
	_ =	sdelay $0x5  }
0x2a: {  	v58 =	vld [tilespmem:$0x1FFD0];
	(v2sf) =	vpush v2, $0x3  }
0x2b: {  	v1 =	vld [tilespmem:$0x1FFE0]  }
0x2c: {  	v59 =	vld [tilespmem:$0x1FFF0];
	_ =	sdelay $0x2  }
0x2d: {  	s24 =	spop (v2sf);
	(v2sf) =	vpush v2, $0x4;
	_ =	sdelay $0x2  }
0x2e: {  	v0 =	vld.idx.msk [tilespmem:v58+s2+$0x0], $0xffff;
	s1 =	sand.u32 $0xFFFFF80, s24;
	(v2sf) =	vpush v2, $0x5;
	s25 =	spop (v2sf)  }
0x2f: {  	v9 =	vld.idx.msk [tilespmem:v1+s2+$0x0], $0xffff;
	s1 =	sadd.s32 s3, s1;
	s26 =	sand.u32 $0xFFFFF80, s25;
	s31 =	spop (v2sf)  }
0x30: {  	v1 =	vld.idx.msk [tilespmem:v59+s2+$0x0], $0xffff;
	(v2sf) =	vpush v2, $0x6;
	[tilespmem:s10], [sflag:$0x1] =	stream.strided.gather [hbm4b:s1+s8], $0x2000, s9, s8, $0x38  }
0x31: {  	s2 =	sadd.s32 s3, s26;
	s4 =	sand.u32 $0xFFFFF80, s31  }
0x32: {  	[tilespmem:s11], [sflag:$0x2] =	stream.strided.gather [hbm4b:s2+s8], $0x2000, s9, s8, $0x38;
	[tilespmem:$0x14180] =	vst v63  }
0x33: {  	(v2sf) =	vpush v2, $0x7;
	s4 =	sadd.s32 s3, s4  }
0x34: {  	[tilespmem:s12], [sflag:$0x3] =	stream.strided.gather [hbm4b:s4+s8], $0x2000, s9, s8, $0x38;
	[tilespmem:$0x14180] =	vst v63  }
0x35: {  	s4 =	spop (v2sf);
	(v2sf) =	vpush v2, $0x8;
	_ =	sdelay $0x1  }
0x36: {  	s5 =	sand.u32 $0xFFFFF80, s4  }
0x37: {  	s5 =	sadd.s32 s3, s5  }
0x38: {  	[tilespmem:s13], [sflag:$0x4] =	stream.strided.gather [hbm4b:s5+s8], $0x2000, s9, s8, $0x38;
	[tilespmem:$0x14180] =	vst v63  }
0x39: {  	s5 =	spop (v2sf);
	(v2sf) =	vpush v2, $0x9;
	_ =	sdelay $0x1  }
0x3a: {  	s7 =	sand.u32 $0xFFFFF80, s5  }
0x3b: {  	s6 =	spop (v2sf);
	s7 =	sadd.s32 s3, s7  }
0x3c: {  	[tilespmem:s14], [sflag:$0x5] =	stream.strided.gather [hbm4b:s7+s8], $0x2000, s9, s8, $0x38;
	[tilespmem:$0x14180] =	vst v63  }
0x3d: {  	s20 =	sand.u32 $0xFFFFF80, s6;
	s7 =	spop (v2sf)  }
0x3e: {  	s20 =	sadd.s32 s3, s20;
	s21 =	sand.u32 $0xFFFFF80, s7  }
0x3f: {  	[tilespmem:s15], [sflag:$0x6] =	stream.strided.gather [hbm4b:s20+s8], $0x2000, s9, s8, $0x38;
	[tilespmem:$0x14180] =	vst v63  }
0x40: {  	s20 =	spop (v2sf);
	s21 =	sadd.s32 s3, s21  }
0x41: {  	[tilespmem:s16], [sflag:$0x7] =	stream.strided.gather [hbm4b:s21+s8], $0x2000, s9, s8, $0x38;
	[tilespmem:$0x14180] =	vst v63  }
0x42: {  	s22 =	sand.u32 $0xFFFFF80, s20;
	s21 =	spop (v2sf)  }
0x43: {  	s22 =	sadd.s32 s3, s22;
	s23 =	sand.u32 $0xFFFFF80, s21  }
0x44: {  	[tilespmem:s17], [sflag:$0x8] =	stream.strided.gather [hbm4b:s22+s8], $0x2000, s9, s8, $0x38;
	[tilespmem:$0x14180] =	vst v63  }
0x45: {  	s22 =	sadd.s32 s3, s23  }
0x46: {  	[tilespmem:s18], [sflag:$0x9] =	stream.strided.gather [hbm4b:s22+s8], $0x2000, s9, s8, $0x38;
	[tilespmem:$0x14180] =	vst v63  }
0x47: {  	s22 =	spop (v2sf)  }
0x48: {  	s23 =	sand.u32 $0xFFFFF80, s22  }
0x49: {  	s23 =	sadd.s32 s3, s23  }
0x4a: {  	[tilespmem:s19], [sflag:$0xA] =	stream.strided.gather [hbm4b:s23+s8], $0x2000, s9, s8, $0x38;
	[tilespmem:$0x14180] =	vst v63  }
0x4b: {  	_ =	swait.ge [sflag:s28], $0x2000  }
0x4c: {  	(v2sf) =	vpush v2, $0xA;
	_ =	sdelay $0x8  }
0x4d: {  	s0 =	sand.u32 $0x7F, s24  }
0x4e: {  	v3 =	vor.u32 s0, v54  }
0x4f: {  	v4 =	vor.u32 s0, v5  }
0x50: {  	v8 =	vor.u32 s0, v6  }
0x51: {  	v10 =	vor.u32 s0, v7;
	[sflag:s28] =	ssyncset.done $0x0  }
0x52: {  	[sflag:s28] =	ssyncadd.s32 $0xFFFFE000  }
0x53: {  	v14 =	vld.idx.msk [tilespmem:v3+s10+$0x0], $0xffff;
	s0 =	spop (v2sf)  }
0x54: {  	v11 =	vld.idx.msk [tilespmem:v4+s10+$0x0], $0xffff;
	s24 =	sand.u32 $0xFFFFF80, s0  }
0x55: {  	v12 =	vld.idx.msk [tilespmem:v8+s10+$0x0], $0xffff;
	s23 =	sadd.s32 s3, s24  }
0x56: {  	v13 =	vld.idx.msk [tilespmem:v10+s10+$0x0], $0xffff;
	[tilespmem:s10], [sflag:$0x1] =	stream.strided.gather [hbm4b:s23+s8], $0x2000, s9, s8, $0x38  }
0x57: {  	_ =	swait.ge [sflag:s29], $0x2000  }
0x58: {  	(v2sf) =	vpush v2, $0xB;
	_ =	sdelay $0x8  }
0x59: {  	s1 =	sand.u32 $0x7F, s25  }
0x5a: {  	v3 =	vor.u32 s1, v54  }
0x5b: {  	v4 =	vor.u32 s1, v5  }
0x5c: {  	v8 =	vor.u32 s1, v6  }
0x5d: {  	v60 =	vor.u32 s1, v7;
	[sflag:s29] =	ssyncset.done $0x0  }
0x5e: {  	[sflag:s29] =	ssyncadd.s32 $0xFFFFE000  }
0x5f: {  	v18 =	vld.idx.msk [tilespmem:v3+s11+$0x0], $0xffff;
	s1 =	spop (v2sf)  }
0x60: {  	v15 =	vld.idx.msk [tilespmem:v4+s11+$0x0], $0xffff;
	s25 =	sand.u32 $0xFFFFF80, s1  }
0x61: {  	v16 =	vld.idx.msk [tilespmem:v8+s11+$0x0], $0xffff;
	s23 =	sadd.s32 s3, s25  }
0x62: {  	v17 =	vld.idx.msk [tilespmem:v60+s11+$0x0], $0xffff;
	[tilespmem:s11], [sflag:$0x2] =	stream.strided.gather [hbm4b:s23+s8], $0x2000, s9, s8, $0x38  }
0x63: {  	_ =	swait.ge [sflag:s30], $0x2000  }
0x64: {  	(v2sf) =	vpush v2, $0xC;
	_ =	sdelay $0x8  }
0x65: {  	s2 =	sand.u32 $0x7F, s31  }
0x66: {  	v3 =	vor.u32 s2, v54  }
0x67: {  	v4 =	vor.u32 s2, v5  }
0x68: {  	v8 =	vor.u32 s2, v6  }
0x69: {  	v61 =	vor.u32 s2, v7;
	[sflag:s30] =	ssyncset.done $0x0  }
0x6a: {  	[sflag:s30] =	ssyncadd.s32 $0xFFFFE000  }
0x6b: {  	v20 =	vld.idx.msk [tilespmem:v3+s12+$0x0], $0xffff;
	s2 =	spop (v2sf)  }
0x6c: {  	v19 =	vld.idx.msk [tilespmem:v4+s12+$0x0], $0xffff;
	s26 =	sand.u32 $0xFFFFF80, s2  }
0x6d: {  	s31 =	simm.s32 $0x4;
	v21 =	vld.idx.msk [tilespmem:v8+s12+$0x0], $0xffff;
	s23 =	sadd.s32 s3, s26  }
0x6e: {  	v22 =	vld.idx.msk [tilespmem:v61+s12+$0x0], $0xffff;
	[tilespmem:s12], [sflag:$0x3] =	stream.strided.gather [hbm4b:s23+s8], $0x2000, s9, s8, $0x38  }
0x6f: {  	_ =	swait.ge [sflag:s31], $0x2000  }
0x70: {  	(v2sf) =	vpush v2, $0xD;
	_ =	sdelay $0x8  }
0x71: {  	s4 =	sand.u32 $0x7F, s4  }
0x72: {  	v3 =	vor.u32 s4, v54  }
0x73: {  	v4 =	vor.u32 s4, v5  }
0x74: {  	v8 =	vor.u32 s4, v6  }
0x75: {  	v62 =	vor.u32 s4, v7;
	[sflag:s31] =	ssyncset.done $0x0  }
0x76: {  	[sflag:s31] =	ssyncadd.s32 $0xFFFFE000  }
0x77: {  	v24 =	vld.idx.msk [tilespmem:v3+s13+$0x0], $0xffff;
	s4 =	spop (v2sf)  }
0x78: {  	v23 =	vld.idx.msk [tilespmem:v4+s13+$0x0], $0xffff;
	s24 =	sand.u32 $0xFFFFF80, s4  }
0x79: {  	s25 =	simm.s32 $0x5;
	v25 =	vld.idx.msk [tilespmem:v8+s13+$0x0], $0xffff;
	s23 =	sadd.s32 s3, s24  }
0x7a: {  	v56 =	vld.idx.msk [tilespmem:v62+s13+$0x0], $0xffff;
	[tilespmem:s13], [sflag:$0x4] =	stream.strided.gather [hbm4b:s23+s8], $0x2000, s9, s8, $0x38  }
0x7b: {  	_ =	swait.ge [sflag:s25], $0x2000  }
0x7c: {  	(v2sf) =	vpush v2, $0xE;
	_ =	sdelay $0x8  }
0x7d: {  	s5 =	sand.u32 $0x7F, s5  }
0x7e: {  	v3 =	vor.u32 s5, v54  }
0x7f: {  	v4 =	vor.u32 s5, v5  }
0x80: {  	v8 =	vor.u32 s5, v6  }
0x81: {  	v63 =	vor.u32 s5, v7;
	[sflag:s25] =	ssyncset.done $0x0  }
0x82: {  	[sflag:s25] =	ssyncadd.s32 $0xFFFFE000  }
0x83: {  	v58 =	vld.idx.msk [tilespmem:v3+s14+$0x0], $0xffff;
	s5 =	spop (v2sf)  }
0x84: {  	v57 =	vld.idx.msk [tilespmem:v4+s14+$0x0], $0xffff;
	s31 =	sand.u32 $0xFFFFF80, s5  }
0x85: {  	s24 =	simm.s32 $0x6;
	v59 =	vld.idx.msk [tilespmem:v8+s14+$0x0], $0xffff;
	s23 =	sadd.s32 s3, s31  }
0x86: {  	v10 =	vld.idx.msk [tilespmem:v63+s14+$0x0], $0xffff;
	[tilespmem:s14], [sflag:$0x5] =	stream.strided.gather [hbm4b:s23+s8], $0x2000, s9, s8, $0x38  }
0x87: {  	_ =	swait.ge [sflag:s24], $0x2000  }
0x88: {  	(v2sf) =	vpush v2, $0xF;
	_ =	sdelay $0x8  }
0x89: {  	s6 =	sand.u32 $0x7F, s6  }
0x8a: {  	v26 =	vor.u32 s6, v54  }
0x8b: {  	v3 =	vor.u32 s6, v5  }
0x8c: {  	v4 =	vor.u32 s6, v6  }
0x8d: {  	v8 =	vor.u32 s6, v7;
	[sflag:s24] =	ssyncset.done $0x0  }
0x8e: {  	[sflag:s24] =	ssyncadd.s32 $0xFFFFE000  }
0x8f: {  	v61 =	vld.idx.msk [tilespmem:v26+s15+$0x0], $0xffff;
	s6 =	spop (v2sf)  }
0x90: {  	v60 =	vld.idx.msk [tilespmem:v3+s15+$0x0], $0xffff;
	s31 =	sand.u32 $0xFFFFF80, s6  }
0x91: {  	v62 =	vld.idx.msk [tilespmem:v4+s15+$0x0], $0xffff;
	s23 =	sadd.s32 s3, s31;
	s31 =	simm.s32 $0x7  }
0x92: {  	v63 =	vld.idx.msk [tilespmem:v8+s15+$0x0], $0xffff;
	[tilespmem:s15], [sflag:$0x6] =	stream.strided.gather [hbm4b:s23+s8], $0x2000, s9, s8, $0x38  }
0x93: {  	_ =	swait.ge [sflag:s31], $0x2000  }
0x94: {  	(v2sf) =	vpush v0, $0x0;
	_ =	sdelay $0x2  }
0x95: {  	s7 =	sand.u32 $0x7F, s7  }
0x96: {  	v27 =	vor.u32 s7, v54  }
0x97: {  	v3 =	vor.u32 s7, v5  }
0x98: {  	v4 =	vor.u32 s7, v6  }
0x99: {  	v8 =	vor.u32 s7, v7;
	[sflag:s31] =	ssyncset.done $0x0  }
0x9a: {  	[sflag:s31] =	ssyncadd.s32 $0xFFFFE000  }
0x9b: {  	v2 =	vld.idx.msk [tilespmem:v27+s16+$0x0], $0xffff  }
0x9c: {  	v28 =	vld.idx.msk [tilespmem:v3+s16+$0x0], $0xffff  }
0x9d: {  	v29 =	vld.idx.msk [tilespmem:v4+s16+$0x0], $0xffff  }
0x9e: {  	v30 =	vld.idx.msk [tilespmem:v8+s16+$0x0], $0xffff;
	_ =	sdelay $0x1  }
0x9f: {  	[tilespmem:$0x1F950] =	vst v2  }
0xa0: {  	[tilespmem:$0x1F960] =	vst v28;
	s7 =	spop (v2sf)  }
0xa1: {  	[tilespmem:$0x1F970] =	vst v29;
	s31 =	sand.u32 $0xFFFFF80, s7  }
0xa2: {  	[tilespmem:$0x1F990] =	vst v30;
	s23 =	sadd.s32 s3, s31;
	s31 =	simm.s32 $0x8  }
0xa3: {  	[tilespmem:s16], [sflag:$0x7] =	stream.strided.gather [hbm4b:s23+s8], $0x2000, s9, s8, $0x38;
	[tilespmem:$0x14180] =	vst v63  }
0xa4: {  	_ =	swait.ge [sflag:s31], $0x2000  }
0xa5: {  	(v2sf) =	vpush v0, $0x1;
	_ =	sdelay $0x2  }
0xa6: {  	s20 =	sand.u32 $0x7F, s20  }
0xa7: {  	v31 =	vor.u32 s20, v54  }
0xa8: {  	v3 =	vor.u32 s20, v5  }
0xa9: {  	v4 =	vor.u32 s20, v6  }
0xaa: {  	v8 =	vor.u32 s20, v7;
	[sflag:s31] =	ssyncset.done $0x0  }
0xab: {  	[sflag:s31] =	ssyncadd.s32 $0xFFFFE000  }
0xac: {  	v2 =	vld.idx.msk [tilespmem:v31+s17+$0x0], $0xffff  }
0xad: {  	v32 =	vld.idx.msk [tilespmem:v3+s17+$0x0], $0xffff  }
0xae: {  	v33 =	vld.idx.msk [tilespmem:v4+s17+$0x0], $0xffff  }
0xaf: {  	v34 =	vld.idx.msk [tilespmem:v8+s17+$0x0], $0xffff;
	_ =	sdelay $0x1  }
0xb0: {  	[tilespmem:$0x1F980] =	vst v2  }
0xb1: {  	[tilespmem:$0x1F9A0] =	vst v32;
	s20 =	spop (v2sf)  }
0xb2: {  	[tilespmem:$0x1F9B0] =	vst v33;
	s31 =	sand.u32 $0xFFFFF80, s20  }
0xb3: {  	[tilespmem:$0x1F9D0] =	vst v34;
	s23 =	sadd.s32 s3, s31;
	s31 =	simm.s32 $0x9  }
0xb4: {  	[tilespmem:s17], [sflag:$0x8] =	stream.strided.gather [hbm4b:s23+s8], $0x2000, s9, s8, $0x38;
	[tilespmem:$0x14180] =	vst v63  }
0xb5: {  	_ =	swait.ge [sflag:s31], $0x2000  }
0xb6: {  	(v2sf) =	vpush v0, $0x2;
	_ =	sdelay $0x2  }
0xb7: {  	s21 =	sand.u32 $0x7F, s21  }
0xb8: {  	v35 =	vor.u32 s21, v54  }
0xb9: {  	v3 =	vor.u32 s21, v5  }
0xba: {  	v4 =	vor.u32 s21, v6  }
0xbb: {  	v8 =	vor.u32 s21, v7;
	[sflag:s31] =	ssyncset.done $0x0  }
0xbc: {  	[sflag:s31] =	ssyncadd.s32 $0xFFFFE000  }
0xbd: {  	v2 =	vld.idx.msk [tilespmem:v35+s18+$0x0], $0xffff  }
0xbe: {  	v36 =	vld.idx.msk [tilespmem:v3+s18+$0x0], $0xffff  }
0xbf: {  	v37 =	vld.idx.msk [tilespmem:v4+s18+$0x0], $0xffff  }
0xc0: {  	v38 =	vld.idx.msk [tilespmem:v8+s18+$0x0], $0xffff;
	_ =	sdelay $0x1  }
0xc1: {  	[tilespmem:$0x1F9C0] =	vst v2  }
0xc2: {  	[tilespmem:$0x1F9E0] =	vst v36;
	s21 =	spop (v2sf)  }
0xc3: {  	[tilespmem:$0x1F9F0] =	vst v37;
	s31 =	sand.u32 $0xFFFFF80, s21  }
0xc4: {  	[tilespmem:$0x1FA10] =	vst v38;
	s23 =	sadd.s32 s3, s31;
	s31 =	simm.s32 $0xA  }
0xc5: {  	[tilespmem:s18], [sflag:$0x9] =	stream.strided.gather [hbm4b:s23+s8], $0x2000, s9, s8, $0x38;
	[tilespmem:$0x14180] =	vst v63  }
0xc6: {  	_ =	swait.ge [sflag:s31], $0x2000  }
0xc7: {  	(v2sf) =	vpush v0, $0x3;
	_ =	sdelay $0x2  }
0xc8: {  	s22 =	sand.u32 $0x7F, s22  }
0xc9: {  	v39 =	vor.u32 s22, v54  }
0xca: {  	v3 =	vor.u32 s22, v5  }
0xcb: {  	v4 =	vor.u32 s22, v6  }
0xcc: {  	v8 =	vor.u32 s22, v7;
	[sflag:s31] =	ssyncset.done $0x0  }
0xcd: {  	[sflag:s31] =	ssyncadd.s32 $0xFFFFE000  }
0xce: {  	v2 =	vld.idx.msk [tilespmem:v39+s19+$0x0], $0xffff  }
0xcf: {  	v40 =	vld.idx.msk [tilespmem:v3+s19+$0x0], $0xffff  }
0xd0: {  	v41 =	vld.idx.msk [tilespmem:v4+s19+$0x0], $0xffff  }
0xd1: {  	v42 =	vld.idx.msk [tilespmem:v8+s19+$0x0], $0xffff;
	_ =	sdelay $0x1  }
0xd2: {  	[tilespmem:$0x1FA00] =	vst v2  }
0xd3: {  	[tilespmem:$0x1FA20] =	vst v40;
	s31 =	spop (v2sf)  }
0xd4: {  	[tilespmem:$0x1FA30] =	vst v41;
	s23 =	sand.u32 $0xFFFFF80, s31  }
0xd5: {  	[tilespmem:$0x1FA50] =	vst v42;
	s22 =	sadd.s32 s3, s23  }
0xd6: {  	[tilespmem:s19], [sflag:$0xA] =	stream.strided.gather [hbm4b:s22+s8], $0x2000, s9, s8, $0x38;
	[tilespmem:$0x14180] =	vst v63  }
0xd7: {  	_ =	swait.ge [sflag:s28], $0x2000  }
0xd8: {  	(v2sf) =	vpush v0, $0x4;
	_ =	sdelay $0x2  }
0xd9: {  	s0 =	sand.u32 $0x7F, s0  }
0xda: {  	v43 =	vor.u32 s0, v54  }
0xdb: {  	v3 =	vor.u32 s0, v5  }
0xdc: {  	v4 =	vor.u32 s0, v6  }
0xdd: {  	v8 =	vor.u32 s0, v7;
	[sflag:s28] =	ssyncset.done $0x0  }
0xde: {  	[sflag:s28] =	ssyncadd.s32 $0xFFFFE000  }
0xdf: {  	v2 =	vld.idx.msk [tilespmem:v43+s10+$0x0], $0xffff  }
0xe0: {  	v44 =	vld.idx.msk [tilespmem:v3+s10+$0x0], $0xffff  }
0xe1: {  	v45 =	vld.idx.msk [tilespmem:v4+s10+$0x0], $0xffff  }
0xe2: {  	v46 =	vld.idx.msk [tilespmem:v8+s10+$0x0], $0xffff;
	_ =	sdelay $0x1  }
0xe3: {  	[tilespmem:$0x1FA40] =	vst v2  }
0xe4: {  	[tilespmem:$0x1FA60] =	vst v44;
	s0 =	spop (v2sf)  }
0xe5: {  	[tilespmem:$0x1FA70] =	vst v45;
	s23 =	sand.u32 $0xFFFFF80, s0  }
0xe6: {  	[tilespmem:$0x1FA90] =	vst v46;
	s22 =	sadd.s32 s3, s23  }
0xe7: {  	[tilespmem:s10], [sflag:$0x1] =	stream.strided.gather [hbm4b:s22+s8], $0x2000, s9, s8, $0x38;
	[tilespmem:$0x14180] =	vst v63  }
0xe8: {  	_ =	swait.ge [sflag:s29], $0x2000  }
0xe9: {  	(v2sf) =	vpush v0, $0x5;
	_ =	sdelay $0x2  }
0xea: {  	s1 =	sand.u32 $0x7F, s1  }
0xeb: {  	v47 =	vor.u32 s1, v54  }
0xec: {  	v3 =	vor.u32 s1, v5  }
0xed: {  	v4 =	vor.u32 s1, v6  }
0xee: {  	v8 =	vor.u32 s1, v7;
	[sflag:s29] =	ssyncset.done $0x0  }
0xef: {  	[sflag:s29] =	ssyncadd.s32 $0xFFFFE000  }
0xf0: {  	v2 =	vld.idx.msk [tilespmem:v47+s11+$0x0], $0xffff  }
0xf1: {  	v48 =	vld.idx.msk [tilespmem:v3+s11+$0x0], $0xffff  }
0xf2: {  	v49 =	vld.idx.msk [tilespmem:v4+s11+$0x0], $0xffff  }
0xf3: {  	v50 =	vld.idx.msk [tilespmem:v8+s11+$0x0], $0xffff;
	_ =	sdelay $0x1  }
0xf4: {  	[tilespmem:$0x1FA80] =	vst v2  }
0xf5: {  	[tilespmem:$0x1FAA0] =	vst v48;
	s1 =	spop (v2sf)  }
0xf6: {  	[tilespmem:$0x1FAB0] =	vst v49;
	s23 =	sand.u32 $0xFFFFF80, s1  }
0xf7: {  	[tilespmem:$0x1FAD0] =	vst v50;
	s22 =	sadd.s32 s3, s23  }
0xf8: {  	[tilespmem:s11], [sflag:$0x2] =	stream.strided.gather [hbm4b:s22+s8], $0x2000, s9, s8, $0x38;
	[tilespmem:$0x14180] =	vst v63  }
0xf9: {  	_ =	swait.ge [sflag:s30], $0x2000  }
0xfa: {  	(v2sf) =	vpush v0, $0x6;
	_ =	sdelay $0x2  }
0xfb: {  	s2 =	sand.u32 $0x7F, s2  }
0xfc: {  	v51 =	vor.u32 s2, v54  }
0xfd: {  	v3 =	vor.u32 s2, v5  }
0xfe: {  	v4 =	vor.u32 s2, v6  }
0xff: {  	v8 =	vor.u32 s2, v7;
	[sflag:s30] =	ssyncset.done $0x0  }
0x100: {  	[sflag:s30] =	ssyncadd.s32 $0xFFFFE000  }
0x101: {  	v2 =	vld.idx.msk [tilespmem:v51+s12+$0x0], $0xffff  }
0x102: {  	v52 =	vld.idx.msk [tilespmem:v3+s12+$0x0], $0xffff  }
0x103: {  	v53 =	vld.idx.msk [tilespmem:v4+s12+$0x0], $0xffff  }
0x104: {  	v55 =	vld.idx.msk [tilespmem:v8+s12+$0x0], $0xffff;
	_ =	sdelay $0x1  }
0x105: {  	[tilespmem:$0x1FAC0] =	vst v2  }
0x106: {  	[tilespmem:$0x1FAE0] =	vst v52;
	s2 =	spop (v2sf)  }
0x107: {  	[tilespmem:$0x1FAF0] =	vst v53;
	s23 =	sand.u32 $0xFFFFF80, s2  }
0x108: {  	s26 =	simm.s32 $0x4;
	[tilespmem:$0x1FB10] =	vst v55;
	s22 =	sadd.s32 s3, s23  }
0x109: {  	[tilespmem:s12], [sflag:$0x3] =	stream.strided.gather [hbm4b:s22+s8], $0x2000, s9, s8, $0x38;
	[tilespmem:$0x14180] =	vst v63  }
0x10a: {  	_ =	swait.ge [sflag:s26], $0x2000  }
0x10b: {  	(v2sf) =	vpush v0, $0x7;
	_ =	sdelay $0x2  }
0x10c: {  	s4 =	sand.u32 $0x7F, s4  }
0x10d: {  	v26 =	vor.u32 s4, v54  }
0x10e: {  	v3 =	vor.u32 s4, v5  }
0x10f: {  	v4 =	vor.u32 s4, v6  }
0x110: {  	v8 =	vor.u32 s4, v7;
	[sflag:s26] =	ssyncset.done $0x0  }
0x111: {  	[sflag:s26] =	ssyncadd.s32 $0xFFFFE000  }
0x112: {  	v2 =	vld.idx.msk [tilespmem:v26+s13+$0x0], $0xffff  }
0x113: {  	v27 =	vld.idx.msk [tilespmem:v3+s13+$0x0], $0xffff  }
0x114: {  	v28 =	vld.idx.msk [tilespmem:v4+s13+$0x0], $0xffff  }
0x115: {  	v29 =	vld.idx.msk [tilespmem:v8+s13+$0x0], $0xffff;
	_ =	sdelay $0x1  }
0x116: {  	[tilespmem:$0x1FB00] =	vst v2  }
0x117: {  	[tilespmem:$0x1FB20] =	vst v27;
	s4 =	spop (v2sf)  }
0x118: {  	[tilespmem:$0x1FB30] =	vst v28;
	s23 =	sand.u32 $0xFFFFF80, s4  }
0x119: {  	s25 =	simm.s32 $0x5;
	[tilespmem:$0x1FB50] =	vst v29;
	s22 =	sadd.s32 s3, s23  }
0x11a: {  	[tilespmem:s13], [sflag:$0x4] =	stream.strided.gather [hbm4b:s22+s8], $0x2000, s9, s8, $0x38;
	[tilespmem:$0x14180] =	vst v63  }
0x11b: {  	_ =	swait.ge [sflag:s25], $0x2000  }
0x11c: {  	(v2sf) =	vpush v0, $0x8;
	_ =	sdelay $0x2  }
0x11d: {  	s5 =	sand.u32 $0x7F, s5  }
0x11e: {  	v30 =	vor.u32 s5, v54  }
0x11f: {  	v3 =	vor.u32 s5, v5  }
0x120: {  	v4 =	vor.u32 s5, v6  }
0x121: {  	v8 =	vor.u32 s5, v7;
	[sflag:s25] =	ssyncset.done $0x0  }
0x122: {  	[sflag:s25] =	ssyncadd.s32 $0xFFFFE000  }
0x123: {  	v2 =	vld.idx.msk [tilespmem:v30+s14+$0x0], $0xffff  }
0x124: {  	v31 =	vld.idx.msk [tilespmem:v3+s14+$0x0], $0xffff  }
0x125: {  	v32 =	vld.idx.msk [tilespmem:v4+s14+$0x0], $0xffff  }
0x126: {  	v33 =	vld.idx.msk [tilespmem:v8+s14+$0x0], $0xffff;
	_ =	sdelay $0x1  }
0x127: {  	[tilespmem:$0x1FB40] =	vst v2  }
0x128: {  	[tilespmem:$0x1FB60] =	vst v31;
	s5 =	spop (v2sf)  }
0x129: {  	[tilespmem:$0x1FB70] =	vst v32;
	s26 =	sand.u32 $0xFFFFF80, s5  }
0x12a: {  	s24 =	simm.s32 $0x6;
	[tilespmem:$0x1FB90] =	vst v33;
	s22 =	sadd.s32 s3, s26  }
0x12b: {  	[tilespmem:s14], [sflag:$0x5] =	stream.strided.gather [hbm4b:s22+s8], $0x2000, s9, s8, $0x38;
	[tilespmem:$0x14180] =	vst v63  }
0x12c: {  	_ =	swait.ge [sflag:s24], $0x2000  }
0x12d: {  	(v2sf) =	vpush v0, $0x9;
	_ =	sdelay $0x2  }
0x12e: {  	s6 =	sand.u32 $0x7F, s6  }
0x12f: {  	v34 =	vor.u32 s6, v54  }
0x130: {  	v3 =	vor.u32 s6, v5  }
0x131: {  	v4 =	vor.u32 s6, v6  }
0x132: {  	v8 =	vor.u32 s6, v7;
	[sflag:s24] =	ssyncset.done $0x0  }
0x133: {  	[sflag:s24] =	ssyncadd.s32 $0xFFFFE000  }
0x134: {  	v2 =	vld.idx.msk [tilespmem:v34+s15+$0x0], $0xffff  }
0x135: {  	v35 =	vld.idx.msk [tilespmem:v3+s15+$0x0], $0xffff  }
0x136: {  	v36 =	vld.idx.msk [tilespmem:v4+s15+$0x0], $0xffff  }
0x137: {  	v37 =	vld.idx.msk [tilespmem:v8+s15+$0x0], $0xffff;
	_ =	sdelay $0x1  }
0x138: {  	[tilespmem:$0x1FB80] =	vst v2  }
0x139: {  	[tilespmem:$0x1FBA0] =	vst v35;
	s6 =	spop (v2sf)  }
0x13a: {  	[tilespmem:$0x1FBB0] =	vst v36;
	s23 =	sand.u32 $0xFFFFF80, s6  }
0x13b: {  	s24 =	simm.s32 $0x7;
	[tilespmem:$0x1FBD0] =	vst v37;
	s22 =	sadd.s32 s3, s23  }
0x13c: {  	[tilespmem:s15], [sflag:$0x6] =	stream.strided.gather [hbm4b:s22+s8], $0x2000, s9, s8, $0x38;
	[tilespmem:$0x14180] =	vst v63  }
0x13d: {  	_ =	swait.ge [sflag:s24], $0x2000  }
0x13e: {  	(v2sf) =	vpush v0, $0xA;
	_ =	sdelay $0x2  }
0x13f: {  	s7 =	sand.u32 $0x7F, s7  }
0x140: {  	v38 =	vor.u32 s7, v54  }
0x141: {  	v3 =	vor.u32 s7, v5  }
0x142: {  	v4 =	vor.u32 s7, v6  }
0x143: {  	v8 =	vor.u32 s7, v7;
	[sflag:s24] =	ssyncset.done $0x0  }
0x144: {  	[sflag:s24] =	ssyncadd.s32 $0xFFFFE000  }
0x145: {  	v2 =	vld.idx.msk [tilespmem:v38+s16+$0x0], $0xffff  }
0x146: {  	v39 =	vld.idx.msk [tilespmem:v3+s16+$0x0], $0xffff  }
0x147: {  	v40 =	vld.idx.msk [tilespmem:v4+s16+$0x0], $0xffff  }
0x148: {  	v41 =	vld.idx.msk [tilespmem:v8+s16+$0x0], $0xffff;
	_ =	sdelay $0x1  }
0x149: {  	[tilespmem:$0x1FBC0] =	vst v2  }
0x14a: {  	[tilespmem:$0x1FBE0] =	vst v39;
	s7 =	spop (v2sf)  }
0x14b: {  	[tilespmem:$0x1FBF0] =	vst v40;
	s25 =	sand.u32 $0xFFFFF80, s7  }
0x14c: {  	s26 =	simm.s32 $0x8;
	[tilespmem:$0x1FC10] =	vst v41;
	s22 =	sadd.s32 s3, s25  }
0x14d: {  	[tilespmem:s16], [sflag:$0x7] =	stream.strided.gather [hbm4b:s22+s8], $0x2000, s9, s8, $0x38;
	[tilespmem:$0x14180] =	vst v63  }
0x14e: {  	_ =	swait.ge [sflag:s26], $0x2000  }
0x14f: {  	(v2sf) =	vpush v0, $0xB;
	_ =	sdelay $0x2  }
0x150: {  	s20 =	sand.u32 $0x7F, s20  }
0x151: {  	v42 =	vor.u32 s20, v54  }
0x152: {  	v3 =	vor.u32 s20, v5  }
0x153: {  	v4 =	vor.u32 s20, v6  }
0x154: {  	v8 =	vor.u32 s20, v7;
	[sflag:s26] =	ssyncset.done $0x0  }
0x155: {  	[sflag:s26] =	ssyncadd.s32 $0xFFFFE000  }
0x156: {  	v2 =	vld.idx.msk [tilespmem:v42+s17+$0x0], $0xffff  }
0x157: {  	v43 =	vld.idx.msk [tilespmem:v3+s17+$0x0], $0xffff  }
0x158: {  	v44 =	vld.idx.msk [tilespmem:v4+s17+$0x0], $0xffff  }
0x159: {  	v45 =	vld.idx.msk [tilespmem:v8+s17+$0x0], $0xffff;
	_ =	sdelay $0x1  }
0x15a: {  	[tilespmem:$0x1FC00] =	vst v2  }
0x15b: {  	[tilespmem:$0x1FC20] =	vst v43;
	s20 =	spop (v2sf)  }
0x15c: {  	[tilespmem:$0x1FC30] =	vst v44;
	s23 =	sand.u32 $0xFFFFF80, s20  }
0x15d: {  	s24 =	simm.s32 $0x9;
	[tilespmem:$0x1FC50] =	vst v45;
	s22 =	sadd.s32 s3, s23  }
0x15e: {  	[tilespmem:s17], [sflag:$0x8] =	stream.strided.gather [hbm4b:s22+s8], $0x2000, s9, s8, $0x38;
	[tilespmem:$0x14180] =	vst v63  }
0x15f: {  	_ =	swait.ge [sflag:s24], $0x2000  }
0x160: {  	(v2sf) =	vpush v0, $0xC;
	_ =	sdelay $0x2  }
0x161: {  	s21 =	sand.u32 $0x7F, s21  }
0x162: {  	v46 =	vor.u32 s21, v54  }
0x163: {  	v3 =	vor.u32 s21, v5  }
0x164: {  	v4 =	vor.u32 s21, v6  }
0x165: {  	v8 =	vor.u32 s21, v7;
	[sflag:s24] =	ssyncset.done $0x0  }
0x166: {  	[sflag:s24] =	ssyncadd.s32 $0xFFFFE000  }
0x167: {  	v2 =	vld.idx.msk [tilespmem:v46+s18+$0x0], $0xffff  }
0x168: {  	v47 =	vld.idx.msk [tilespmem:v3+s18+$0x0], $0xffff  }
0x169: {  	v48 =	vld.idx.msk [tilespmem:v4+s18+$0x0], $0xffff  }
0x16a: {  	v49 =	vld.idx.msk [tilespmem:v8+s18+$0x0], $0xffff;
	_ =	sdelay $0x1  }
0x16b: {  	[tilespmem:$0x1FC40] =	vst v2  }
0x16c: {  	[tilespmem:$0x1FC60] =	vst v47;
	s21 =	spop (v2sf)  }
0x16d: {  	[tilespmem:$0x1FC70] =	vst v48;
	s25 =	sand.u32 $0xFFFFF80, s21  }
0x16e: {  	s26 =	simm.s32 $0xA;
	[tilespmem:$0x1FC90] =	vst v49;
	s22 =	sadd.s32 s3, s25  }
0x16f: {  	[tilespmem:s18], [sflag:$0x9] =	stream.strided.gather [hbm4b:s22+s8], $0x2000, s9, s8, $0x38;
	[tilespmem:$0x14180] =	vst v63  }
0x170: {  	_ =	swait.ge [sflag:s26], $0x2000  }
0x171: {  	(v2sf) =	vpush v0, $0xD;
	_ =	sdelay $0x2  }
0x172: {  	s31 =	sand.u32 $0x7F, s31  }
0x173: {  	v50 =	vor.u32 s31, v54  }
0x174: {  	v3 =	vor.u32 s31, v5  }
0x175: {  	v4 =	vor.u32 s31, v6  }
0x176: {  	v8 =	vor.u32 s31, v7;
	[sflag:s26] =	ssyncset.done $0x0  }
0x177: {  	[sflag:s26] =	ssyncadd.s32 $0xFFFFE000  }
0x178: {  	v2 =	vld.idx.msk [tilespmem:v50+s19+$0x0], $0xffff  }
0x179: {  	v51 =	vld.idx.msk [tilespmem:v3+s19+$0x0], $0xffff  }
0x17a: {  	v52 =	vld.idx.msk [tilespmem:v4+s19+$0x0], $0xffff  }
0x17b: {  	v53 =	vld.idx.msk [tilespmem:v8+s19+$0x0], $0xffff;
	_ =	sdelay $0x1  }
0x17c: {  	[tilespmem:$0x1FC80] =	vst v2  }
0x17d: {  	[tilespmem:$0x1FCA0] =	vst v51;
	s31 =	spop (v2sf)  }
0x17e: {  	[tilespmem:$0x1FCB0] =	vst v52;
	s24 =	sand.u32 $0xFFFFF80, s31  }
0x17f: {  	[tilespmem:$0x1FCD0] =	vst v53;
	s22 =	sadd.s32 s3, s24  }
0x180: {  	[tilespmem:s19], [sflag:$0xA] =	stream.strided.gather [hbm4b:s22+s8], $0x2000, s9, s8, $0x38;
	[tilespmem:$0x14180] =	vst v63  }
0x181: {  	_ =	swait.ge [sflag:s28], $0x2000  }
0x182: {  	(v2sf) =	vpush v0, $0xE;
	_ =	sdelay $0x2  }
0x183: {  	s0 =	sand.u32 $0x7F, s0  }
0x184: {  	v55 =	vor.u32 s0, v54  }
0x185: {  	v3 =	vor.u32 s0, v5  }
0x186: {  	v4 =	vor.u32 s0, v6  }
0x187: {  	v8 =	vor.u32 s0, v7;
	[sflag:s28] =	ssyncset.done $0x0  }
0x188: {  	[sflag:s28] =	ssyncadd.s32 $0xFFFFE000  }
0x189: {  	v2 =	vld.idx.msk [tilespmem:v55+s10+$0x0], $0xffff  }
0x18a: {  	v26 =	vld.idx.msk [tilespmem:v3+s10+$0x0], $0xffff  }
0x18b: {  	v27 =	vld.idx.msk [tilespmem:v4+s10+$0x0], $0xffff  }
0x18c: {  	v28 =	vld.idx.msk [tilespmem:v8+s10+$0x0], $0xffff;
	_ =	sdelay $0x1  }
0x18d: {  	[tilespmem:$0x1FCC0] =	vst v2  }
0x18e: {  	[tilespmem:$0x1FCE0] =	vst v26;
	s0 =	spop (v2sf)  }
0x18f: {  	[tilespmem:$0x1FCF0] =	vst v27;
	s25 =	sand.u32 $0xFFFFF80, s0  }
0x190: {  	[tilespmem:$0x1FD10] =	vst v28;
	s22 =	sadd.s32 s3, s25  }
0x191: {  	[tilespmem:s10], [sflag:$0x1] =	stream.strided.gather [hbm4b:s22+s8], $0x2000, s9, s8, $0x38;
	[tilespmem:$0x14180] =	vst v63  }
0x192: {  	_ =	swait.ge [sflag:s29], $0x2000  }
0x193: {  	(v2sf) =	vpush v0, $0xF;
	_ =	sdelay $0x2  }
0x194: {  	s1 =	sand.u32 $0x7F, s1  }
0x195: {  	v29 =	vor.u32 s1, v54  }
0x196: {  	v30 =	vor.u32 s1, v5  }
0x197: {  	v3 =	vor.u32 s1, v6  }
0x198: {  	v4 =	vor.u32 s1, v7;
	[sflag:s29] =	ssyncset.done $0x0  }
0x199: {  	[sflag:s29] =	ssyncadd.s32 $0xFFFFE000  }
0x19a: {  	v0 =	vld.idx.msk [tilespmem:v29+s11+$0x0], $0xffff  }
0x19b: {  	v31 =	vld.idx.msk [tilespmem:v30+s11+$0x0], $0xffff  }
0x19c: {  	v32 =	vld.idx.msk [tilespmem:v3+s11+$0x0], $0xffff  }
0x19d: {  	v33 =	vld.idx.msk [tilespmem:v4+s11+$0x0], $0xffff;
	_ =	sdelay $0x1  }
0x19e: {  	[tilespmem:$0x1FD00] =	vst v0  }
0x19f: {  	[tilespmem:$0x1FD20] =	vst v31;
	s1 =	spop (v2sf)  }
0x1a0: {  	[tilespmem:$0x1FD30] =	vst v32;
	s26 =	sand.u32 $0xFFFFF80, s1  }
0x1a1: {  	[tilespmem:$0x1FD50] =	vst v33;
	s22 =	sadd.s32 s3, s26  }
0x1a2: {  	[tilespmem:s11], [sflag:$0x2] =	stream.strided.gather [hbm4b:s22+s8], $0x2000, s9, s8, $0x38;
	[tilespmem:$0x14180] =	vst v63  }
0x1a3: {  	_ =	swait.ge [sflag:s30], $0x2000  }
0x1a4: {  	(v2sf) =	vpush v9, $0x0;
	_ =	sdelay $0x2  }
0x1a5: {  	s2 =	sand.u32 $0x7F, s2  }
0x1a6: {  	v34 =	vor.u32 s2, v54  }
0x1a7: {  	v35 =	vor.u32 s2, v5  }
0x1a8: {  	v3 =	vor.u32 s2, v6  }
0x1a9: {  	v4 =	vor.u32 s2, v7;
	[sflag:s30] =	ssyncset.done $0x0  }
0x1aa: {  	[sflag:s30] =	ssyncadd.s32 $0xFFFFE000  }
0x1ab: {  	v0 =	vld.idx.msk [tilespmem:v34+s12+$0x0], $0xffff  }
0x1ac: {  	v36 =	vld.idx.msk [tilespmem:v35+s12+$0x0], $0xffff  }
0x1ad: {  	v37 =	vld.idx.msk [tilespmem:v3+s12+$0x0], $0xffff  }
0x1ae: {  	v38 =	vld.idx.msk [tilespmem:v4+s12+$0x0], $0xffff;
	_ =	sdelay $0x1  }
0x1af: {  	[tilespmem:$0x1FD40] =	vst v0  }
0x1b0: {  	[tilespmem:$0x1FD60] =	vst v36;
	s2 =	spop (v2sf)  }
0x1b1: {  	[tilespmem:$0x1FD70] =	vst v37;
	s23 =	sand.u32 $0xFFFFF80, s2  }
0x1b2: {  	s24 =	simm.s32 $0x4;
	[tilespmem:$0x1FD90] =	vst v38;
	s22 =	sadd.s32 s3, s23  }
0x1b3: {  	[tilespmem:s12], [sflag:$0x3] =	stream.strided.gather [hbm4b:s22+s8], $0x2000, s9, s8, $0x38;
	[tilespmem:$0x14180] =	vst v63  }
0x1b4: {  	_ =	swait.ge [sflag:s24], $0x2000  }
0x1b5: {  	(v2sf) =	vpush v9, $0x1;
	_ =	sdelay $0x2  }
0x1b6: {  	s4 =	sand.u32 $0x7F, s4  }
0x1b7: {  	v39 =	vor.u32 s4, v54  }
0x1b8: {  	v40 =	vor.u32 s4, v5  }
0x1b9: {  	v3 =	vor.u32 s4, v6  }
0x1ba: {  	v4 =	vor.u32 s4, v7;
	[sflag:s24] =	ssyncset.done $0x0  }
0x1bb: {  	[sflag:s24] =	ssyncadd.s32 $0xFFFFE000  }
0x1bc: {  	v0 =	vld.idx.msk [tilespmem:v39+s13+$0x0], $0xffff  }
0x1bd: {  	v41 =	vld.idx.msk [tilespmem:v40+s13+$0x0], $0xffff  }
0x1be: {  	v42 =	vld.idx.msk [tilespmem:v3+s13+$0x0], $0xffff  }
0x1bf: {  	v43 =	vld.idx.msk [tilespmem:v4+s13+$0x0], $0xffff;
	_ =	sdelay $0x1  }
0x1c0: {  	[tilespmem:$0x1FD80] =	vst v0  }
0x1c1: {  	[tilespmem:$0x1FDA0] =	vst v41;
	s22 =	spop (v2sf)  }
0x1c2: {  	[tilespmem:$0x1FDB0] =	vst v42;
	s25 =	sand.u32 $0xFFFFF80, s22  }
0x1c3: {  	s26 =	simm.s32 $0x5;
	[tilespmem:$0x1FDD0] =	vst v43;
	s4 =	sadd.s32 s3, s25  }
0x1c4: {  	[tilespmem:s13], [sflag:$0x4] =	stream.strided.gather [hbm4b:s4+s8], $0x2000, s9, s8, $0x38;
	[tilespmem:$0x14180] =	vst v63  }
0x1c5: {  	_ =	swait.ge [sflag:s26], $0x2000  }
0x1c6: {  	(v2sf) =	vpush v9, $0x2;
	_ =	sdelay $0x2  }
0x1c7: {  	s24 =	sand.u32 $0x7F, s5  }
0x1c8: {  	v44 =	vor.u32 s24, v54  }
0x1c9: {  	v45 =	vor.u32 s24, v5  }
0x1ca: {  	v3 =	vor.u32 s24, v6  }
0x1cb: {  	v4 =	vor.u32 s24, v7;
	[sflag:s26] =	ssyncset.done $0x0  }
0x1cc: {  	[sflag:s26] =	ssyncadd.s32 $0xFFFFE000  }
0x1cd: {  	v0 =	vld.idx.msk [tilespmem:v44+s14+$0x0], $0xffff  }
0x1ce: {  	v46 =	vld.idx.msk [tilespmem:v45+s14+$0x0], $0xffff  }
0x1cf: {  	v47 =	vld.idx.msk [tilespmem:v3+s14+$0x0], $0xffff  }
0x1d0: {  	v48 =	vld.idx.msk [tilespmem:v4+s14+$0x0], $0xffff;
	_ =	sdelay $0x1  }
0x1d1: {  	[tilespmem:$0x1FDC0] =	vst v0  }
0x1d2: {  	[tilespmem:$0x1FDE0] =	vst v46;
	s5 =	spop (v2sf)  }
0x1d3: {  	[tilespmem:$0x1FDF0] =	vst v47;
	s25 =	sand.u32 $0xFFFFF80, s5  }
0x1d4: {  	s26 =	simm.s32 $0x6;
	[tilespmem:$0x1FE10] =	vst v48;
	s4 =	sadd.s32 s3, s25  }
0x1d5: {  	[tilespmem:s14], [sflag:$0x5] =	stream.strided.gather [hbm4b:s4+s8], $0x2000, s9, s8, $0x38;
	[tilespmem:$0x14180] =	vst v63  }
0x1d6: {  	_ =	swait.ge [sflag:s26], $0x2000  }
0x1d7: {  	(v2sf) =	vpush v9, $0x3;
	_ =	sdelay $0x2  }
0x1d8: {  	s6 =	sand.u32 $0x7F, s6  }
0x1d9: {  	v49 =	vor.u32 s6, v54  }
0x1da: {  	v50 =	vor.u32 s6, v5  }
0x1db: {  	v3 =	vor.u32 s6, v6  }
0x1dc: {  	v4 =	vor.u32 s6, v7;
	[sflag:s26] =	ssyncset.done $0x0  }
0x1dd: {  	[sflag:s26] =	ssyncadd.s32 $0xFFFFE000  }
0x1de: {  	v0 =	vld.idx.msk [tilespmem:v49+s15+$0x0], $0xffff  }
0x1df: {  	v51 =	vld.idx.msk [tilespmem:v50+s15+$0x0], $0xffff  }
0x1e0: {  	v52 =	vld.idx.msk [tilespmem:v3+s15+$0x0], $0xffff  }
0x1e1: {  	v53 =	vld.idx.msk [tilespmem:v4+s15+$0x0], $0xffff;
	_ =	sdelay $0x1  }
0x1e2: {  	[tilespmem:$0x1FE00] =	vst v0  }
0x1e3: {  	[tilespmem:$0x1FE20] =	vst v51;
	s23 =	spop (v2sf)  }
0x1e4: {  	[tilespmem:$0x1FE30] =	vst v52;
	s24 =	sand.u32 $0xFFFFF80, s23  }
0x1e5: {  	s25 =	simm.s32 $0x7;
	[tilespmem:$0x1FE50] =	vst v53;
	s4 =	sadd.s32 s3, s24  }
0x1e6: {  	[tilespmem:s15], [sflag:$0x6] =	stream.strided.gather [hbm4b:s4+s8], $0x2000, s9, s8, $0x38;
	[tilespmem:$0x14180] =	vst v63  }
0x1e7: {  	_ =	swait.ge [sflag:s25], $0x2000  }
0x1e8: {  	(v2sf) =	vpush v9, $0x4;
	_ =	sdelay $0x2  }
0x1e9: {  	s26 =	sand.u32 $0x7F, s7  }
0x1ea: {  	v55 =	vor.u32 s26, v54  }
0x1eb: {  	v26 =	vor.u32 s26, v5  }
0x1ec: {  	v3 =	vor.u32 s26, v6  }
0x1ed: {  	v4 =	vor.u32 s26, v7;
	[sflag:s25] =	ssyncset.done $0x0  }
0x1ee: {  	[sflag:s25] =	ssyncadd.s32 $0xFFFFE000  }
0x1ef: {  	v0 =	vld.idx.msk [tilespmem:v55+s16+$0x0], $0xffff  }
0x1f0: {  	v27 =	vld.idx.msk [tilespmem:v26+s16+$0x0], $0xffff  }
0x1f1: {  	v28 =	vld.idx.msk [tilespmem:v3+s16+$0x0], $0xffff  }
0x1f2: {  	v29 =	vld.idx.msk [tilespmem:v4+s16+$0x0], $0xffff;
	_ =	sdelay $0x1  }
0x1f3: {  	[tilespmem:$0x1FE40] =	vst v0  }
0x1f4: {  	[tilespmem:$0x1FE60] =	vst v27;
	s24 =	spop (v2sf)  }
0x1f5: {  	[tilespmem:$0x1FE70] =	vst v28;
	s7 =	sand.u32 $0xFFFFF80, s24  }
0x1f6: {  	s25 =	simm.s32 $0x8;
	[tilespmem:$0x1FE90] =	vst v29;
	s4 =	sadd.s32 s3, s7  }
0x1f7: {  	[tilespmem:s16], [sflag:$0x7] =	stream.strided.gather [hbm4b:s4+s8], $0x2000, s9, s8, $0x38;
	[tilespmem:$0x14180] =	vst v63  }
0x1f8: {  	_ =	swait.ge [sflag:s25], $0x2000  }
0x1f9: {  	(v2sf) =	vpush v9, $0x5;
	_ =	sdelay $0x2  }
0x1fa: {  	s26 =	sand.u32 $0x7F, s20  }
0x1fb: {  	v30 =	vor.u32 s26, v54  }
0x1fc: {  	v31 =	vor.u32 s26, v5  }
0x1fd: {  	v3 =	vor.u32 s26, v6  }
0x1fe: {  	v4 =	vor.u32 s26, v7;
	[sflag:s25] =	ssyncset.done $0x0  }
0x1ff: {  	[sflag:s25] =	ssyncadd.s32 $0xFFFFE000  }
0x200: {  	v0 =	vld.idx.msk [tilespmem:v30+s17+$0x0], $0xffff  }
0x201: {  	v32 =	vld.idx.msk [tilespmem:v31+s17+$0x0], $0xffff  }
0x202: {  	v33 =	vld.idx.msk [tilespmem:v3+s17+$0x0], $0xffff  }
0x203: {  	v34 =	vld.idx.msk [tilespmem:v4+s17+$0x0], $0xffff;
	_ =	sdelay $0x1  }
0x204: {  	[tilespmem:$0x1FE80] =	vst v0  }
0x205: {  	[tilespmem:$0x1FEA0] =	vst v32;
	s25 =	spop (v2sf)  }
0x206: {  	[tilespmem:$0x1FEB0] =	vst v33;
	s7 =	sand.u32 $0xFFFFF80, s25  }
0x207: {  	s20 =	simm.s32 $0x9;
	[tilespmem:$0x1FED0] =	vst v34;
	s4 =	sadd.s32 s3, s7  }
0x208: {  	[tilespmem:s17], [sflag:$0x8] =	stream.strided.gather [hbm4b:s4+s8], $0x2000, s9, s8, $0x38;
	[tilespmem:$0x14180] =	vst v63  }
0x209: {  	_ =	swait.ge [sflag:s20], $0x2000  }
0x20a: {  	(v2sf) =	vpush v9, $0x6;
	_ =	sdelay $0x2  }
0x20b: {  	s26 =	sand.u32 $0x7F, s21  }
0x20c: {  	v35 =	vor.u32 s26, v54  }
0x20d: {  	v36 =	vor.u32 s26, v5  }
0x20e: {  	v3 =	vor.u32 s26, v6  }
0x20f: {  	v4 =	vor.u32 s26, v7;
	[sflag:s20] =	ssyncset.done $0x0  }
0x210: {  	[sflag:s20] =	ssyncadd.s32 $0xFFFFE000  }
0x211: {  	v0 =	vld.idx.msk [tilespmem:v35+s18+$0x0], $0xffff  }
0x212: {  	v37 =	vld.idx.msk [tilespmem:v36+s18+$0x0], $0xffff  }
0x213: {  	v38 =	vld.idx.msk [tilespmem:v3+s18+$0x0], $0xffff  }
0x214: {  	v39 =	vld.idx.msk [tilespmem:v4+s18+$0x0], $0xffff;
	_ =	sdelay $0x1  }
0x215: {  	[tilespmem:$0x1FEC0] =	vst v0  }
0x216: {  	[tilespmem:$0x1FEE0] =	vst v37;
	s26 =	spop (v2sf)  }
0x217: {  	[tilespmem:$0x1FEF0] =	vst v38;
	s6 =	sand.u32 $0xFFFFF80, s26  }
0x218: {  	s7 =	simm.s32 $0xA;
	[tilespmem:$0x1FF10] =	vst v39;
	s4 =	sadd.s32 s3, s6  }
0x219: {  	[tilespmem:s18], [sflag:$0x9] =	stream.strided.gather [hbm4b:s4+s8], $0x2000, s9, s8, $0x38;
	[tilespmem:$0x14180] =	vst v63  }
0x21a: {  	_ =	swait.ge [sflag:s7], $0x2000  }
0x21b: {  	(v2sf) =	vpush v9, $0x7;
	_ =	sdelay $0x2  }
0x21c: {  	s20 =	sand.u32 $0x7F, s31  }
0x21d: {  	v40 =	vor.u32 s20, v54  }
0x21e: {  	v41 =	vor.u32 s20, v5  }
0x21f: {  	v3 =	vor.u32 s20, v6  }
0x220: {  	v4 =	vor.u32 s20, v7;
	[sflag:s7] =	ssyncset.done $0x0  }
0x221: {  	[sflag:s7] =	ssyncadd.s32 $0xFFFFE000  }
0x222: {  	v0 =	vld.idx.msk [tilespmem:v40+s19+$0x0], $0xffff  }
0x223: {  	v42 =	vld.idx.msk [tilespmem:v41+s19+$0x0], $0xffff  }
0x224: {  	v43 =	vld.idx.msk [tilespmem:v3+s19+$0x0], $0xffff  }
0x225: {  	v44 =	vld.idx.msk [tilespmem:v4+s19+$0x0], $0xffff;
	_ =	sdelay $0x1  }
0x226: {  	[tilespmem:$0x1FF00] =	vst v0  }
0x227: {  	[tilespmem:$0x1FF20] =	vst v42;
	s4 =	spop (v2sf)  }
0x228: {  	[tilespmem:$0x1FF30] =	vst v43;
	s21 =	sand.u32 $0xFFFFF80, s4  }
0x229: {  	[tilespmem:$0x1FF50] =	vst v44;
	s6 =	sadd.s32 s3, s21  }
0x22a: {  	[tilespmem:s19], [sflag:$0xA] =	stream.strided.gather [hbm4b:s6+s8], $0x2000, s9, s8, $0x38;
	[tilespmem:$0x14180] =	vst v63  }
0x22b: {  	_ =	swait.ge [sflag:s28], $0x2000  }
0x22c: {  	(v2sf) =	vpush v9, $0x8;
	_ =	sdelay $0x4  }
0x22d: {  	s0 =	sand.u32 $0x7F, s0  }
0x22e: {  	v45 =	vor.u32 s0, v54  }
0x22f: {  	v46 =	vor.u32 s0, v5  }
0x230: {  	v4 =	vor.u32 s0, v7  }
0x231: {  	[sflag:s28] =	ssyncset.done $0x0  }
0x232: {  	[sflag:s28] =	ssyncadd.s32 $0xFFFFE000  }
0x233: {  	v0 =	vld.idx.msk [tilespmem:v45+s10+$0x0], $0xffff  }
0x234: {  	v47 =	vld.idx.msk [tilespmem:v46+s10+$0x0], $0xffff  }
0x235: {  	v3 =	vor.u32 s0, v6;
	v48 =	vld.idx.msk [tilespmem:v4+s10+$0x0], $0xffff;
	_ =	sdelay $0x1  }
0x236: {  	s21 =	spop (v2sf)  }
0x237: {  	[tilespmem:$0x1FF40] =	vst v0;
	s31 =	sand.u32 $0xFFFFF80, s21  }
0x238: {  	[tilespmem:$0x1FF60] =	vst v47;
	s0 =	sadd.s32 s3, s31  }
0x239: {  	[tilespmem:$0x1FF70] =	vst v48;
	v55 =	vld.idx.msk [tilespmem:v3+s10+$0x0], $0xffff;
	[tilespmem:s10], [sflag:$0x1] =	stream.strided.gather [hbm4b:s0+s8], $0x2000, s9, s8, $0x38  }
0x23a: {  	_ =	swait.ge [sflag:s29], $0x2000  }
0x23b: {  	(v2sf) =	vpush v9, $0x9;
	_ =	sdelay $0x4  }
0x23c: {  	s6 =	sand.u32 $0x7F, s1  }
0x23d: {  	v50 =	vor.u32 s6, v5  }
0x23e: {  	v3 =	vor.u32 s6, v6  }
0x23f: {  	v4 =	vor.u32 s6, v7  }
0x240: {  	[sflag:s29] =	ssyncset.done $0x0  }
0x241: {  	[sflag:s29] =	ssyncadd.s32 $0xFFFFE000  }
0x242: {  	v51 =	vld.idx.msk [tilespmem:v50+s11+$0x0], $0xffff  }
0x243: {  	v52 =	vld.idx.msk [tilespmem:v3+s11+$0x0], $0xffff  }
0x244: {  	v49 =	vor.u32 s6, v54;
	v26 =	vld.idx.msk [tilespmem:v4+s11+$0x0], $0xffff;
	_ =	sdelay $0x1  }
0x245: {  	s20 =	spop (v2sf)  }
0x246: {  	[tilespmem:$0x1FF80] =	vst v51;
	s7 =	sand.u32 $0xFFFFF80, s20  }
0x247: {  	[tilespmem:$0x1FF90] =	vst v52;
	s0 =	sadd.s32 s3, s7  }
0x248: {  	[tilespmem:$0x1FFA0] =	vst v26;
	v53 =	vld.idx.msk [tilespmem:v49+s11+$0x0], $0xffff;
	[tilespmem:s11], [sflag:$0x2] =	stream.strided.gather [hbm4b:s0+s8], $0x2000, s9, s8, $0x38  }
0x249: {  	_ =	swait.ge [sflag:s30], $0x2000  }
0x24a: {  	(v2sf) =	vpush v9, $0xA;
	_ =	sdelay $0x6  }
0x24b: {  	s31 =	sand.u32 $0x7F, s2  }
0x24c: {  	v4 =	vor.u32 s31, v7;
	_ =	sdelay $0x2  }
0x24d: {  	v27 =	vor.u32 s31, v54;
	[sflag:s30] =	ssyncset.done $0x0  }
0x24e: {  	v28 =	vor.u32 s31, v5;
	[sflag:s30] =	ssyncadd.s32 $0xFFFFE000  }
0x24f: {  	v3 =	vor.u32 s31, v6;
	v29 =	vld.idx.msk [tilespmem:v4+s12+$0x0], $0xffff;
	_ =	sdelay $0x1  }
0x250: {  	s6 =	spop (v2sf)  }
0x251: {  	v50 =	vld.idx.msk [tilespmem:v27+s12+$0x0], $0xffff;
	s1 =	sand.u32 $0xFFFFF80, s6  }
0x252: {  	s2 =	simm.s32 $0x4;
	v51 =	vld.idx.msk [tilespmem:v28+s12+$0x0], $0xffff;
	s0 =	sadd.s32 s3, s1  }
0x253: {  	[tilespmem:$0x1FFB0] =	vst v29;
	v52 =	vld.idx.msk [tilespmem:v3+s12+$0x0], $0xffff;
	[tilespmem:s12], [sflag:$0x3] =	stream.strided.gather [hbm4b:s0+s8], $0x2000, s9, s8, $0x38  }
0x254: {  	_ =	swait.ge [sflag:s2], $0x2000  }
0x255: {  	(v2sf) =	vpush v9, $0xB;
	_ =	sdelay $0x8  }
0x256: {  	s7 =	sand.u32 $0x7F, s22  }
0x257: {  	v30 =	vor.u32 s7, v54  }
0x258: {  	v31 =	vor.u32 s7, v5  }
0x259: {  	v3 =	vor.u32 s7, v6  }
0x25a: {  	v4 =	vor.u32 s7, v7;
	[sflag:s2] =	ssyncset.done $0x0  }
0x25b: {  	[sflag:s2] =	ssyncadd.s32 $0xFFFFE000  }
0x25c: {  	v46 =	vld.idx.msk [tilespmem:v30+s13+$0x0], $0xffff;
	s7 =	spop (v2sf)  }
0x25d: {  	v47 =	vld.idx.msk [tilespmem:v31+s13+$0x0], $0xffff;
	s22 =	sand.u32 $0xFFFFF80, s7  }
0x25e: {  	s31 =	simm.s32 $0x5;
	v48 =	vld.idx.msk [tilespmem:v3+s13+$0x0], $0xffff;
	s0 =	sadd.s32 s3, s22  }
0x25f: {  	v49 =	vld.idx.msk [tilespmem:v4+s13+$0x0], $0xffff;
	[tilespmem:s13], [sflag:$0x4] =	stream.strided.gather [hbm4b:s0+s8], $0x2000, s9, s8, $0x38  }
0x260: {  	_ =	swait.ge [sflag:s31], $0x2000  }
0x261: {  	(v2sf) =	vpush v9, $0xC;
	_ =	sdelay $0x8  }
0x262: {  	s2 =	sand.u32 $0x7F, s5  }
0x263: {  	v32 =	vor.u32 s2, v54  }
0x264: {  	v33 =	vor.u32 s2, v5  }
0x265: {  	v3 =	vor.u32 s2, v6  }
0x266: {  	v4 =	vor.u32 s2, v7;
	[sflag:s31] =	ssyncset.done $0x0  }
0x267: {  	[sflag:s31] =	ssyncadd.s32 $0xFFFFE000  }
0x268: {  	v42 =	vld.idx.msk [tilespmem:v32+s14+$0x0], $0xffff;
	s0 =	spop (v2sf)  }
0x269: {  	v43 =	vld.idx.msk [tilespmem:v33+s14+$0x0], $0xffff;
	s5 =	sand.u32 $0xFFFFF80, s0  }
0x26a: {  	s22 =	simm.s32 $0x6;
	v44 =	vld.idx.msk [tilespmem:v3+s14+$0x0], $0xffff;
	s1 =	sadd.s32 s3, s5  }
0x26b: {  	v45 =	vld.idx.msk [tilespmem:v4+s14+$0x0], $0xffff;
	[tilespmem:s14], [sflag:$0x5] =	stream.strided.gather [hbm4b:s1+s8], $0x2000, s9, s8, $0x38  }
0x26c: {  	_ =	swait.ge [sflag:s22], $0x2000  }
0x26d: {  	(v2sf) =	vpush v9, $0xD;
	_ =	sdelay $0x8  }
0x26e: {  	s31 =	sand.u32 $0x7F, s23  }
0x26f: {  	v34 =	vor.u32 s31, v54  }
0x270: {  	v35 =	vor.u32 s31, v5  }
0x271: {  	v3 =	vor.u32 s31, v6  }
0x272: {  	v4 =	vor.u32 s31, v7;
	[sflag:s22] =	ssyncset.done $0x0  }
0x273: {  	[sflag:s22] =	ssyncadd.s32 $0xFFFFE000  }
0x274: {  	v38 =	vld.idx.msk [tilespmem:v34+s15+$0x0], $0xffff;
	s5 =	spop (v2sf)  }
0x275: {  	v39 =	vld.idx.msk [tilespmem:v35+s15+$0x0], $0xffff;
	s2 =	sand.u32 $0xFFFFF80, s5  }
0x276: {  	s22 =	simm.s32 $0x7;
	v40 =	vld.idx.msk [tilespmem:v3+s15+$0x0], $0xffff;
	s1 =	sadd.s32 s3, s2  }
0x277: {  	v41 =	vld.idx.msk [tilespmem:v4+s15+$0x0], $0xffff;
	[tilespmem:s15], [sflag:$0x6] =	stream.strided.gather [hbm4b:s1+s8], $0x2000, s9, s8, $0x38  }
0x278: {  	_ =	swait.ge [sflag:s22], $0x2000  }
0x279: {  	(v2sf) =	vpush v9, $0xE;
	_ =	sdelay $0x8  }
0x27a: {  	s31 =	sand.u32 $0x7F, s24  }
0x27b: {  	v36 =	vor.u32 s31, v54  }
0x27c: {  	v37 =	vor.u32 s31, v5  }
0x27d: {  	v3 =	vor.u32 s31, v6  }
0x27e: {  	v4 =	vor.u32 s31, v7;
	[sflag:s22] =	ssyncset.done $0x0  }
0x27f: {  	[sflag:s22] =	ssyncadd.s32 $0xFFFFE000  }
0x280: {  	v34 =	vld.idx.msk [tilespmem:v36+s16+$0x0], $0xffff;
	s31 =	spop (v2sf)  }
0x281: {  	v35 =	vld.idx.msk [tilespmem:v37+s16+$0x0], $0xffff;
	s2 =	sand.u32 $0xFFFFF80, s31  }
0x282: {  	s22 =	simm.s32 $0x8;
	v36 =	vld.idx.msk [tilespmem:v3+s16+$0x0], $0xffff;
	s1 =	sadd.s32 s3, s2  }
0x283: {  	v37 =	vld.idx.msk [tilespmem:v4+s16+$0x0], $0xffff;
	[tilespmem:s16], [sflag:$0x7] =	stream.strided.gather [hbm4b:s1+s8], $0x2000, s9, s8, $0x38  }
0x284: {  	_ =	swait.ge [sflag:s22], $0x2000  }
0x285: {  	(v2sf) =	vpush v9, $0xF;
	_ =	sdelay $0x8  }
0x286: {  	s25 =	sand.u32 $0x7F, s25  }
0x287: {  	v26 =	vor.u32 s25, v54  }
0x288: {  	v27 =	vor.u32 s25, v5  }
0x289: {  	v3 =	vor.u32 s25, v6  }
0x28a: {  	v4 =	vor.u32 s25, v7;
	[sflag:s22] =	ssyncset.done $0x0  }
0x28b: {  	[sflag:s22] =	ssyncadd.s32 $0xFFFFE000  }
0x28c: {  	v30 =	vld.idx.msk [tilespmem:v26+s17+$0x0], $0xffff;
	s2 =	spop (v2sf)  }
0x28d: {  	v31 =	vld.idx.msk [tilespmem:v27+s17+$0x0], $0xffff;
	s22 =	sand.u32 $0xFFFFF80, s2  }
0x28e: {  	v32 =	vld.idx.msk [tilespmem:v3+s17+$0x0], $0xffff;
	s1 =	sadd.s32 s3, s22;
	s22 =	simm.s32 $0x9  }
0x28f: {  	v33 =	vld.idx.msk [tilespmem:v4+s17+$0x0], $0xffff;
	[tilespmem:s17], [sflag:$0x8] =	stream.strided.gather [hbm4b:s1+s8], $0x2000, s9, s8, $0x38  }
0x290: {  	_ =	swait.ge [sflag:s22], $0x2000  }
0x291: {  	(v2sf) =	vpush v1, $0x0;
	_ =	sdelay $0x6  }
0x292: {  	s26 =	sand.u32 $0x7F, s26  }
0x293: {  	v28 =	vor.u32 s26, v54  }
0x294: {  	v29 =	vor.u32 s26, v5  }
0x295: {  	v4 =	vor.u32 s26, v7  }
0x296: {  	v3 =	vor.u32 s26, v6;
	[sflag:s22] =	ssyncset.done $0x0  }
0x297: {  	[sflag:s22] =	ssyncadd.s32 $0xFFFFE000  }
0x298: {  	v26 =	vld.idx.msk [tilespmem:v28+s18+$0x0], $0xffff  }
0x299: {  	v9 =	vadd.f32 $0.0e+00, v14;
	v14 =	vadd.f32 $0.0e+00, v11;
	v28 =	vld.idx.msk [tilespmem:v29+s18+$0x0], $0xffff  }
0x29a: {  	v29 =	vld.idx.msk [tilespmem:v4+s18+$0x0], $0xffff;
	v4 =	vadd.f32 $0.0e+00, v13;
	s1 =	spop (v2sf)  }
0x29b: {  	v2 =	vadd.f32 v15, v14;
	v27 =	vld.idx.msk [tilespmem:v3+s18+$0x0], $0xffff;
	v3 =	vadd.f32 $0.0e+00, v12;
	s22 =	sand.u32 $0xFFFFF80, s1  }
0x29c: {  	v0 =	vadd.f32 v18, v9;
	v4 =	vadd.f32 v17, v4;
	s22 =	sadd.s32 s3, s22  }
0x29d: {  	v2 =	vadd.f32 v19, v2;
	v3 =	vadd.f32 v16, v3;
	[tilespmem:s18], [sflag:$0x9] =	stream.strided.gather [hbm4b:s22+s8], $0x2000, s9, s8, $0x38;
	[tilespmem:$0x14180] =	vst v63  }
0x29e: {  	v0 =	vadd.f32 v20, v0;
	v4 =	vadd.f32 v22, v4;
	s22 =	simm.s32 $0xA  }
0x29f: {  	v2 =	vadd.f32 v23, v2;
	v3 =	vadd.f32 v21, v3;
	_ =	swait.ge [sflag:s22], $0x2000  }
0x2a0: {  	v0 =	vadd.f32 v24, v0;
	v4 =	vadd.f32 v56, v4;
	v56 =	vld [tilespmem:$0x1F950]  }
0x2a1: {  	v2 =	vadd.f32 v57, v2;
	v3 =	vadd.f32 v25, v3;
	v57 =	vld [tilespmem:$0x1F960]  }
0x2a2: {  	v0 =	vadd.f32 v58, v0;
	v58 =	vld [tilespmem:$0x1F970]  }
0x2a3: {  	v3 =	vadd.f32 v59, v3;
	v59 =	vld [tilespmem:$0x1F980]  }
0x2a4: {  	v2 =	vadd.f32 v60, v2;
	v60 =	vld [tilespmem:$0x1F990]  }
0x2a5: {  	v0 =	vadd.f32 v61, v0;
	v4 =	vadd.f32 v10, v4;
	v61 =	vld [tilespmem:$0x1F9A0]  }
0x2a6: {  	v3 =	vadd.f32 v62, v3;
	v62 =	vld [tilespmem:$0x1F9B0]  }
0x2a7: {  	v4 =	vadd.f32 v63, v4;
	v63 =	vld [tilespmem:$0x1F9C0]  }
0x2a8: {  	v9 =	vld [tilespmem:$0x1F9D0]  }
0x2a9: {  	v10 =	vld [tilespmem:$0x1F9E0]  }
0x2aa: {  	v11 =	vld [tilespmem:$0x1F9F0]  }
0x2ab: {  	v12 =	vld [tilespmem:$0x1FA00]  }
0x2ac: {  	v14 =	vld [tilespmem:$0x1FA10]  }
0x2ad: {  	v15 =	vld [tilespmem:$0x1FA20]  }
0x2ae: {  	(v2sf) =	vpush v1, $0x1;
	v17 =	vld [tilespmem:$0x1FA30]  }
0x2af: {  	v18 =	vld [tilespmem:$0x1FA40]  }
0x2b0: {  	v21 =	vld [tilespmem:$0x1FA50]  }
0x2b1: {  	v22 =	vld [tilespmem:$0x1FA60]  }
0x2b2: {  	v23 =	vld [tilespmem:$0x1FA70]  }
0x2b3: {  	v24 =	vld [tilespmem:$0x1FA80]  }
0x2b4: {  	v25 =	vld [tilespmem:$0x1FA90]  }
0x2b5: {  	v0 =	vadd.f32 v56, v0;
	v4 =	vadd.f32 v60, v4;
	v56 =	vld [tilespmem:$0x1FAA0]  }
0x2b6: {  	v2 =	vadd.f32 v57, v2;
	v57 =	vld [tilespmem:$0x1FAB0]  }
0x2b7: {  	s4 =	sand.u32 $0x7F, s4;
	v3 =	vadd.f32 v58, v3;
	v58 =	vld [tilespmem:$0x1FAC0];
	v4 =	vadd.f32 v9, v4  }
0x2b8: {  	v13 =	vor.u32 s4, v5;
	v60 =	vld [tilespmem:$0x1FAE0];
	v0 =	vadd.f32 v59, v0;
	v2 =	vadd.f32 v61, v2  }
0x2b9: {  	v16 =	vor.u32 s4, v6;
	v3 =	vadd.f32 v62, v3;
	v59 =	vld [tilespmem:$0x1FAD0];
	v4 =	vadd.f32 v14, v4  }
0x2ba: {  	v19 =	vor.u32 s4, v7;
	v61 =	vld [tilespmem:$0x1FAF0];
	v0 =	vadd.f32 v63, v0;
	v2 =	vadd.f32 v10, v2  }
0x2bb: {  	v8 =	vor.u32 s4, v54;
	[sflag:s22] =	ssyncset.done $0x0;
	s22 =	simm.s32 $0xA;
	v62 =	vld [tilespmem:$0x1FB00];
	v3 =	vadd.f32 v11, v3;
	v4 =	vadd.f32 v21, v4  }
0x2bc: {  	[sflag:s22] =	ssyncadd.s32 $0xFFFFE000;
	v10 =	vld [tilespmem:$0x1FB10];
	v0 =	vadd.f32 v12, v0;
	v2 =	vadd.f32 v15, v2  }
0x2bd: {  	v3 =	vadd.f32 v17, v3;
	v4 =	vadd.f32 v25, v4;
	v25 =	vld.idx.msk [tilespmem:v13+s19+$0x0], $0xffff;
	s4 =	spop (v2sf)  }
0x2be: {  	v0 =	vadd.f32 v18, v0;
	v2 =	vadd.f32 v22, v2;
	v22 =	vld.idx.msk [tilespmem:v16+s19+$0x0], $0xffff;
	s22 =	sand.u32 $0xFFFFF80, s4  }
0x2bf: {  	v3 =	vadd.f32 v23, v3;
	v23 =	vld.idx.msk [tilespmem:v19+s19+$0x0], $0xffff;
	s22 =	sadd.s32 s3, s22  }
0x2c0: {  	v0 =	vadd.f32 v24, v0;
	v24 =	vld.idx.msk [tilespmem:v8+s19+$0x0], $0xffff;
	[tilespmem:s19], [sflag:$0xA] =	stream.strided.gather [hbm4b:s22+s8], $0x2000, s9, s8, $0x38  }
0x2c1: {  	v11 =	vld [tilespmem:$0x1FB20];
	_ =	swait.ge [sflag:s28], $0x2000  }
0x2c2: {  	v13 =	vld [tilespmem:$0x1FB30]  }
0x2c3: {  	v14 =	vld [tilespmem:$0x1FB40]  }
0x2c4: {  	v17 =	vld [tilespmem:$0x1FB50]  }
0x2c5: {  	v18 =	vld [tilespmem:$0x1FB60]  }
0x2c6: {  	v19 =	vld [tilespmem:$0x1FB70]  }
0x2c7: {  	v20 =	vld [tilespmem:$0x1FB80]  }
0x2c8: {  	v21 =	vld [tilespmem:$0x1FB90]  }
0x2c9: {  	v2 =	vadd.f32 v56, v2;
	v56 =	vld [tilespmem:$0x1FBA0]  }
0x2ca: {  	s21 =	sand.u32 $0x7F, s21;
	v3 =	vadd.f32 v57, v3;
	v57 =	vld [tilespmem:$0x1FBB0]  }
0x2cb: {  	v12 =	vor.u32 s21, v6;
	v0 =	vadd.f32 v58, v0;
	v58 =	vld [tilespmem:$0x1FBC0]  }
0x2cc: {  	v4 =	vadd.f32 v59, v4;
	v8 =	vor.u32 s21, v54;
	v2 =	vadd.f32 v60, v2;
	v59 =	vld [tilespmem:$0x1FBD0]  }
0x2cd: {  	v63 =	vor.u32 s21, v5;
	v3 =	vadd.f32 v61, v3;
	v0 =	vadd.f32 v62, v0;
	v60 =	vld [tilespmem:$0x1FBE0]  }
0x2ce: {  	v15 =	vor.u32 s21, v7;
	v4 =	vadd.f32 v10, v4;
	v2 =	vadd.f32 v11, v2;
	[sflag:s28] =	ssyncset.done $0x0;
	v61 =	vld [tilespmem:$0x1FBF0]  }
0x2cf: {  	v62 =	vld [tilespmem:$0x1FC00];
	[sflag:s28] =	ssyncadd.s32 $0xFFFFE000;
	v0 =	vadd.f32 v14, v0  }
0x2d0: {  	s20 =	sand.u32 $0x7F, s20;
	v4 =	vadd.f32 v17, v4;
	v2 =	vadd.f32 v18, v2;
	v18 =	vld.idx.msk [tilespmem:v12+s10+$0x0], $0xffff  }
0x2d1: {  	v3 =	vadd.f32 v13, v3;
	v0 =	vadd.f32 v20, v0;
	v20 =	vld.idx.msk [tilespmem:v8+s10+$0x0], $0xffff;
	v8 =	vor.u32 s20, v54  }
0x2d2: {  	v4 =	vadd.f32 v21, v4;
	v21 =	vld.idx.msk [tilespmem:v63+s10+$0x0], $0xffff  }
0x2d3: {  	v3 =	vadd.f32 v19, v3;
	v19 =	vld.idx.msk [tilespmem:v15+s10+$0x0], $0xffff;
	_ =	swait.ge [sflag:s29], $0x2000  }
0x2d4: {  	[sflag:s29] =	ssyncset.done $0x0  }
0x2d5: {  	v4 =	vadd.f32 v59, v4;
	v59 =	vld [tilespmem:$0x1FC30];
	[sflag:s29] =	ssyncadd.s32 $0xFFFFE000  }
0x2d6: {  	v3 =	vadd.f32 v57, v3;
	v16 =	vld.idx.msk [tilespmem:v8+s11+$0x0], $0xffff  }
0x2d7: {  	v8 =	vld [tilespmem:$0x1FC70]  }
0x2d8: {  	v2 =	vadd.f32 v56, v2;
	v3 =	vadd.f32 v61, v3;
	_ =	sdelay $0x1  }
0x2d9: {  	v2 =	vadd.f32 v60, v2;
	v60 =	vld [tilespmem:$0x1FC40];
	v3 =	vadd.f32 v59, v3  }
0x2da: {  	v56 =	vld [tilespmem:$0x1FC10];
	v0 =	vadd.f32 v58, v0  }
0x2db: {  	v3 =	vadd.f32 v8, v3;
	v8 =	vld [tilespmem:$0x1FC80]  }
0x2dc: {  	v9 =	vor.u32 s20, v5;
	v12 =	vld [tilespmem:$0x1FCC0];
	v0 =	vadd.f32 v62, v0  }
0x2dd: {  	v13 =	vld [tilespmem:$0x1FCD0]  }
0x2de: {  	v63 =	vor.u32 s20, v6;
	v61 =	vld [tilespmem:$0x1FC50];
	v0 =	vadd.f32 v60, v0  }
0x2df: {  	v57 =	vld [tilespmem:$0x1FC20]  }
0x2e0: {  	v0 =	vadd.f32 v8, v0;
	v8 =	vld [tilespmem:$0x1FC90]  }
0x2e1: {  	v14 =	vld.idx.msk [tilespmem:v9+s11+$0x0], $0xffff;
	v4 =	vadd.f32 v56, v4  }
0x2e2: {  	v58 =	vor.u32 s20, v7;
	v62 =	vld [tilespmem:$0x1FC60]  }
0x2e3: {  	v17 =	vld.idx.msk [tilespmem:v63+s11+$0x0], $0xffff;
	v4 =	vadd.f32 v61, v4  }
0x2e4: {  	v63 =	vld [tilespmem:$0x1FCB0]  }
0x2e5: {  	v4 =	vadd.f32 v8, v4;
	v8 =	vld [tilespmem:$0x1FCA0]  }
0x2e6: {  	v56 =	vld [tilespmem:$0x1FCE0];
	v2 =	vadd.f32 v57, v2  }
0x2e7: {  	v15 =	vld.idx.msk [tilespmem:v58+s11+$0x0], $0xffff;
	_ =	swait.ge [sflag:s30], $0x2000  }
0x2e8: {  	v2 =	vadd.f32 v62, v2;
	v58 =	vld [tilespmem:$0x1FD00]  }
0x2e9: {  	s6 =	sand.u32 $0x7F, s6  }
0x2ea: {  	v4 =	vadd.f32 v13, v4;
	v13 =	vld [tilespmem:$0x1FD40];
	v2 =	vadd.f32 v8, v2;
	v8 =	vor.u32 s6, v54  }
0x2eb: {  	v0 =	vadd.f32 v12, v0;
	_ =	sdelay $0x1  }
0x2ec: {  	v57 =	vld [tilespmem:$0x1FCF0];
	[sflag:s30] =	ssyncset.done $0x0;
	v0 =	vadd.f32 v58, v0  }
0x2ed: {  	v60 =	vld [tilespmem:$0x1FD10];
	[sflag:s30] =	ssyncadd.s32 $0xFFFFE000  }
0x2ee: {  	v0 =	vadd.f32 v13, v0;
	v13 =	vld.idx.msk [tilespmem:v8+s12+$0x0], $0xffff  }
0x2ef: {  	v8 =	vld [tilespmem:$0x1FD50];
	_ =	sdelay $0x1  }
0x2f0: {  	v12 =	vld [tilespmem:$0x1FD30]  }
0x2f1: {  	v1 =	vor.u32 s6, v5;
	v3 =	vadd.f32 v63, v3;
	v61 =	vld [tilespmem:$0x1FD20];
	v4 =	vadd.f32 v60, v4  }
0x2f2: {  	v2 =	vadd.f32 v56, v2;
	v56 =	vld [tilespmem:$0x1FD70]  }
0x2f3: {  	v3 =	vadd.f32 v57, v3;
	v4 =	vadd.f32 v8, v4;
	v8 =	vld [tilespmem:$0x1FD60];
	_ =	sdelay $0x1  }
0x2f4: {  	v3 =	vadd.f32 v12, v3  }
0x2f5: {  	v12 =	vld.idx.msk [tilespmem:v1+s12+$0x0], $0xffff;
	v2 =	vadd.f32 v61, v2  }
0x2f6: {  	v1 =	vadd.f32 v56, v3;
	v3 =	vld [tilespmem:$0x1FD80]  }
0x2f7: {  	v2 =	vadd.f32 v8, v2;
	v8 =	vld [tilespmem:$0x1FDB0];
	_ =	sdelay $0x1  }
0x2f8: {  	v62 =	vor.u32 s6, v6  }
0x2f9: {  	v59 =	vor.u32 s6, v7  }
0x2fa: {  	v0 =	vadd.f32 v3, v0;
	v3 =	vld [tilespmem:$0x1FD90]  }
0x2fb: {  	v1 =	vadd.f32 v8, v1;
	v8 =	vld [tilespmem:$0x1FDC0];
	_ =	sdelay $0x1  }
0x2fc: {  	v11 =	vld.idx.msk [tilespmem:v62+s12+$0x0], $0xffff  }
0x2fd: {  	s21 =	simm.s32 $0x4;
	v63 =	vld.idx.msk [tilespmem:v59+s12+$0x0], $0xffff  }
0x2fe: {  	v4 =	vadd.f32 v3, v4;
	v3 =	vld [tilespmem:$0x1FDA0];
	_ =	swait.ge [sflag:s21], $0x2000  }
0x2ff: {  	v0 =	vadd.f32 v8, v0;
	v8 =	vld [tilespmem:$0x1FDD0];
	_ =	sdelay $0x4  }
0x300: {  	v4 =	vadd.f32 v8, v4;
	v8 =	vld [tilespmem:$0x1FDE0];
	_ =	sdelay $0x2  }
0x301: {  	v2 =	vadd.f32 v3, v2;
	_ =	sdelay $0x1  }
0x302: {  	v2 =	vadd.f32 v8, v2;
	v8 =	vld [tilespmem:$0x1FDF0];
	_ =	sdelay $0x4  }
0x303: {  	v1 =	vadd.f32 v8, v1;
	v8 =	vld [tilespmem:$0x1FE00];
	_ =	sdelay $0x4  }
0x304: {  	v0 =	vadd.f32 v8, v0;
	v8 =	vld [tilespmem:$0x1FE10];
	_ =	sdelay $0x4  }
0x305: {  	v4 =	vadd.f32 v8, v4;
	v8 =	vld [tilespmem:$0x1FE20];
	_ =	sdelay $0x4  }
0x306: {  	v2 =	vadd.f32 v8, v2;
	v8 =	vld [tilespmem:$0x1FE30];
	_ =	sdelay $0x4  }
0x307: {  	v1 =	vadd.f32 v8, v1;
	v8 =	vld [tilespmem:$0x1FE40];
	_ =	sdelay $0x4  }
0x308: {  	v0 =	vadd.f32 v8, v0;
	v8 =	vld [tilespmem:$0x1FE70]  }
0x309: {  	s20 =	sand.u32 $0x7F, s7  }
0x30a: {  	v3 =	vor.u32 s20, v5;
	_ =	sdelay $0x2  }
0x30b: {  	s22 =	simm.s32 $0x4;
	[sflag:s21] =	ssyncset.done $0x0;
	v1 =	vadd.f32 v8, v1;
	v8 =	vld [tilespmem:$0x1FE80]  }
0x30c: {  	[sflag:s22] =	ssyncadd.s32 $0xFFFFE000  }
0x30d: {  	v10 =	vld.idx.msk [tilespmem:v3+s13+$0x0], $0xffff  }
0x30e: {  	v3 =	vld [tilespmem:$0x1FE50];
	_ =	sdelay $0x1  }
0x30f: {  	v0 =	vadd.f32 v8, v0;
	v8 =	vld [tilespmem:$0x1FE90];
	_ =	sdelay $0x1  }
0x310: {  	v57 =	vor.u32 s20, v54  }
0x311: {  	v58 =	vor.u32 s20, v6;
	v4 =	vadd.f32 v3, v4;
	v3 =	vld [tilespmem:$0x1FE60]  }
0x312: {  	v59 =	vor.u32 s20, v7  }
0x313: {  	v4 =	vadd.f32 v8, v4;
	v8 =	vld [tilespmem:$0x1FEA0];
	_ =	sdelay $0x1  }
0x314: {  	v62 =	vld.idx.msk [tilespmem:v57+s13+$0x0], $0xffff  }
0x315: {  	s20 =	simm.s32 $0x5;
	v61 =	vld.idx.msk [tilespmem:v58+s13+$0x0], $0xffff;
	v2 =	vadd.f32 v3, v2  }
0x316: {  	v60 =	vld.idx.msk [tilespmem:v59+s13+$0x0], $0xffff;
	_ =	swait.ge [sflag:s20], $0x2000  }
0x317: {  	v2 =	vadd.f32 v8, v2;
	v8 =	vld [tilespmem:$0x1FEB0];
	_ =	sdelay $0x4  }
0x318: {  	v1 =	vadd.f32 v8, v1;
	v8 =	vld [tilespmem:$0x1FEC0];
	_ =	sdelay $0x4  }
0x319: {  	v0 =	vadd.f32 v8, v0;
	v8 =	vld [tilespmem:$0x1FED0];
	_ =	sdelay $0x1  }
0x31a: {  	s0 =	sand.u32 $0x7F, s0  }
0x31b: {  	v3 =	vor.u32 s0, v54;
	_ =	sdelay $0x1  }
0x31c: {  	v4 =	vadd.f32 v8, v4;
	v8 =	vld [tilespmem:$0x1FEE0]  }
0x31d: {  	s21 =	simm.s32 $0x5;
	[sflag:s20] =	ssyncset.done $0x0  }
0x31e: {  	[sflag:s21] =	ssyncadd.s32 $0xFFFFE000  }
0x31f: {  	v9 =	vld.idx.msk [tilespmem:v3+s14+$0x0], $0xffff  }
0x320: {  	v3 =	vld [tilespmem:$0x1FF10]  }
0x321: {  	v2 =	vadd.f32 v8, v2;
	v8 =	vld [tilespmem:$0x1FEF0];
	_ =	sdelay $0x3  }
0x322: {  	v4 =	vadd.f32 v3, v4;
	v3 =	vld [tilespmem:$0x1FF20]  }
0x323: {  	v1 =	vadd.f32 v8, v1;
	v8 =	vld [tilespmem:$0x1FF00]  }
0x324: {  	v59 =	vor.u32 s0, v5  }
0x325: {  	v58 =	vor.u32 s0, v6  }
0x326: {  	v57 =	vor.u32 s0, v7  }
0x327: {  	v2 =	vadd.f32 v3, v2;
	v3 =	vld [tilespmem:$0x1FF30]  }
0x328: {  	v0 =	vadd.f32 v8, v0;
	v8 =	vld [tilespmem:$0x1FF50]  }
0x329: {  	v59 =	vld.idx.msk [tilespmem:v59+s14+$0x0], $0xffff  }
0x32a: {  	v58 =	vld.idx.msk [tilespmem:v58+s14+$0x0], $0xffff  }
0x32b: {  	v57 =	vld.idx.msk [tilespmem:v57+s14+$0x0], $0xffff  }
0x32c: {  	s23 =	simm.s32 $0x6;
	v1 =	vadd.f32 v3, v1;
	v3 =	vld [tilespmem:$0x1FF40]  }
0x32d: {  	v4 =	vadd.f32 v8, v4;
	v8 =	vld [tilespmem:$0x1FF60];
	_ =	swait.ge [sflag:s23], $0x2000  }
0x32e: {  	v1 =	vadd.f32 v55, v1;
	v55 =	vld [tilespmem:$0x1FF70];
	_ =	sdelay $0x4  }
0x32f: {  	v4 =	vadd.f32 v55, v4;
	v55 =	vld [tilespmem:$0x1FF80];
	_ =	sdelay $0x2  }
0x330: {  	v2 =	vadd.f32 v8, v2;
	_ =	sdelay $0x1  }
0x331: {  	v2 =	vadd.f32 v55, v2;
	v55 =	vld [tilespmem:$0x1FF90];
	_ =	sdelay $0x2  }
0x332: {  	v0 =	vadd.f32 v3, v0;
	_ =	sdelay $0x1  }
0x333: {  	v0 =	vadd.f32 v53, v0;
	v1 =	vadd.f32 v55, v1;
	v55 =	vld [tilespmem:$0x1FFA0];
	_ =	sdelay $0x1  }
0x334: {  	v0 =	vadd.f32 v50, v0;
	v1 =	vadd.f32 v52, v1;
	v52 =	vld [tilespmem:$0x1FFB0]  }
0x335: {  	s22 =	sand.u32 $0x7F, s5  }
0x336: {  	v3 =	vor.u32 s22, v54;
	v0 =	vadd.f32 v46, v0;
	v2 =	vadd.f32 v51, v2  }
0x337: {  	v56 =	vor.u32 s22, v5;
	v4 =	vadd.f32 v55, v4  }
0x338: {  	v8 =	vor.u32 s22, v7;
	v0 =	vadd.f32 v42, v0;
	v2 =	vadd.f32 v47, v2  }
0x339: {  	v53 =	vor.u32 s22, v6;
	[sflag:s23] =	ssyncset.done $0x0;
	v1 =	vadd.f32 v48, v1;
	v4 =	vadd.f32 v52, v4  }
0x33a: {  	[sflag:s23] =	ssyncadd.s32 $0xFFFFE000;
	v0 =	vadd.f32 v38, v0;
	v2 =	vadd.f32 v43, v2  }
0x33b: {  	s31 =	sand.u32 $0x7F, s31;
	v3 =	vld.idx.msk [tilespmem:v3+s15+$0x0], $0xffff;
	v1 =	vadd.f32 v44, v1;
	v4 =	vadd.f32 v49, v4  }
0x33c: {  	v46 =	vld.idx.msk [tilespmem:v56+s15+$0x0], $0xffff;
	v56 =	vor.u32 s31, v5;
	v0 =	vadd.f32 v34, v0;
	v2 =	vadd.f32 v39, v2  }
0x33d: {  	s24 =	simm.s32 $0x7;
	v8 =	vld.idx.msk [tilespmem:v8+s15+$0x0], $0xffff;
	v55 =	vor.u32 s31, v54;
	v1 =	vadd.f32 v40, v1;
	v4 =	vadd.f32 v45, v4  }
0x33e: {  	v0 =	vadd.f32 v30, v0;
	v47 =	vld.idx.msk [tilespmem:v53+s15+$0x0], $0xffff;
	v53 =	vor.u32 s31, v7;
	_ =	swait.ge [sflag:s24], $0x2000;
	v2 =	vadd.f32 v35, v2  }
0x33f: {  	[sflag:s24] =	ssyncset.done $0x0;
	v52 =	vor.u32 s31, v6;
	v1 =	vadd.f32 v36, v1;
	v4 =	vadd.f32 v41, v4  }
0x340: {  	v0 =	vadd.f32 v26, v0;
	[sflag:s24] =	ssyncadd.s32 $0xFFFFE000;
	v2 =	vadd.f32 v31, v2  }
0x341: {  	s5 =	sand.u32 $0x7F, s2;
	v35 =	vld.idx.msk [tilespmem:v56+s16+$0x0], $0xffff;
	v1 =	vadd.f32 v32, v1;
	v4 =	vadd.f32 v37, v4  }
0x342: {  	v0 =	vadd.f32 v24, v0;
	v2 =	vadd.f32 v28, v2;
	v34 =	vld.idx.msk [tilespmem:v55+s16+$0x0], $0xffff;
	v55 =	vor.u32 s5, v54  }
0x343: {  	s25 =	simm.s32 $0x8;
	v56 =	vor.u32 s5, v5;
	v31 =	vld.idx.msk [tilespmem:v53+s16+$0x0], $0xffff;
	v1 =	vadd.f32 v27, v1;
	v4 =	vadd.f32 v33, v4  }
0x344: {  	v0 =	vadd.f32 v20, v0;
	v39 =	vor.u32 s5, v6;
	v2 =	vadd.f32 v25, v2;
	v30 =	vld.idx.msk [tilespmem:v52+s16+$0x0], $0xffff;
	_ =	swait.ge [sflag:s25], $0x2000  }
0x345: {  	v40 =	vor.u32 s5, v7;
	[sflag:s25] =	ssyncset.done $0x0;
	v1 =	vadd.f32 v22, v1;
	v4 =	vadd.f32 v29, v4  }
0x346: {  	v0 =	vadd.f32 v16, v0;
	v2 =	vadd.f32 v21, v2;
	[sflag:s25] =	ssyncadd.s32 $0xFFFFE000  }
0x347: {  	s6 =	sand.u32 $0x7F, s1;
	v41 =	vld.idx.msk [tilespmem:v55+s17+$0x0], $0xffff;
	v1 =	vadd.f32 v18, v1;
	v4 =	vadd.f32 v23, v4  }
0x348: {  	v0 =	vadd.f32 v13, v0;
	v44 =	vor.u32 s6, v54;
	v42 =	vld.idx.msk [tilespmem:v56+s17+$0x0], $0xffff;
	v2 =	vadd.f32 v14, v2  }
0x349: {  	s26 =	simm.s32 $0x9;
	v48 =	vor.u32 s6, v5;
	v43 =	vld.idx.msk [tilespmem:v39+s17+$0x0], $0xffff;
	v1 =	vadd.f32 v17, v1;
	v4 =	vadd.f32 v19, v4  }
0x34a: {  	v0 =	vadd.f32 v62, v0;
	v49 =	vor.u32 s6, v6;
	v45 =	vld.idx.msk [tilespmem:v40+s17+$0x0], $0xffff;
	_ =	swait.ge [sflag:s26], $0x2000;
	v2 =	vadd.f32 v12, v2  }
0x34b: {  	v50 =	vor.u32 s6, v7;
	[sflag:s26] =	ssyncset.done $0x0;
	v1 =	vadd.f32 v11, v1;
	v4 =	vadd.f32 v15, v4  }
0x34c: {  	v0 =	vadd.f32 v9, v0;
	[sflag:s26] =	ssyncadd.s32 $0xFFFFE000;
	v2 =	vadd.f32 v10, v2  }
0x34d: {  	s7 =	sand.u32 $0x7F, s4;
	v51 =	vld.idx.msk [tilespmem:v44+s18+$0x0], $0xffff;
	v1 =	vadd.f32 v61, v1;
	v4 =	vadd.f32 v63, v4  }
0x34e: {  	v0 =	vadd.f32 v3, v0;
	v52 =	vld.idx.msk [tilespmem:v48+s18+$0x0], $0xffff;
	v2 =	vadd.f32 v59, v2;
	v59 =	vor.u32 s7, v5  }
0x34f: {  	s20 =	simm.s32 $0xA;
	v3 =	vor.u32 s7, v6;
	v53 =	vld.idx.msk [tilespmem:v49+s18+$0x0], $0xffff;
	v1 =	vadd.f32 v58, v1;
	v4 =	vadd.f32 v60, v4  }
0x350: {  	v55 =	vor.u32 s7, v54;
	v56 =	vld.idx.msk [tilespmem:v50+s18+$0x0], $0xffff;
	_ =	swait.ge [sflag:s20], $0x2000;
	v2 =	vadd.f32 v46, v2  }
0x351: {  	s21 =	simm.s32 $0xA;
	[sflag:s20] =	ssyncset.done $0x0;
	v1 =	vadd.f32 v47, v1;
	v60 =	vor.u32 s7, v7;
	v4 =	vadd.f32 v57, v4  }
0x352: {  	[sflag:s21] =	ssyncadd.s32 $0xFFFFE000;
	v2 =	vadd.f32 v35, v2  }
0x353: {  	v61 =	vld.idx.msk [tilespmem:v59+s19+$0x0], $0xffff;
	v1 =	vadd.f32 v30, v1;
	v4 =	vadd.f32 v8, v4  }
0x354: {  	v0 =	vadd.f32 v34, v0;
	v3 =	vld.idx.msk [tilespmem:v3+s19+$0x0], $0xffff;
	v2 =	vadd.f32 v42, v2  }
0x355: {  	v1 =	vadd.f32 v43, v1;
	v8 =	vld.idx.msk [tilespmem:v55+s19+$0x0], $0xffff;
	v4 =	vadd.f32 v31, v4  }
0x356: {  	v0 =	vadd.f32 v41, v0;
	v2 =	vadd.f32 v52, v2;
	v62 =	vld.idx.msk [tilespmem:v60+s19+$0x0], $0xffff  }
0x357: {  	v1 =	vadd.f32 v53, v1;
	v4 =	vadd.f32 v45, v4  }
0x358: {  	v0 =	vadd.f32 v51, v0;
	v2 =	vadd.f32 v61, v2  }
0x359: {  	v1 =	vadd.f32 v3, v1;
	v4 =	vadd.f32 v56, v4  }
0x35a: {  	[tilespmem:$0x14110] =	vst v2;
	v0 =	vadd.f32 v8, v0  }
0x35b: {  	[tilespmem:$0x14120] =	vst v1;
	v63 =	vadd.f32 v62, v4  }
0x35c: {  	s23 =	simm.s32 $0x14100;
	[tilespmem:$0x14100] =	vst v0  }
0x35d: {  	s24 =	simm.s32 $0x0;
	s25 =	simm.s32 $0xB;
	s22 =	rddreg [dreg:$0xb];
	[tilespmem:$0x14130] =	vst v63  }
0x35e: {  	[hbm4b:s22+s24] =	stream.linear.scatter [tilespmem:s23], [sflag:$0xB], $0x80, $0x38;
	[tilespmem:$0x14180] =	vst v63  }
0x35f: {  	_ =	swait.ge [sflag:s25], $0x80  }
0x360: {  	s26 =	rddreg [dreg:$0xc]  }
0x361: {  	s0 =	sadd.s32 $0xFFFFFFFF, s26  }
0x362: {  	p0 =	sne.s32 s0, $0x0  }
.Ltmp1:
0x363: {  	_ = 	snop;
	(pc) =	sbr.rel @p0 .LBB2_2-.Ltmp1, $3  }
0x364: {  	_ =	sdelay $0x1  }
0x365: {  	s31 =	simm.s32 $0xB;
	[sflag:s25] =	ssyncset.done $0x0  }
0x366: {  	[sflag:s31] =	ssyncadd.s32 $0xFFFFFF80  }
.LBB2_3:
0x367: {  	_ =	sfence.sel $0x180000  }
0x368: {  	[bflag:$0x0] =	sbarrier.arrive $0xFFFF  }
0x369: {  	_ =	strace $0x90000047  }
0x36a: {  	s0 =	stileid.u32;
	[bflag:$0x2] =	sbarrier.arrive $0xFFFF  }
0x36b: {  	p0 =	sne.s32 s0, $0x0;
	s0 =	rddreg [dreg:$0x9]  }
0x36c: {  	s0 =	sadd.s32 @!p0 $0x100000, s0  }
0x36d: {  	[sflag:s0] =	ssyncadd.tile.s32 @!p0 $0x1;
	_ =	shalt  }
.Lfunc_end2:
_tile_overlayer_lowered:
.L_overlay_start_2:
0x36e: {  	(tag) =	ssettag $0x2  }
0x36f: {  	s0 =	rddreg [dreg:$0x0];
	s2 =	stileid.u32  }
0x370: {  	s1 =	rddreg [dreg:$0x1];
	p0 =	sne.s32 s2, $0x0  }
0x371: {  	s3 =	rddreg [dreg:$0x2];
	[bflag:$0x3] =	sbarrier.arrive $0xFFFF;
	s2 =	simm.s32 @!p0 $0x1C0B  }
0x372: {  	[timem:s3], [sflag:s2] =	dma.local @!p0 [hbm:s0], s1  }
0x373: {  	s0 =	simm.s32 @!p0 $0xB  }
0x374: {  	_ =	swait.ge @!p0 [sflag:s0], s1  }
0x375: {  	s1 =	ssub.s32 @!p0 $0x0, s1;
	[sflag:s0] =	ssyncset.done @!p0 $0x0  }
0x376: {  	[sflag:s0] =	ssyncadd.s32 @!p0 s1  }
0x377: {  	[bflag:$0x3] =	sbarrier.arrive $0xFFFF  }
0x378: {  	_ =	shalt  }

</sc_bundles>
